<compile_context>
chip_gen: v7x
topology: tpu7x:2x2x1
jax: 0.10.2.dev20260603
libtpu: 0.0.44.dev20260713+nightly
codegen_flags: <defaults>
</compile_context>

<pallas_src>
import dataclasses
import functools

import jax
import jax.numpy as jnp
from jax import lax
from jax.experimental import pallas as pl
from jax.experimental.pallas import tpu as pltpu
from jax.experimental.pallas import tpu_sc as plsc

N = 320000
D = 128
S = 10000
NW = 32
Q = N // NW
C = 256
NCHUNK = N // C
NV = D // 16
NRING = 8

NEG_INF = float("-inf")


def _body(x_hbm, b_hbm, o_hbm, xbuf0, xbuf1, idbuf0, idbuf1, bpos, accbuf,
          ringbuf, negbuf, prevbuf, sem0, sem1, ringsem):
    wid = lax.axis_index("s") * 2 + lax.axis_index("c")
    r0 = wid * Q
    r_hi = r0 + Q
    neg_vec = jnp.full((16,), NEG_INF, jnp.float32)

    for j in range(NV):
        negbuf[pl.ds(j * 16, 16)] = neg_vec

    @pl.when(wid > 0)
    def _():
        pltpu.sync_copy(b_hbm.at[pl.ds(r0 - 16, 16)], prevbuf)

    @pl.when(wid == 0)
    def _():
        prevbuf[...] = jnp.full((16,), -1, jnp.int32)

    prev = prevbuf[...][15]

    def write_empty(s2, carry):
        pltpu.sync_copy(negbuf, o_hbm.at[s2])
        return carry

    def flush(cur, fc, acc):
        slot = fc & (NRING - 1)
        for j in range(NV):
            ringbuf[slot, pl.ds(j * 16, 16)] = acc[j]
        pltpu.async_copy(ringbuf.at[slot], o_hbm.at[cur], ringsem)

        @pl.when(slot == NRING - 1)
        def _():
            for _ in range(NRING):
                pltpu.make_async_copy(negbuf, o_hbm.at[0], ringsem).wait()

    def start_dmas(chunk, xbuf, idbuf, sem):
        pltpu.async_copy(x_hbm.at[pl.ds(chunk * C, C)], xbuf, sem)
        pltpu.async_copy(b_hbm.at[pl.ds(chunk * C, C)],
                         idbuf.at[pl.ds(16, C)], sem)

    def wait_dmas(xbuf, idbuf, sem):
        pltpu.make_async_copy(x_hbm.at[pl.ds(0, C)], xbuf, sem).wait()
        pltpu.make_async_copy(b_hbm.at[pl.ds(0, C)],
                              idbuf.at[pl.ds(16, C)], sem).wait()

    def process_chunk(xbuf, idbuf, chunk, st):
        cur, mode, fc, last_id, acc = st
        base = chunk * C
        rstart = jnp.maximum(r0 - base, 0)

        idbuf[pl.ds(0, 16)] = jnp.zeros((16,), jnp.int32) + last_id

        off = jnp.int32(0)
        for g in range(C // 16):
            idv = idbuf[pl.ds(16 + 16 * g, 16)]
            idp = idbuf[pl.ds(15 + 16 * g, 16)]
            riota = lax.iota(jnp.int32, 16) + (16 * g)
            m = (idv != idp) & (riota >= rstart)
            plsc.store_compressed(bpos.at[pl.ds(off, 16)], riota, mask=m)
            off = off + plsc.all_reduce_population_count(m)[0]
        nb = off

        def vmax_body(t, a):
            return tuple(
                jnp.maximum(a[j], xbuf[t, pl.ds(16 * j, 16)])
                for j in range(NV))

        def accumulate(lo, hi, a):
            return plsc.parallel_loop(lo, hi, carry=a, unroll=4)(vmax_body)

        def bloop(i, st2):
            pos, cur, mode, fc, acc = st2
            b = bpos[pl.ds(i, 16)][0]
            acc = accumulate(pos, b, acc)
            sid = idbuf[pl.ds(16 + b, 16)][0]
            in_range = (base + b) < r_hi
            is_acc = mode == 1
            not_done = mode != 2

            @pl.when(is_acc)
            def _():
                flush(cur, fc, acc)

            @pl.when(not_done & in_range)
            def _():
                pid = jnp.where(is_acc, cur, prev)
                lax.fori_loop(pid + 1, sid, write_empty, 0)

            started = not_done & in_range
            new_mode = jnp.where(not_done,
                                 jnp.where(in_range, jnp.int32(1),
                                           jnp.int32(2)),
                                 mode)
            new_cur = jnp.where(started, sid, cur)
            new_fc = fc + is_acc.astype(jnp.int32)
            acc = tuple(jnp.where(started, neg_vec, a) for a in acc)
            return b, new_cur, new_mode, new_fc, acc

        pos, cur, mode, fc, acc = lax.fori_loop(
            0, nb, bloop, (rstart, cur, mode, fc, acc))
        acc = accumulate(pos, C, acc)
        last_id = idbuf[pl.ds(C, 16)][15]
        return cur, mode, fc, last_id, acc

    def chunk_cond(carry):
        chunk = carry[0]
        mode = carry[2]
        return (mode != 2) & (chunk < NCHUNK)

    def chunk_body(carry):
        chunk, cur, mode, fc, last_id = carry[:5]
        acc = carry[5:]
        st = (cur, mode, fc, last_id, acc)
        wait_dmas(xbuf0, idbuf0, sem0)
        st = process_chunk(xbuf0, idbuf0, chunk, st)
        wait_dmas(xbuf1, idbuf1, sem1)
        st = process_chunk(xbuf1, idbuf1, chunk + 1, st)
        cur, mode, fc, last_id, acc = st

        @pl.when((mode != 2) & (chunk + 2 < NCHUNK))
        def _():
            start_dmas(chunk + 2, xbuf0, idbuf0, sem0)
            start_dmas(chunk + 3, xbuf1, idbuf1, sem1)

        return (chunk + 2, cur, mode, fc, last_id) + acc

    c0 = (r0 // C) & ~1
    start_dmas(c0, xbuf0, idbuf0, sem0)
    start_dmas(c0 + 1, xbuf1, idbuf1, sem1)
    acc0 = tuple(neg_vec for _ in range(NV))
    carry = (c0, jnp.int32(0), jnp.int32(0), jnp.int32(0), prev) + acc0
    carry = lax.while_loop(chunk_cond, chunk_body, carry)
    cur, mode, fc = carry[1], carry[2], carry[3]
    acc = carry[5:]

    @pl.when(mode == 1)
    def _():
        for j in range(NV):
            accbuf[pl.ds(j * 16, 16)] = acc[j]
        pltpu.sync_copy(accbuf, o_hbm.at[cur])
        lax.fori_loop(cur + 1, S, write_empty, 0)

    def drain(i, carry2):
        pltpu.make_async_copy(negbuf, o_hbm.at[0], ringsem).wait()
        return carry2

    lax.fori_loop(0, fc & (NRING - 1), drain, 0)


def kernel(x, batch):
    mesh = plsc.VectorSubcoreMesh(core_axis_name="c", subcore_axis_name="s")
    cp = pltpu.CompilerParams()
    if "needs_layout_passes" in pltpu.CompilerParams.__dataclass_fields__:
        cp = dataclasses.replace(cp, needs_layout_passes=False)
    f = pl.kernel(
        _body,
        compiler_params=cp,
        out_type=jax.ShapeDtypeStruct((S, D), jnp.float32),
        mesh=mesh,
        scratch_types=[
            pltpu.VMEM((C, D), jnp.float32),
            pltpu.VMEM((C, D), jnp.float32),
            pltpu.VMEM((C + 32,), jnp.int32),
            pltpu.VMEM((C + 32,), jnp.int32),
            pltpu.VMEM((C + 16,), jnp.int32),
            pltpu.VMEM((D,), jnp.float32),
            pltpu.VMEM((NRING, D), jnp.float32),
            pltpu.VMEM((D,), jnp.float32),
            pltpu.VMEM((16,), jnp.int32),
            pltpu.SemaphoreType.DMA,
            pltpu.SemaphoreType.DMA,
            pltpu.SemaphoreType.DMA,
        ],
    )
    return f(x, batch)

# --- scband reference (transcript-rebuilt; emitter-appended) ---
"""Pipeline reference for scband-max-aggr-45423574122643 (READ-ONLY COPY).

The authoritative reference and input builder live on the scoring server;
editing this copy changes nothing except your own understanding.
"""

import jax, jax.numpy as jnp
import numpy as np

N_SEGMENTS = 10000
N_ELEMS = 320000
D = 128

def setup_inputs(seed: int = 0) -> dict:
    key = jax.random.key(seed)
    k1, k2 = jax.random.split(key)
    x = jax.random.normal(k1, (N_ELEMS, D), dtype=jnp.float32)
    batch = jnp.sort(jax.random.randint(k2, (N_ELEMS,), 0, N_SEGMENTS, dtype=jnp.int32))
    return {"x": x, "batch": batch}

def reference(x, batch):
    # MaxAggr.forward with y=None: no linear applied, just MaxAggregation
    # (segment max over the `batch` index vector).
    out = jax.ops.segment_max(x, batch, num_segments=N_SEGMENTS)
    return out

if __name__ == "__main__":
    import jax
    _d = setup_inputs()
    print(jax.jit(kernel)(*tuple(_d.values())))

</pallas_src>

<mosaic_0001>
#map = affine_map<(d0, d1) -> (0, 0)>
#map1 = affine_map<(d0, d1) -> (0)>
module attributes {stable_mosaic.version = 14 : i64} {
  func.func @_body(%arg0: i32, %arg1: i32, %arg2: memref<320000x128xf32, #tpu.memory_space<hbm>>, %arg3: memref<320000xi32, #tpu.memory_space<hbm>>, %arg4: memref<10000x128xf32, #tpu.memory_space<hbm>>, %arg5: memref<256x128xf32, #tpu.memory_space<vmem>>, %arg6: memref<256x128xf32, #tpu.memory_space<vmem>>, %arg7: memref<288xi32, #tpu.memory_space<vmem>>, %arg8: memref<288xi32, #tpu.memory_space<vmem>>, %arg9: memref<272xi32, #tpu.memory_space<vmem>>, %arg10: memref<128xf32, #tpu.memory_space<vmem>>, %arg11: memref<8x128xf32, #tpu.memory_space<vmem>>, %arg12: memref<128xf32, #tpu.memory_space<vmem>>, %arg13: memref<16xi32, #tpu.memory_space<vmem>>, %arg14: memref<!tpu.dma_semaphore, #tpu.memory_space<semaphore_mem>>, %arg15: memref<!tpu.dma_semaphore, #tpu.memory_space<semaphore_mem>>, %arg16: memref<!tpu.dma_semaphore, #tpu.memory_space<semaphore_mem>>) attributes {dimension_semantics = [#tpu.dimension_semantics<core_parallel>, #tpu.dimension_semantics<subcore_parallel>], iteration_bounds = array<i64: 2, 16>, scalar_prefetch = 0 : i64, scratch_operands = 12 : i64, tpu.core_type = #tpu.core_type<sc_vector_subcore>, window_params = [{transform_indices = #map}, {transform_indices = #map1}, {transform_indices = #map}]} {
    %mul3A = arith.constant 2 : i32
    %mul3A_0 = arith.muli %arg1, %mul3A : i32
    %add3A = arith.addi %mul3A_0, %arg0 : i32
    %mul3A_1 = arith.constant 10000 : i32
    %mul3A_2 = arith.muli %add3A, %mul3A_1 : i32
    %add3A_3 = arith.constant 10000 : i32
    %add3A_4 = arith.addi %mul3A_2, %add3A_3 : i32
    %broadcast_in_dim3A = arith.constant 0xFF800000 : f32
    %broadcast_in_dim3A_5 = vector.broadcast %broadcast_in_dim3A : f32 to vector<16xf32>
    %swap3A = arith.constant 0 : index
    %swap3A_6 = tpu.vector_load %arg12[%swap3A] {strides = array<i32>} : memref<128xf32, #tpu.memory_space<vmem>>, vector<16xf32>,
    tpu.vector_store %arg12[%swap3A], %broadcast_in_dim3A_5 {strides = array<i32>} : memref<128xf32, #tpu.memory_space<vmem>>, vector<16xf32>,
    %swap3A_7 = arith.constant 16 : index
    %swap3A_8 = tpu.vector_load %arg12[%swap3A_7] {strides = array<i32>} : memref<128xf32, #tpu.memory_space<vmem>>, vector<16xf32>,
    tpu.vector_store %arg12[%swap3A_7], %broadcast_in_dim3A_5 {strides = array<i32>} : memref<128xf32, #tpu.memory_space<vmem>>, vector<16xf32>,
    %swap3A_9 = arith.constant 32 : index
    %swap3A_10 = tpu.vector_load %arg12[%swap3A_9] {strides = array<i32>} : memref<128xf32, #tpu.memory_space<vmem>>, vector<16xf32>,
    tpu.vector_store %arg12[%swap3A_9], %broadcast_in_dim3A_5 {strides = array<i32>} : memref<128xf32, #tpu.memory_space<vmem>>, vector<16xf32>,
    %swap3A_11 = arith.constant 48 : index
    %swap3A_12 = tpu.vector_load %arg12[%swap3A_11] {strides = array<i32>} : memref<128xf32, #tpu.memory_space<vmem>>, vector<16xf32>,
    tpu.vector_store %arg12[%swap3A_11], %broadcast_in_dim3A_5 {strides = array<i32>} : memref<128xf32, #tpu.memory_space<vmem>>, vector<16xf32>,
    %swap3A_13 = arith.constant 64 : index
    %swap3A_14 = tpu.vector_load %arg12[%swap3A_13] {strides = array<i32>} : memref<128xf32, #tpu.memory_space<vmem>>, vector<16xf32>,
    tpu.vector_store %arg12[%swap3A_13], %broadcast_in_dim3A_5 {strides = array<i32>} : memref<128xf32, #tpu.memory_space<vmem>>, vector<16xf32>,
    %swap3A_15 = arith.constant 80 : index
    %swap3A_16 = tpu.vector_load %arg12[%swap3A_15] {strides = array<i32>} : memref<128xf32, #tpu.memory_space<vmem>>, vector<16xf32>,
    tpu.vector_store %arg12[%swap3A_15], %broadcast_in_dim3A_5 {strides = array<i32>} : memref<128xf32, #tpu.memory_space<vmem>>, vector<16xf32>,
    %swap3A_17 = arith.constant 96 : index
    %swap3A_18 = tpu.vector_load %arg12[%swap3A_17] {strides = array<i32>} : memref<128xf32, #tpu.memory_space<vmem>>, vector<16xf32>,
    tpu.vector_store %arg12[%swap3A_17], %broadcast_in_dim3A_5 {strides = array<i32>} : memref<128xf32, #tpu.memory_space<vmem>>, vector<16xf32>,
    %swap3A_19 = arith.constant 112 : index
    %swap3A_20 = tpu.vector_load %arg12[%swap3A_19] {strides = array<i32>} : memref<128xf32, #tpu.memory_space<vmem>>, vector<16xf32>,
    tpu.vector_store %arg12[%swap3A_19], %broadcast_in_dim3A_5 {strides = array<i32>} : memref<128xf32, #tpu.memory_space<vmem>>, vector<16xf32>,
    %gt3A = arith.constant 0 : i32
    %gt3A_21 = arith.cmpi sgt, %add3A, %gt3A : i32
    %convert_element_type3A = arith.extui %gt3A_21 : i1 to i32
    %cond3A = arith.constant 0 : i32
    %cond3A_22 = arith.cmpi ne, %convert_element_type3A, %cond3A : i32
    scf.if %cond3A_22 {
      %sub3A_95 = arith.constant 16 : i32
      %sub3A_96 = arith.subi %mul3A_2, %sub3A_95 : i32
      "tpu.region"() ({
        %run_scoped3A = tpu.sem_alloc : memref<!tpu.dma_semaphore, #tpu.memory_space<semaphore_mem>>
        %dma_start3A_97 = tpu.memref_slice %arg3[%sub3A_96] : memref<320000xi32, #tpu.memory_space<hbm>> -> memref<16xi32, #tpu.memory_space<hbm>>
        %dma_start3A_98 = tpu.memref_slice %arg3[%sub3A_96] : memref<320000xi32, #tpu.memory_space<hbm>> -> memref<16xi32, #tpu.memory_space<hbm>>
        tpu.enqueue_dma source(%dma_start3A_98 : memref<16xi32, #tpu.memory_space<hbm>>) target(%arg13 : memref<16xi32, #tpu.memory_space<vmem>>) target_semaphore(%run_scoped3A : memref<!tpu.dma_semaphore, #tpu.memory_space<semaphore_mem>>)
        %dma_wait3A = tpu.memref_slice %arg3[%sub3A_96] : memref<320000xi32, #tpu.memory_space<hbm>> -> memref<16xi32, #tpu.memory_space<hbm>>
        %dma_wait3A_99 = tpu.memref_slice %arg3[%sub3A_96] : memref<320000xi32, #tpu.memory_space<hbm>> -> memref<16xi32, #tpu.memory_space<hbm>>
        tpu.wait_dma2 semaphore(%run_scoped3A : memref<!tpu.dma_semaphore, #tpu.memory_space<semaphore_mem>>) src(%dma_wait3A_99 : memref<16xi32, #tpu.memory_space<hbm>>) dst(%arg13 : memref<16xi32, #tpu.memory_space<vmem>>)
        tpu.yield
      }) : () -> ()
    } else {
    }
    %eq3A = arith.constant 0 : i32
    %eq3A_23 = arith.cmpi eq, %add3A, %eq3A : i32
    %convert_element_type3A_24 = arith.extui %eq3A_23 : i1 to i32
    %cond3A_25 = arith.constant 0 : i32
    %cond3A_26 = arith.cmpi ne, %convert_element_type3A_24, %cond3A_25 : i32
    scf.if %cond3A_26 {
      %broadcast_in_dim3A_95 = arith.constant -1 : i32
      %broadcast_in_dim3A_96 = vector.broadcast %broadcast_in_dim3A_95 : i32 to vector<16xi32>
      %swap3A_97 = arith.constant 0 : index
      %swap3A_98 = tpu.vector_load %arg13[%swap3A_97] {strides = array<i32>} : memref<16xi32, #tpu.memory_space<vmem>>, vector<16xi32>,
      tpu.vector_store %arg13[%swap3A_97], %broadcast_in_dim3A_96 {strides = array<i32>} : memref<16xi32, #tpu.memory_space<vmem>>, vector<16xi32>,
    } else {
    }
    %get3A = arith.constant 0 : index
    %get3A_27 = tpu.vector_load %arg13[%get3A] {strides = array<i32>} : memref<16xi32, #tpu.memory_space<vmem>>, vector<16xi32>,
    %slice3A = vector.extract_strided_slice %get3A_27 {offsets = [15], sizes = [1], strides = [1]} : vector<16xi32> to vector<1xi32>
    %squeeze3A = vector.extract %slice3A[0] : i32 from vector<1xi32>
    %jit3A = arith.constant 256 : i32
    %div3A = arith.divsi %mul3A_2, %jit3A : i32
    %sign3A = arith.constant 0 : i32
    %sign3A_28 = arith.cmpi sgt, %mul3A_2, %sign3A : i32
    %sign3A_29 = arith.extui %sign3A_28 : i1 to i32
    %sign3A_30 = arith.constant 0 : i32
    %sign3A_31 = arith.cmpi slt, %mul3A_2, %sign3A_30 : i32
    %sign3A_32 = arith.extui %sign3A_31 : i1 to i32
    %sign3A_33 = arith.subi %sign3A_29, %sign3A_32 : i32
    %sign3A_34 = arith.constant 0 : i32
    %sign3A_35 = arith.cmpi sgt, %jit3A, %sign3A_34 : i32
    %sign3A_36 = arith.extui %sign3A_35 : i1 to i32
    %sign3A_37 = arith.constant 0 : i32
    %sign3A_38 = arith.cmpi slt, %jit3A, %sign3A_37 : i32
    %sign3A_39 = arith.extui %sign3A_38 : i1 to i32
    %sign3A_40 = arith.subi %sign3A_36, %sign3A_39 : i32
    %ne3A = arith.cmpi ne, %sign3A_33, %sign3A_40 : i32
    %rem3A = arith.remsi %mul3A_2, %jit3A : i32
    %ne3A_41 = arith.constant 0 : i32
    %ne3A_42 = arith.cmpi ne, %rem3A, %ne3A_41 : i32
    %and3A = arith.andi %ne3A, %ne3A_42 : i1
    %sub3A = arith.constant 1 : i32
    %sub3A_43 = arith.subi %div3A, %sub3A : i32
    %select_n3A = arith.select %and3A, %sub3A_43, %div3A : i32
    %and3A_44 = arith.constant -2 : i32
    %and3A_45 = arith.andi %select_n3A, %and3A_44 : i32
    %mul3A_46 = arith.constant 256 : i32
    %mul3A_47 = arith.muli %and3A_45, %mul3A_46 : i32
    %dma_start3A = arith.constant 0 : i32
    %dma_start3A_48 = tpu.memref_slice %arg2[%mul3A_47, %dma_start3A] : memref<320000x128xf32, #tpu.memory_space<hbm>> -> memref<256x128xf32, #tpu.memory_space<hbm>>
    %dma_start3A_49 = arith.constant 0 : i32
    %dma_start3A_50 = tpu.memref_slice %arg2[%mul3A_47, %dma_start3A_49] : memref<320000x128xf32, #tpu.memory_space<hbm>> -> memref<256x128xf32, #tpu.memory_space<hbm>>
    tpu.enqueue_dma source(%dma_start3A_50 : memref<256x128xf32, #tpu.memory_space<hbm>>) target(%arg5 : memref<256x128xf32, #tpu.memory_space<vmem>>) target_semaphore(%arg14 : memref<!tpu.dma_semaphore, #tpu.memory_space<semaphore_mem>>)
    %mul3A_51 = arith.constant 256 : i32
    %mul3A_52 = arith.muli %and3A_45, %mul3A_51 : i32
    %dma_start3A_53 = arith.constant 16 : i32
    %dma_start3A_54 = tpu.memref_slice %arg7[%dma_start3A_53] : memref<288xi32, #tpu.memory_space<vmem>> -> memref<256xi32, #tpu.memory_space<vmem>>
    %dma_start3A_55 = tpu.memref_slice %arg3[%mul3A_52] : memref<320000xi32, #tpu.memory_space<hbm>> -> memref<256xi32, #tpu.memory_space<hbm>>
    %dma_start3A_56 = arith.constant 16 : i32
    %dma_start3A_57 = tpu.memref_slice %arg7[%dma_start3A_56] : memref<288xi32, #tpu.memory_space<vmem>> -> memref<256xi32, #tpu.memory_space<vmem>>
    %dma_start3A_58 = tpu.memref_slice %arg3[%mul3A_52] : memref<320000xi32, #tpu.memory_space<hbm>> -> memref<256xi32, #tpu.memory_space<hbm>>
    tpu.enqueue_dma source(%dma_start3A_58 : memref<256xi32, #tpu.memory_space<hbm>>) target(%dma_start3A_57 : memref<256xi32, #tpu.memory_space<vmem>>) target_semaphore(%arg14 : memref<!tpu.dma_semaphore, #tpu.memory_space<semaphore_mem>>)
    %add3A_59 = arith.constant 1 : i32
    %add3A_60 = arith.addi %and3A_45, %add3A_59 : i32
    %mul3A_61 = arith.constant 256 : i32
    %mul3A_62 = arith.muli %add3A_60, %mul3A_61 : i32
    %dma_start3A_63 = arith.constant 0 : i32
    %dma_start3A_64 = tpu.memref_slice %arg2[%mul3A_62, %dma_start3A_63] : memref<320000x128xf32, #tpu.memory_space<hbm>> -> memref<256x128xf32, #tpu.memory_space<hbm>>
    %dma_start3A_65 = arith.constant 0 : i32
    %dma_start3A_66 = tpu.memref_slice %arg2[%mul3A_62, %dma_start3A_65] : memref<320000x128xf32, #tpu.memory_space<hbm>> -> memref<256x128xf32, #tpu.memory_space<hbm>>
    tpu.enqueue_dma source(%dma_start3A_66 : memref<256x128xf32, #tpu.memory_space<hbm>>) target(%arg6 : memref<256x128xf32, #tpu.memory_space<vmem>>) target_semaphore(%arg15 : memref<!tpu.dma_semaphore, #tpu.memory_space<semaphore_mem>>)
    %mul3A_67 = arith.constant 256 : i32
    %mul3A_68 = arith.muli %add3A_60, %mul3A_67 : i32
    %dma_start3A_69 = arith.constant 16 : i32
    %dma_start3A_70 = tpu.memref_slice %arg8[%dma_start3A_69] : memref<288xi32, #tpu.memory_space<vmem>> -> memref<256xi32, #tpu.memory_space<vmem>>
    %dma_start3A_71 = tpu.memref_slice %arg3[%mul3A_68] : memref<320000xi32, #tpu.memory_space<hbm>> -> memref<256xi32, #tpu.memory_space<hbm>>
    %dma_start3A_72 = arith.constant 16 : i32
    %dma_start3A_73 = tpu.memref_slice %arg8[%dma_start3A_72] : memref<288xi32, #tpu.memory_space<vmem>> -> memref<256xi32, #tpu.memory_space<vmem>>
    %dma_start3A_74 = tpu.memref_slice %arg3[%mul3A_68] : memref<320000xi32, #tpu.memory_space<hbm>> -> memref<256xi32, #tpu.memory_space<hbm>>
    tpu.enqueue_dma source(%dma_start3A_74 : memref<256xi32, #tpu.memory_space<hbm>>) target(%dma_start3A_73 : memref<256xi32, #tpu.memory_space<vmem>>) target_semaphore(%arg15 : memref<!tpu.dma_semaphore, #tpu.memory_space<semaphore_mem>>)
    %while3A = arith.constant 0 : i32
    %while3A_75 = arith.constant 0 : i32
    %while3A_76 = arith.constant 0 : i32
    %while3A_77:13 = scf.while (%while3A_95 = %and3A_45, %while3A_96 = %while3A, %while3A_97 = %while3A_75, %while3A_98 = %while3A_76, %while3A_99 = %squeeze3A, %while3A_100 = %broadcast_in_dim3A_5, %while3A_101 = %broadcast_in_dim3A_5, %while3A_102 = %broadcast_in_dim3A_5, %while3A_103 = %broadcast_in_dim3A_5, %while3A_104 = %broadcast_in_dim3A_5, %while3A_105 = %broadcast_in_dim3A_5, %while3A_106 = %broadcast_in_dim3A_5, %while3A_107 = %broadcast_in_dim3A_5) : (i32, i32, i32, i32, i32, vector<16xf32>, vector<16xf32>, vector<16xf32>, vector<16xf32>, vector<16xf32>, vector<16xf32>, vector<16xf32>, vector<16xf32>) -> (i32, i32, i32, i32, i32, vector<16xf32>, vector<16xf32>, vector<16xf32>, vector<16xf32>, vector<16xf32>, vector<16xf32>, vector<16xf32>, vector<16xf32>) {
      %ne3A_108 = arith.constant 2 : i32
      %ne3A_109 = arith.cmpi ne, %while3A_97, %ne3A_108 : i32
      %lt3A = arith.constant 1250 : i32
      %lt3A_110 = arith.cmpi slt, %while3A_95, %lt3A : i32
      %and3A_111 = arith.andi %ne3A_109, %lt3A_110 : i1
      scf.condition(%and3A_111) %while3A_95, %while3A_96, %while3A_97, %while3A_98, %while3A_99, %while3A_100, %while3A_101, %while3A_102, %while3A_103, %while3A_104, %while3A_105, %while3A_106, %while3A_107 : i32, i32, i32, i32, i32, vector<16xf32>, vector<16xf32>, vector<16xf32>, vector<16xf32>, vector<16xf32>, vector<16xf32>, vector<16xf32>, vector<16xf32>
    } do {
    ^bb0(%while3A_95: i32, %while3A_96: i32, %while3A_97: i32, %while3A_98: i32, %while3A_99: i32, %while3A_100: vector<16xf32>, %while3A_101: vector<16xf32>, %while3A_102: vector<16xf32>, %while3A_103: vector<16xf32>, %while3A_104: vector<16xf32>, %while3A_105: vector<16xf32>, %while3A_106: vector<16xf32>, %while3A_107: vector<16xf32>):
      %dma_wait3A = arith.constant 0 : i32
      %dma_wait3A_108 = arith.constant 0 : i32
      %dma_wait3A_109 = tpu.memref_slice %arg2[%dma_wait3A, %dma_wait3A_108] : memref<320000x128xf32, #tpu.memory_space<hbm>> -> memref<256x128xf32, #tpu.memory_space<hbm>>
      %dma_wait3A_110 = arith.constant 0 : i32
      %dma_wait3A_111 = arith.constant 0 : i32
      %dma_wait3A_112 = tpu.memref_slice %arg2[%dma_wait3A_110, %dma_wait3A_111] : memref<320000x128xf32, #tpu.memory_space<hbm>> -> memref<256x128xf32, #tpu.memory_space<hbm>>
      tpu.wait_dma2 semaphore(%arg14 : memref<!tpu.dma_semaphore, #tpu.memory_space<semaphore_mem>>) src(%dma_wait3A_112 : memref<256x128xf32, #tpu.memory_space<hbm>>) dst(%arg5 : memref<256x128xf32, #tpu.memory_space<vmem>>)
      %dma_wait3A_113 = arith.constant 16 : i32
      %dma_wait3A_114 = tpu.memref_slice %arg7[%dma_wait3A_113] : memref<288xi32, #tpu.memory_space<vmem>> -> memref<256xi32, #tpu.memory_space<vmem>>
      %dma_wait3A_115 = arith.constant 0 : i32
      %dma_wait3A_116 = tpu.memref_slice %arg3[%dma_wait3A_115] : memref<320000xi32, #tpu.memory_space<hbm>> -> memref<256xi32, #tpu.memory_space<hbm>>
      %dma_wait3A_117 = arith.constant 16 : i32
      %dma_wait3A_118 = tpu.memref_slice %arg7[%dma_wait3A_117] : memref<288xi32, #tpu.memory_space<vmem>> -> memref<256xi32, #tpu.memory_space<vmem>>
      %dma_wait3A_119 = arith.constant 0 : i32
      %dma_wait3A_120 = tpu.memref_slice %arg3[%dma_wait3A_119] : memref<320000xi32, #tpu.memory_space<hbm>> -> memref<256xi32, #tpu.memory_space<hbm>>
      tpu.wait_dma2 semaphore(%arg14 : memref<!tpu.dma_semaphore, #tpu.memory_space<semaphore_mem>>) src(%dma_wait3A_120 : memref<256xi32, #tpu.memory_space<hbm>>) dst(%dma_wait3A_118 : memref<256xi32, #tpu.memory_space<vmem>>)
      %mul3A_121 = arith.constant 256 : i32
      %mul3A_122 = arith.muli %while3A_95, %mul3A_121 : i32
      %sub3A_123 = arith.subi %mul3A_2, %mul3A_122 : i32
      %max3A = arith.constant 0 : i32
      %max3A_124 = arith.maxsi %sub3A_123, %max3A : i32
      %broadcast_in_dim3A_125 = arith.constant 0 : i32
      %broadcast_in_dim3A_126 = vector.broadcast %broadcast_in_dim3A_125 : i32 to vector<16xi32>
      %add3A_127 = vector.broadcast %while3A_99 : i32 to vector<16xi32>
      %add3A_128 = arith.addi %broadcast_in_dim3A_126, %add3A_127 : vector<16xi32>
      %swap3A_129 = arith.constant 0 : index
      %swap3A_130 = tpu.vector_load %arg7[%swap3A_129] {strides = array<i32>} : memref<288xi32, #tpu.memory_space<vmem>>, vector<16xi32>,
      tpu.vector_store %arg7[%swap3A_129], %add3A_128 {strides = array<i32>} : memref<288xi32, #tpu.memory_space<vmem>>, vector<16xi32>,
      %get3A_131 = arith.constant 16 : index
      %get3A_132 = tpu.vector_load %arg7[%get3A_131] {strides = array<i32>} : memref<288xi32, #tpu.memory_space<vmem>>, vector<16xi32>,
      %get3A_133 = arith.constant 15 : index
      %get3A_134 = tpu.vector_load %arg7[%get3A_133] {strides = array<i32>} : memref<288xi32, #tpu.memory_space<vmem>>, vector<16xi32>,
      %iota3A = tpu.iota {dimensions = array<i32: 0>} : vector<16xi32>
      %add3A_135 = arith.constant 0 : i32
      %add3A_136 = vector.broadcast %add3A_135 : i32 to vector<16xi32>
      %add3A_137 = arith.addi %iota3A, %add3A_136 : vector<16xi32>
      %ne3A_138 = arith.cmpi ne, %get3A_132, %get3A_134 : vector<16xi32>
      %ge3A = vector.broadcast %max3A_124 : i32 to vector<16xi32>
      %ge3A_139 = arith.cmpi sge, %add3A_137, %ge3A : vector<16xi32>
      %and3A_140 = arith.andi %ne3A_138, %ge3A_139 : vector<16xi1>
      %swap3A_141 = arith.constant 0 : i32
      %swap3A_142 = arith.index_cast %swap3A_141 : i32 to index
      %swap3A_143 = tpu.vector_load %arg9[%swap3A_142] masked %and3A_140 {strides = array<i32>} : memref<272xi32, #tpu.memory_space<vmem>>, vector<16xi32>, vector<16xi1>
      tpu.vector_store %arg9[%swap3A_142], %add3A_137 masked %and3A_140 {strides = array<i32>} : memref<272xi32, #tpu.memory_space<vmem>>, vector<16xi32>, vector<16xi1>
      %all_reduce_population_count3A = tpu.all_reduce %and3A_140 {dim = 0 : i64, kind = #tpu.reduction_kind<sum>} : vector<16xi1> -> vector<16xi32>
      %slice3A_144 = vector.extract_strided_slice %all_reduce_population_count3A {offsets = [0], sizes = [1], strides = [1]} : vector<16xi32> to vector<1xi32>
      %squeeze3A_145 = vector.extract %slice3A_144[0] : i32 from vector<1xi32>
      %add3A_146 = arith.constant 0 : i32
      %add3A_147 = arith.addi %add3A_146, %squeeze3A_145 : i32
      %get3A_148 = arith.constant 32 : index
      %get3A_149 = tpu.vector_load %arg7[%get3A_148] {strides = array<i32>} : memref<288xi32, #tpu.memory_space<vmem>>, vector<16xi32>,
      %get3A_150 = arith.constant 31 : index
      %get3A_151 = tpu.vector_load %arg7[%get3A_150] {strides = array<i32>} : memref<288xi32, #tpu.memory_space<vmem>>, vector<16xi32>,
      %iota3A_152 = tpu.iota {dimensions = array<i32: 0>} : vector<16xi32>
      %add3A_153 = arith.constant 16 : i32
      %add3A_154 = vector.broadcast %add3A_153 : i32 to vector<16xi32>
      %add3A_155 = arith.addi %iota3A_152, %add3A_154 : vector<16xi32>
      %ne3A_156 = arith.cmpi ne, %get3A_149, %get3A_151 : vector<16xi32>
      %ge3A_157 = vector.broadcast %max3A_124 : i32 to vector<16xi32>
      %ge3A_158 = arith.cmpi sge, %add3A_155, %ge3A_157 : vector<16xi32>
      %and3A_159 = arith.andi %ne3A_156, %ge3A_158 : vector<16xi1>
      %swap3A_160 = arith.index_cast %add3A_147 : i32 to index
      %swap3A_161 = tpu.vector_load %arg9[%swap3A_160] masked %and3A_159 {strides = array<i32>} : memref<272xi32, #tpu.memory_space<vmem>>, vector<16xi32>, vector<16xi1>
      tpu.vector_store %arg9[%swap3A_160], %add3A_155 masked %and3A_159 {strides = array<i32>} : memref<272xi32, #tpu.memory_space<vmem>>, vector<16xi32>, vector<16xi1>
      %all_reduce_population_count3A_162 = tpu.all_reduce %and3A_159 {dim = 0 : i64, kind = #tpu.reduction_kind<sum>} : vector<16xi1> -> vector<16xi32>
      %slice3A_163 = vector.extract_strided_slice %all_reduce_population_count3A_162 {offsets = [0], sizes = [1], strides = [1]} : vector<16xi32> to vector<1xi32>
      %squeeze3A_164 = vector.extract %slice3A_163[0] : i32 from vector<1xi32>
      %add3A_165 = arith.addi %add3A_147, %squeeze3A_164 : i32
      %get3A_166 = arith.constant 48 : index
      %get3A_167 = tpu.vector_load %arg7[%get3A_166] {strides = array<i32>} : memref<288xi32, #tpu.memory_space<vmem>>, vector<16xi32>,
      %get3A_168 = arith.constant 47 : index
      %get3A_169 = tpu.vector_load %arg7[%get3A_168] {strides = array<i32>} : memref<288xi32, #tpu.memory_space<vmem>>, vector<16xi32>,
      %iota3A_170 = tpu.iota {dimensions = array<i32: 0>} : vector<16xi32>
      %add3A_171 = arith.constant 32 : i32
      %add3A_172 = vector.broadcast %add3A_171 : i32 to vector<16xi32>
      %add3A_173 = arith.addi %iota3A_170, %add3A_172 : vector<16xi32>
      %ne3A_174 = arith.cmpi ne, %get3A_167, %get3A_169 : vector<16xi32>
      %ge3A_175 = vector.broadcast %max3A_124 : i32 to vector<16xi32>
      %ge3A_176 = arith.cmpi sge, %add3A_173, %ge3A_175 : vector<16xi32>
      %and3A_177 = arith.andi %ne3A_174, %ge3A_176 : vector<16xi1>
      %swap3A_178 = arith.index_cast %add3A_165 : i32 to index
      %swap3A_179 = tpu.vector_load %arg9[%swap3A_178] masked %and3A_177 {strides = array<i32>} : memref<272xi32, #tpu.memory_space<vmem>>, vector<16xi32>, vector<16xi1>
      tpu.vector_store %arg9[%swap3A_178], %add3A_173 masked %and3A_177 {strides = array<i32>} : memref<272xi32, #tpu.memory_space<vmem>>, vector<16xi32>, vector<16xi1>
      %all_reduce_population_count3A_180 = tpu.all_reduce %and3A_177 {dim = 0 : i64, kind = #tpu.reduction_kind<sum>} : vector<16xi1> -> vector<16xi32>
      %slice3A_181 = vector.extract_strided_slice %all_reduce_population_count3A_180 {offsets = [0], sizes = [1], strides = [1]} : vector<16xi32> to vector<1xi32>
      %squeeze3A_182 = vector.extract %slice3A_181[0] : i32 from vector<1xi32>
      %add3A_183 = arith.addi %add3A_165, %squeeze3A_182 : i32
      %get3A_184 = arith.constant 64 : index
      %get3A_185 = tpu.vector_load %arg7[%get3A_184] {strides = array<i32>} : memref<288xi32, #tpu.memory_space<vmem>>, vector<16xi32>,
      %get3A_186 = arith.constant 63 : index
      %get3A_187 = tpu.vector_load %arg7[%get3A_186] {strides = array<i32>} : memref<288xi32, #tpu.memory_space<vmem>>, vector<16xi32>,
      %iota3A_188 = tpu.iota {dimensions = array<i32: 0>} : vector<16xi32>
      %add3A_189 = arith.constant 48 : i32
      %add3A_190 = vector.broadcast %add3A_189 : i32 to vector<16xi32>
      %add3A_191 = arith.addi %iota3A_188, %add3A_190 : vector<16xi32>
      %ne3A_192 = arith.cmpi ne, %get3A_185, %get3A_187 : vector<16xi32>
      %ge3A_193 = vector.broadcast %max3A_124 : i32 to vector<16xi32>
      %ge3A_194 = arith.cmpi sge, %add3A_191, %ge3A_193 : vector<16xi32>
      %and3A_195 = arith.andi %ne3A_192, %ge3A_194 : vector<16xi1>
      %swap3A_196 = arith.index_cast %add3A_183 : i32 to index
      %swap3A_197 = tpu.vector_load %arg9[%swap3A_196] masked %and3A_195 {strides = array<i32>} : memref<272xi32, #tpu.memory_space<vmem>>, vector<16xi32>, vector<16xi1>
      tpu.vector_store %arg9[%swap3A_196], %add3A_191 masked %and3A_195 {strides = array<i32>} : memref<272xi32, #tpu.memory_space<vmem>>, vector<16xi32>, vector<16xi1>
      %all_reduce_population_count3A_198 = tpu.all_reduce %and3A_195 {dim = 0 : i64, kind = #tpu.reduction_kind<sum>} : vector<16xi1> -> vector<16xi32>
      %slice3A_199 = vector.extract_strided_slice %all_reduce_population_count3A_198 {offsets = [0], sizes = [1], strides = [1]} : vector<16xi32> to vector<1xi32>
      %squeeze3A_200 = vector.extract %slice3A_199[0] : i32 from vector<1xi32>
      %add3A_201 = arith.addi %add3A_183, %squeeze3A_200 : i32
      %get3A_202 = arith.constant 80 : index
      %get3A_203 = tpu.vector_load %arg7[%get3A_202] {strides = array<i32>} : memref<288xi32, #tpu.memory_space<vmem>>, vector<16xi32>,
      %get3A_204 = arith.constant 79 : index
      %get3A_205 = tpu.vector_load %arg7[%get3A_204] {strides = array<i32>} : memref<288xi32, #tpu.memory_space<vmem>>, vector<16xi32>,
      %iota3A_206 = tpu.iota {dimensions = array<i32: 0>} : vector<16xi32>
      %add3A_207 = arith.constant 64 : i32
      %add3A_208 = vector.broadcast %add3A_207 : i32 to vector<16xi32>
      %add3A_209 = arith.addi %iota3A_206, %add3A_208 : vector<16xi32>
      %ne3A_210 = arith.cmpi ne, %get3A_203, %get3A_205 : vector<16xi32>
      %ge3A_211 = vector.broadcast %max3A_124 : i32 to vector<16xi32>
      %ge3A_212 = arith.cmpi sge, %add3A_209, %ge3A_211 : vector<16xi32>
      %and3A_213 = arith.andi %ne3A_210, %ge3A_212 : vector<16xi1>
      %swap3A_214 = arith.index_cast %add3A_201 : i32 to index
      %swap3A_215 = tpu.vector_load %arg9[%swap3A_214] masked %and3A_213 {strides = array<i32>} : memref<272xi32, #tpu.memory_space<vmem>>, vector<16xi32>, vector<16xi1>
      tpu.vector_store %arg9[%swap3A_214], %add3A_209 masked %and3A_213 {strides = array<i32>} : memref<272xi32, #tpu.memory_space<vmem>>, vector<16xi32>, vector<16xi1>
      %all_reduce_population_count3A_216 = tpu.all_reduce %and3A_213 {dim = 0 : i64, kind = #tpu.reduction_kind<sum>} : vector<16xi1> -> vector<16xi32>
      %slice3A_217 = vector.extract_strided_slice %all_reduce_population_count3A_216 {offsets = [0], sizes = [1], strides = [1]} : vector<16xi32> to vector<1xi32>
      %squeeze3A_218 = vector.extract %slice3A_217[0] : i32 from vector<1xi32>
      %add3A_219 = arith.addi %add3A_201, %squeeze3A_218 : i32
      %get3A_220 = arith.constant 96 : index
      %get3A_221 = tpu.vector_load %arg7[%get3A_220] {strides = array<i32>} : memref<288xi32, #tpu.memory_space<vmem>>, vector<16xi32>,
      %get3A_222 = arith.constant 95 : index
      %get3A_223 = tpu.vector_load %arg7[%get3A_222] {strides = array<i32>} : memref<288xi32, #tpu.memory_space<vmem>>, vector<16xi32>,
      %iota3A_224 = tpu.iota {dimensions = array<i32: 0>} : vector<16xi32>
      %add3A_225 = arith.constant 80 : i32
      %add3A_226 = vector.broadcast %add3A_225 : i32 to vector<16xi32>
      %add3A_227 = arith.addi %iota3A_224, %add3A_226 : vector<16xi32>
      %ne3A_228 = arith.cmpi ne, %get3A_221, %get3A_223 : vector<16xi32>
      %ge3A_229 = vector.broadcast %max3A_124 : i32 to vector<16xi32>
      %ge3A_230 = arith.cmpi sge, %add3A_227, %ge3A_229 : vector<16xi32>
      %and3A_231 = arith.andi %ne3A_228, %ge3A_230 : vector<16xi1>
      %swap3A_232 = arith.index_cast %add3A_219 : i32 to index
      %swap3A_233 = tpu.vector_load %arg9[%swap3A_232] masked %and3A_231 {strides = array<i32>} : memref<272xi32, #tpu.memory_space<vmem>>, vector<16xi32>, vector<16xi1>
      tpu.vector_store %arg9[%swap3A_232], %add3A_227 masked %and3A_231 {strides = array<i32>} : memref<272xi32, #tpu.memory_space<vmem>>, vector<16xi32>, vector<16xi1>
      %all_reduce_population_count3A_234 = tpu.all_reduce %and3A_231 {dim = 0 : i64, kind = #tpu.reduction_kind<sum>} : vector<16xi1> -> vector<16xi32>
      %slice3A_235 = vector.extract_strided_slice %all_reduce_population_count3A_234 {offsets = [0], sizes = [1], strides = [1]} : vector<16xi32> to vector<1xi32>
      %squeeze3A_236 = vector.extract %slice3A_235[0] : i32 from vector<1xi32>
      %add3A_237 = arith.addi %add3A_219, %squeeze3A_236 : i32
      %get3A_238 = arith.constant 112 : index
      %get3A_239 = tpu.vector_load %arg7[%get3A_238] {strides = array<i32>} : memref<288xi32, #tpu.memory_space<vmem>>, vector<16xi32>,
      %get3A_240 = arith.constant 111 : index
      %get3A_241 = tpu.vector_load %arg7[%get3A_240] {strides = array<i32>} : memref<288xi32, #tpu.memory_space<vmem>>, vector<16xi32>,
      %iota3A_242 = tpu.iota {dimensions = array<i32: 0>} : vector<16xi32>
      %add3A_243 = arith.constant 96 : i32
      %add3A_244 = vector.broadcast %add3A_243 : i32 to vector<16xi32>
      %add3A_245 = arith.addi %iota3A_242, %add3A_244 : vector<16xi32>
      %ne3A_246 = arith.cmpi ne, %get3A_239, %get3A_241 : vector<16xi32>
      %ge3A_247 = vector.broadcast %max3A_124 : i32 to vector<16xi32>
      %ge3A_248 = arith.cmpi sge, %add3A_245, %ge3A_247 : vector<16xi32>
      %and3A_249 = arith.andi %ne3A_246, %ge3A_248 : vector<16xi1>
      %swap3A_250 = arith.index_cast %add3A_237 : i32 to index
      %swap3A_251 = tpu.vector_load %arg9[%swap3A_250] masked %and3A_249 {strides = array<i32>} : memref<272xi32, #tpu.memory_space<vmem>>, vector<16xi32>, vector<16xi1>
      tpu.vector_store %arg9[%swap3A_250], %add3A_245 masked %and3A_249 {strides = array<i32>} : memref<272xi32, #tpu.memory_space<vmem>>, vector<16xi32>, vector<16xi1>
      %all_reduce_population_count3A_252 = tpu.all_reduce %and3A_249 {dim = 0 : i64, kind = #tpu.reduction_kind<sum>} : vector<16xi1> -> vector<16xi32>
      %slice3A_253 = vector.extract_strided_slice %all_reduce_population_count3A_252 {offsets = [0], sizes = [1], strides = [1]} : vector<16xi32> to vector<1xi32>
      %squeeze3A_254 = vector.extract %slice3A_253[0] : i32 from vector<1xi32>
      %add3A_255 = arith.addi %add3A_237, %squeeze3A_254 : i32
      %get3A_256 = arith.constant 128 : index
      %get3A_257 = tpu.vector_load %arg7[%get3A_256] {strides = array<i32>} : memref<288xi32, #tpu.memory_space<vmem>>, vector<16xi32>,
      %get3A_258 = arith.constant 127 : index
      %get3A_259 = tpu.vector_load %arg7[%get3A_258] {strides = array<i32>} : memref<288xi32, #tpu.memory_space<vmem>>, vector<16xi32>,
      %iota3A_260 = tpu.iota {dimensions = array<i32: 0>} : vector<16xi32>
      %add3A_261 = arith.constant 112 : i32
      %add3A_262 = vector.broadcast %add3A_261 : i32 to vector<16xi32>
      %add3A_263 = arith.addi %iota3A_260, %add3A_262 : vector<16xi32>
      %ne3A_264 = arith.cmpi ne, %get3A_257, %get3A_259 : vector<16xi32>
      %ge3A_265 = vector.broadcast %max3A_124 : i32 to vector<16xi32>
      %ge3A_266 = arith.cmpi sge, %add3A_263, %ge3A_265 : vector<16xi32>
      %and3A_267 = arith.andi %ne3A_264, %ge3A_266 : vector<16xi1>
      %swap3A_268 = arith.index_cast %add3A_255 : i32 to index
      %swap3A_269 = tpu.vector_load %arg9[%swap3A_268] masked %and3A_267 {strides = array<i32>} : memref<272xi32, #tpu.memory_space<vmem>>, vector<16xi32>, vector<16xi1>
      tpu.vector_store %arg9[%swap3A_268], %add3A_263 masked %and3A_267 {strides = array<i32>} : memref<272xi32, #tpu.memory_space<vmem>>, vector<16xi32>, vector<16xi1>
      %all_reduce_population_count3A_270 = tpu.all_reduce %and3A_267 {dim = 0 : i64, kind = #tpu.reduction_kind<sum>} : vector<16xi1> -> vector<16xi32>
      %slice3A_271 = vector.extract_strided_slice %all_reduce_population_count3A_270 {offsets = [0], sizes = [1], strides = [1]} : vector<16xi32> to vector<1xi32>
      %squeeze3A_272 = vector.extract %slice3A_271[0] : i32 from vector<1xi32>
      %add3A_273 = arith.addi %add3A_255, %squeeze3A_272 : i32
      %get3A_274 = arith.constant 144 : index
      %get3A_275 = tpu.vector_load %arg7[%get3A_274] {strides = array<i32>} : memref<288xi32, #tpu.memory_space<vmem>>, vector<16xi32>,
      %get3A_276 = arith.constant 143 : index
      %get3A_277 = tpu.vector_load %arg7[%get3A_276] {strides = array<i32>} : memref<288xi32, #tpu.memory_space<vmem>>, vector<16xi32>,
      %iota3A_278 = tpu.iota {dimensions = array<i32: 0>} : vector<16xi32>
      %add3A_279 = arith.constant 128 : i32
      %add3A_280 = vector.broadcast %add3A_279 : i32 to vector<16xi32>
      %add3A_281 = arith.addi %iota3A_278, %add3A_280 : vector<16xi32>
      %ne3A_282 = arith.cmpi ne, %get3A_275, %get3A_277 : vector<16xi32>
      %ge3A_283 = vector.broadcast %max3A_124 : i32 to vector<16xi32>
      %ge3A_284 = arith.cmpi sge, %add3A_281, %ge3A_283 : vector<16xi32>
      %and3A_285 = arith.andi %ne3A_282, %ge3A_284 : vector<16xi1>
      %swap3A_286 = arith.index_cast %add3A_273 : i32 to index
      %swap3A_287 = tpu.vector_load %arg9[%swap3A_286] masked %and3A_285 {strides = array<i32>} : memref<272xi32, #tpu.memory_space<vmem>>, vector<16xi32>, vector<16xi1>
      tpu.vector_store %arg9[%swap3A_286], %add3A_281 masked %and3A_285 {strides = array<i32>} : memref<272xi32, #tpu.memory_space<vmem>>, vector<16xi32>, vector<16xi1>
      %all_reduce_population_count3A_288 = tpu.all_reduce %and3A_285 {dim = 0 : i64, kind = #tpu.reduction_kind<sum>} : vector<16xi1> -> vector<16xi32>
      %slice3A_289 = vector.extract_strided_slice %all_reduce_population_count3A_288 {offsets = [0], sizes = [1], strides = [1]} : vector<16xi32> to vector<1xi32>
      %squeeze3A_290 = vector.extract %slice3A_289[0] : i32 from vector<1xi32>
      %add3A_291 = arith.addi %add3A_273, %squeeze3A_290 : i32
      %get3A_292 = arith.constant 160 : index
      %get3A_293 = tpu.vector_load %arg7[%get3A_292] {strides = array<i32>} : memref<288xi32, #tpu.memory_space<vmem>>, vector<16xi32>,
      %get3A_294 = arith.constant 159 : index
      %get3A_295 = tpu.vector_load %arg7[%get3A_294] {strides = array<i32>} : memref<288xi32, #tpu.memory_space<vmem>>, vector<16xi32>,
      %iota3A_296 = tpu.iota {dimensions = array<i32: 0>} : vector<16xi32>
      %add3A_297 = arith.constant 144 : i32
      %add3A_298 = vector.broadcast %add3A_297 : i32 to vector<16xi32>
      %add3A_299 = arith.addi %iota3A_296, %add3A_298 : vector<16xi32>
      %ne3A_300 = arith.cmpi ne, %get3A_293, %get3A_295 : vector<16xi32>
      %ge3A_301 = vector.broadcast %max3A_124 : i32 to vector<16xi32>
      %ge3A_302 = arith.cmpi sge, %add3A_299, %ge3A_301 : vector<16xi32>
      %and3A_303 = arith.andi %ne3A_300, %ge3A_302 : vector<16xi1>
      %swap3A_304 = arith.index_cast %add3A_291 : i32 to index
      %swap3A_305 = tpu.vector_load %arg9[%swap3A_304] masked %and3A_303 {strides = array<i32>} : memref<272xi32, #tpu.memory_space<vmem>>, vector<16xi32>, vector<16xi1>
      tpu.vector_store %arg9[%swap3A_304], %add3A_299 masked %and3A_303 {strides = array<i32>} : memref<272xi32, #tpu.memory_space<vmem>>, vector<16xi32>, vector<16xi1>
      %all_reduce_population_count3A_306 = tpu.all_reduce %and3A_303 {dim = 0 : i64, kind = #tpu.reduction_kind<sum>} : vector<16xi1> -> vector<16xi32>
      %slice3A_307 = vector.extract_strided_slice %all_reduce_population_count3A_306 {offsets = [0], sizes = [1], strides = [1]} : vector<16xi32> to vector<1xi32>
      %squeeze3A_308 = vector.extract %slice3A_307[0] : i32 from vector<1xi32>
      %add3A_309 = arith.addi %add3A_291, %squeeze3A_308 : i32
      %get3A_310 = arith.constant 176 : index
      %get3A_311 = tpu.vector_load %arg7[%get3A_310] {strides = array<i32>} : memref<288xi32, #tpu.memory_space<vmem>>, vector<16xi32>,
      %get3A_312 = arith.constant 175 : index
      %get3A_313 = tpu.vector_load %arg7[%get3A_312] {strides = array<i32>} : memref<288xi32, #tpu.memory_space<vmem>>, vector<16xi32>,
      %iota3A_314 = tpu.iota {dimensions = array<i32: 0>} : vector<16xi32>
      %add3A_315 = arith.constant 160 : i32
      %add3A_316 = vector.broadcast %add3A_315 : i32 to vector<16xi32>
      %add3A_317 = arith.addi %iota3A_314, %add3A_316 : vector<16xi32>
      %ne3A_318 = arith.cmpi ne, %get3A_311, %get3A_313 : vector<16xi32>
      %ge3A_319 = vector.broadcast %max3A_124 : i32 to vector<16xi32>
      %ge3A_320 = arith.cmpi sge, %add3A_317, %ge3A_319 : vector<16xi32>
      %and3A_321 = arith.andi %ne3A_318, %ge3A_320 : vector<16xi1>
      %swap3A_322 = arith.index_cast %add3A_309 : i32 to index
      %swap3A_323 = tpu.vector_load %arg9[%swap3A_322] masked %and3A_321 {strides = array<i32>} : memref<272xi32, #tpu.memory_space<vmem>>, vector<16xi32>, vector<16xi1>
      tpu.vector_store %arg9[%swap3A_322], %add3A_317 masked %and3A_321 {strides = array<i32>} : memref<272xi32, #tpu.memory_space<vmem>>, vector<16xi32>, vector<16xi1>
      %all_reduce_population_count3A_324 = tpu.all_reduce %and3A_321 {dim = 0 : i64, kind = #tpu.reduction_kind<sum>} : vector<16xi1> -> vector<16xi32>
      %slice3A_325 = vector.extract_strided_slice %all_reduce_population_count3A_324 {offsets = [0], sizes = [1], strides = [1]} : vector<16xi32> to vector<1xi32>
      %squeeze3A_326 = vector.extract %slice3A_325[0] : i32 from vector<1xi32>
      %add3A_327 = arith.addi %add3A_309, %squeeze3A_326 : i32
      %get3A_328 = arith.constant 192 : index
      %get3A_329 = tpu.vector_load %arg7[%get3A_328] {strides = array<i32>} : memref<288xi32, #tpu.memory_space<vmem>>, vector<16xi32>,
      %get3A_330 = arith.constant 191 : index
      %get3A_331 = tpu.vector_load %arg7[%get3A_330] {strides = array<i32>} : memref<288xi32, #tpu.memory_space<vmem>>, vector<16xi32>,
      %iota3A_332 = tpu.iota {dimensions = array<i32: 0>} : vector<16xi32>
      %add3A_333 = arith.constant 176 : i32
      %add3A_334 = vector.broadcast %add3A_333 : i32 to vector<16xi32>
      %add3A_335 = arith.addi %iota3A_332, %add3A_334 : vector<16xi32>
      %ne3A_336 = arith.cmpi ne, %get3A_329, %get3A_331 : vector<16xi32>
      %ge3A_337 = vector.broadcast %max3A_124 : i32 to vector<16xi32>
      %ge3A_338 = arith.cmpi sge, %add3A_335, %ge3A_337 : vector<16xi32>
      %and3A_339 = arith.andi %ne3A_336, %ge3A_338 : vector<16xi1>
      %swap3A_340 = arith.index_cast %add3A_327 : i32 to index
      %swap3A_341 = tpu.vector_load %arg9[%swap3A_340] masked %and3A_339 {strides = array<i32>} : memref<272xi32, #tpu.memory_space<vmem>>, vector<16xi32>, vector<16xi1>
      tpu.vector_store %arg9[%swap3A_340], %add3A_335 masked %and3A_339 {strides = array<i32>} : memref<272xi32, #tpu.memory_space<vmem>>, vector<16xi32>, vector<16xi1>
      %all_reduce_population_count3A_342 = tpu.all_reduce %and3A_339 {dim = 0 : i64, kind = #tpu.reduction_kind<sum>} : vector<16xi1> -> vector<16xi32>
      %slice3A_343 = vector.extract_strided_slice %all_reduce_population_count3A_342 {offsets = [0], sizes = [1], strides = [1]} : vector<16xi32> to vector<1xi32>
      %squeeze3A_344 = vector.extract %slice3A_343[0] : i32 from vector<1xi32>
      %add3A_345 = arith.addi %add3A_327, %squeeze3A_344 : i32
      %get3A_346 = arith.constant 208 : index
      %get3A_347 = tpu.vector_load %arg7[%get3A_346] {strides = array<i32>} : memref<288xi32, #tpu.memory_space<vmem>>, vector<16xi32>,
      %get3A_348 = arith.constant 207 : index
      %get3A_349 = tpu.vector_load %arg7[%get3A_348] {strides = array<i32>} : memref<288xi32, #tpu.memory_space<vmem>>, vector<16xi32>,
      %iota3A_350 = tpu.iota {dimensions = array<i32: 0>} : vector<16xi32>
      %add3A_351 = arith.constant 192 : i32
      %add3A_352 = vector.broadcast %add3A_351 : i32 to vector<16xi32>
      %add3A_353 = arith.addi %iota3A_350, %add3A_352 : vector<16xi32>
      %ne3A_354 = arith.cmpi ne, %get3A_347, %get3A_349 : vector<16xi32>
      %ge3A_355 = vector.broadcast %max3A_124 : i32 to vector<16xi32>
      %ge3A_356 = arith.cmpi sge, %add3A_353, %ge3A_355 : vector<16xi32>
      %and3A_357 = arith.andi %ne3A_354, %ge3A_356 : vector<16xi1>
      %swap3A_358 = arith.index_cast %add3A_345 : i32 to index
      %swap3A_359 = tpu.vector_load %arg9[%swap3A_358] masked %and3A_357 {strides = array<i32>} : memref<272xi32, #tpu.memory_space<vmem>>, vector<16xi32>, vector<16xi1>
      tpu.vector_store %arg9[%swap3A_358], %add3A_353 masked %and3A_357 {strides = array<i32>} : memref<272xi32, #tpu.memory_space<vmem>>, vector<16xi32>, vector<16xi1>
      %all_reduce_population_count3A_360 = tpu.all_reduce %and3A_357 {dim = 0 : i64, kind = #tpu.reduction_kind<sum>} : vector<16xi1> -> vector<16xi32>
      %slice3A_361 = vector.extract_strided_slice %all_reduce_population_count3A_360 {offsets = [0], sizes = [1], strides = [1]} : vector<16xi32> to vector<1xi32>
      %squeeze3A_362 = vector.extract %slice3A_361[0] : i32 from vector<1xi32>
      %add3A_363 = arith.addi %add3A_345, %squeeze3A_362 : i32
      %get3A_364 = arith.constant 224 : index
      %get3A_365 = tpu.vector_load %arg7[%get3A_364] {strides = array<i32>} : memref<288xi32, #tpu.memory_space<vmem>>, vector<16xi32>,
      %get3A_366 = arith.constant 223 : index
      %get3A_367 = tpu.vector_load %arg7[%get3A_366] {strides = array<i32>} : memref<288xi32, #tpu.memory_space<vmem>>, vector<16xi32>,
      %iota3A_368 = tpu.iota {dimensions = array<i32: 0>} : vector<16xi32>
      %add3A_369 = arith.constant 208 : i32
      %add3A_370 = vector.broadcast %add3A_369 : i32 to vector<16xi32>
      %add3A_371 = arith.addi %iota3A_368, %add3A_370 : vector<16xi32>
      %ne3A_372 = arith.cmpi ne, %get3A_365, %get3A_367 : vector<16xi32>
      %ge3A_373 = vector.broadcast %max3A_124 : i32 to vector<16xi32>
      %ge3A_374 = arith.cmpi sge, %add3A_371, %ge3A_373 : vector<16xi32>
      %and3A_375 = arith.andi %ne3A_372, %ge3A_374 : vector<16xi1>
      %swap3A_376 = arith.index_cast %add3A_363 : i32 to index
      %swap3A_377 = tpu.vector_load %arg9[%swap3A_376] masked %and3A_375 {strides = array<i32>} : memref<272xi32, #tpu.memory_space<vmem>>, vector<16xi32>, vector<16xi1>
      tpu.vector_store %arg9[%swap3A_376], %add3A_371 masked %and3A_375 {strides = array<i32>} : memref<272xi32, #tpu.memory_space<vmem>>, vector<16xi32>, vector<16xi1>
      %all_reduce_population_count3A_378 = tpu.all_reduce %and3A_375 {dim = 0 : i64, kind = #tpu.reduction_kind<sum>} : vector<16xi1> -> vector<16xi32>
      %slice3A_379 = vector.extract_strided_slice %all_reduce_population_count3A_378 {offsets = [0], sizes = [1], strides = [1]} : vector<16xi32> to vector<1xi32>
      %squeeze3A_380 = vector.extract %slice3A_379[0] : i32 from vector<1xi32>
      %add3A_381 = arith.addi %add3A_363, %squeeze3A_380 : i32
      %get3A_382 = arith.constant 240 : index
      %get3A_383 = tpu.vector_load %arg7[%get3A_382] {strides = array<i32>} : memref<288xi32, #tpu.memory_space<vmem>>, vector<16xi32>,
      %get3A_384 = arith.constant 239 : index
      %get3A_385 = tpu.vector_load %arg7[%get3A_384] {strides = array<i32>} : memref<288xi32, #tpu.memory_space<vmem>>, vector<16xi32>,
      %iota3A_386 = tpu.iota {dimensions = array<i32: 0>} : vector<16xi32>
      %add3A_387 = arith.constant 224 : i32
      %add3A_388 = vector.broadcast %add3A_387 : i32 to vector<16xi32>
      %add3A_389 = arith.addi %iota3A_386, %add3A_388 : vector<16xi32>
      %ne3A_390 = arith.cmpi ne, %get3A_383, %get3A_385 : vector<16xi32>
      %ge3A_391 = vector.broadcast %max3A_124 : i32 to vector<16xi32>
      %ge3A_392 = arith.cmpi sge, %add3A_389, %ge3A_391 : vector<16xi32>
      %and3A_393 = arith.andi %ne3A_390, %ge3A_392 : vector<16xi1>
      %swap3A_394 = arith.index_cast %add3A_381 : i32 to index
      %swap3A_395 = tpu.vector_load %arg9[%swap3A_394] masked %and3A_393 {strides = array<i32>} : memref<272xi32, #tpu.memory_space<vmem>>, vector<16xi32>, vector<16xi1>
      tpu.vector_store %arg9[%swap3A_394], %add3A_389 masked %and3A_393 {strides = array<i32>} : memref<272xi32, #tpu.memory_space<vmem>>, vector<16xi32>, vector<16xi1>
      %all_reduce_population_count3A_396 = tpu.all_reduce %and3A_393 {dim = 0 : i64, kind = #tpu.reduction_kind<sum>} : vector<16xi1> -> vector<16xi32>
      %slice3A_397 = vector.extract_strided_slice %all_reduce_population_count3A_396 {offsets = [0], sizes = [1], strides = [1]} : vector<16xi32> to vector<1xi32>
      %squeeze3A_398 = vector.extract %slice3A_397[0] : i32 from vector<1xi32>
      %add3A_399 = arith.addi %add3A_381, %squeeze3A_398 : i32
      %get3A_400 = arith.constant 256 : index
      %get3A_401 = tpu.vector_load %arg7[%get3A_400] {strides = array<i32>} : memref<288xi32, #tpu.memory_space<vmem>>, vector<16xi32>,
      %get3A_402 = arith.constant 255 : index
      %get3A_403 = tpu.vector_load %arg7[%get3A_402] {strides = array<i32>} : memref<288xi32, #tpu.memory_space<vmem>>, vector<16xi32>,
      %iota3A_404 = tpu.iota {dimensions = array<i32: 0>} : vector<16xi32>
      %add3A_405 = arith.constant 240 : i32
      %add3A_406 = vector.broadcast %add3A_405 : i32 to vector<16xi32>
      %add3A_407 = arith.addi %iota3A_404, %add3A_406 : vector<16xi32>
      %ne3A_408 = arith.cmpi ne, %get3A_401, %get3A_403 : vector<16xi32>
      %ge3A_409 = vector.broadcast %max3A_124 : i32 to vector<16xi32>
      %ge3A_410 = arith.cmpi sge, %add3A_407, %ge3A_409 : vector<16xi32>
      %and3A_411 = arith.andi %ne3A_408, %ge3A_410 : vector<16xi1>
      %swap3A_412 = arith.index_cast %add3A_399 : i32 to index
      %swap3A_413 = tpu.vector_load %arg9[%swap3A_412] masked %and3A_411 {strides = array<i32>} : memref<272xi32, #tpu.memory_space<vmem>>, vector<16xi32>, vector<16xi1>
      tpu.vector_store %arg9[%swap3A_412], %add3A_407 masked %and3A_411 {strides = array<i32>} : memref<272xi32, #tpu.memory_space<vmem>>, vector<16xi32>, vector<16xi1>
      %all_reduce_population_count3A_414 = tpu.all_reduce %and3A_411 {dim = 0 : i64, kind = #tpu.reduction_kind<sum>} : vector<16xi1> -> vector<16xi32>
      %slice3A_415 = vector.extract_strided_slice %all_reduce_population_count3A_414 {offsets = [0], sizes = [1], strides = [1]} : vector<16xi32> to vector<1xi32>
      %squeeze3A_416 = vector.extract %slice3A_415[0] : i32 from vector<1xi32>
      %add3A_417 = arith.addi %add3A_399, %squeeze3A_416 : i32
      %while3A_418 = arith.constant 0 : i32
      %while3A_419 = arith.subi %add3A_417, %while3A_418 : i32
      %while3A_420 = arith.addi %while3A_418, %while3A_419 : i32
      %while3A_421 = arith.constant 1 : i32
      %while3A_422 = arith.divsi %while3A_419, %while3A_421 : i32
      %while3A_423 = arith.muli %while3A_422, %while3A_421 : i32
      %while3A_424 = arith.addi %while3A_418, %while3A_423 : i32
      %while3A_425 = arith.constant 1 : i32
      %while3A_426:12 = scf.for %while3A_781 = %while3A_418 to %while3A_424 step %while3A_425 iter_args(%while3A_782 = %max3A_124, %while3A_783 = %while3A_96, %while3A_784 = %while3A_97, %while3A_785 = %while3A_98, %while3A_786 = %while3A_100, %while3A_787 = %while3A_101, %while3A_788 = %while3A_102, %while3A_789 = %while3A_103, %while3A_790 = %while3A_104, %while3A_791 = %while3A_105, %while3A_792 = %while3A_106, %while3A_793 = %while3A_107) -> (i32, i32, i32, i32, vector<16xf32>, vector<16xf32>, vector<16xf32>, vector<16xf32>, vector<16xf32>, vector<16xf32>, vector<16xf32>, vector<16xf32>)  : i32 {
        %get3A_794 = arith.index_cast %while3A_781 : i32 to index
        %get3A_795 = tpu.vector_load %arg9[%get3A_794] {strides = array<i32>} : memref<272xi32, #tpu.memory_space<vmem>>, vector<16xi32>,
        %slice3A_796 = vector.extract_strided_slice %get3A_795 {offsets = [0], sizes = [1], strides = [1]} : vector<16xi32> to vector<1xi32>
        %squeeze3A_797 = vector.extract %slice3A_796[0] : i32 from vector<1xi32>
        %parallel_loop3A_798 = arith.constant 1 : i32
        %parallel_loop3A_799:8 = scf.for %parallel_loop3A_835 = %while3A_782 to %squeeze3A_797 step %parallel_loop3A_798 iter_args(%parallel_loop3A_836 = %while3A_786, %parallel_loop3A_837 = %while3A_787, %parallel_loop3A_838 = %while3A_788, %parallel_loop3A_839 = %while3A_789, %parallel_loop3A_840 = %while3A_790, %parallel_loop3A_841 = %while3A_791, %parallel_loop3A_842 = %while3A_792, %parallel_loop3A_843 = %while3A_793) -> (vector<16xf32>, vector<16xf32>, vector<16xf32>, vector<16xf32>, vector<16xf32>, vector<16xf32>, vector<16xf32>, vector<16xf32>)  : i32 {
          %parallel_loop3A_844 = arith.index_cast %parallel_loop3A_835 : i32 to index
          %parallel_loop3A_845 = arith.constant 0 : index
          %parallel_loop3A_846 = tpu.vector_load %arg5[%parallel_loop3A_844, %parallel_loop3A_845] {strides = array<i32>} : memref<256x128xf32, #tpu.memory_space<vmem>>, vector<16xf32>,
          %parallel_loop3A_847 = arith.maximumf %parallel_loop3A_836, %parallel_loop3A_846 : vector<16xf32>
          %parallel_loop3A_848 = arith.index_cast %parallel_loop3A_835 : i32 to index
          %parallel_loop3A_849 = arith.constant 16 : index
          %parallel_loop3A_850 = tpu.vector_load %arg5[%parallel_loop3A_848, %parallel_loop3A_849] {strides = array<i32>} : memref<256x128xf32, #tpu.memory_space<vmem>>, vector<16xf32>,
          %parallel_loop3A_851 = arith.maximumf %parallel_loop3A_837, %parallel_loop3A_850 : vector<16xf32>
          %parallel_loop3A_852 = arith.index_cast %parallel_loop3A_835 : i32 to index
          %parallel_loop3A_853 = arith.constant 32 : index
          %parallel_loop3A_854 = tpu.vector_load %arg5[%parallel_loop3A_852, %parallel_loop3A_853] {strides = array<i32>} : memref<256x128xf32, #tpu.memory_space<vmem>>, vector<16xf32>,
          %parallel_loop3A_855 = arith.maximumf %parallel_loop3A_838, %parallel_loop3A_854 : vector<16xf32>
          %parallel_loop3A_856 = arith.index_cast %parallel_loop3A_835 : i32 to index
          %parallel_loop3A_857 = arith.constant 48 : index
          %parallel_loop3A_858 = tpu.vector_load %arg5[%parallel_loop3A_856, %parallel_loop3A_857] {strides = array<i32>} : memref<256x128xf32, #tpu.memory_space<vmem>>, vector<16xf32>,
          %parallel_loop3A_859 = arith.maximumf %parallel_loop3A_839, %parallel_loop3A_858 : vector<16xf32>
          %parallel_loop3A_860 = arith.index_cast %parallel_loop3A_835 : i32 to index
          %parallel_loop3A_861 = arith.constant 64 : index
          %parallel_loop3A_862 = tpu.vector_load %arg5[%parallel_loop3A_860, %parallel_loop3A_861] {strides = array<i32>} : memref<256x128xf32, #tpu.memory_space<vmem>>, vector<16xf32>,
          %parallel_loop3A_863 = arith.maximumf %parallel_loop3A_840, %parallel_loop3A_862 : vector<16xf32>
          %parallel_loop3A_864 = arith.index_cast %parallel_loop3A_835 : i32 to index
          %parallel_loop3A_865 = arith.constant 80 : index
          %parallel_loop3A_866 = tpu.vector_load %arg5[%parallel_loop3A_864, %parallel_loop3A_865] {strides = array<i32>} : memref<256x128xf32, #tpu.memory_space<vmem>>, vector<16xf32>,
          %parallel_loop3A_867 = arith.maximumf %parallel_loop3A_841, %parallel_loop3A_866 : vector<16xf32>
          %parallel_loop3A_868 = arith.index_cast %parallel_loop3A_835 : i32 to index
          %parallel_loop3A_869 = arith.constant 96 : index
          %parallel_loop3A_870 = tpu.vector_load %arg5[%parallel_loop3A_868, %parallel_loop3A_869] {strides = array<i32>} : memref<256x128xf32, #tpu.memory_space<vmem>>, vector<16xf32>,
          %parallel_loop3A_871 = arith.maximumf %parallel_loop3A_842, %parallel_loop3A_870 : vector<16xf32>
          %parallel_loop3A_872 = arith.index_cast %parallel_loop3A_835 : i32 to index
          %parallel_loop3A_873 = arith.constant 112 : index
          %parallel_loop3A_874 = tpu.vector_load %arg5[%parallel_loop3A_872, %parallel_loop3A_873] {strides = array<i32>} : memref<256x128xf32, #tpu.memory_space<vmem>>, vector<16xf32>,
          %parallel_loop3A_875 = arith.maximumf %parallel_loop3A_843, %parallel_loop3A_874 : vector<16xf32>
          scf.yield %parallel_loop3A_847, %parallel_loop3A_851, %parallel_loop3A_855, %parallel_loop3A_859, %parallel_loop3A_863, %parallel_loop3A_867, %parallel_loop3A_871, %parallel_loop3A_875 : vector<16xf32>, vector<16xf32>, vector<16xf32>, vector<16xf32>, vector<16xf32>, vector<16xf32>, vector<16xf32>, vector<16xf32>
        } {sc.loop_unroll_factor = 4 : i64, sc.parallel_access}
        %add3A_800 = arith.constant 16 : i32
        %add3A_801 = arith.addi %add3A_800, %squeeze3A_797 : i32
        %get3A_802 = arith.index_cast %add3A_801 : i32 to index
        %get3A_803 = tpu.vector_load %arg7[%get3A_802] {strides = array<i32>} : memref<288xi32, #tpu.memory_space<vmem>>, vector<16xi32>,
        %slice3A_804 = vector.extract_strided_slice %get3A_803 {offsets = [0], sizes = [1], strides = [1]} : vector<16xi32> to vector<1xi32>
        %squeeze3A_805 = vector.extract %slice3A_804[0] : i32 from vector<1xi32>
        %add3A_806 = arith.addi %mul3A_122, %squeeze3A_797 : i32
        %lt3A_807 = arith.cmpi slt, %add3A_806, %add3A_4 : i32
        %eq3A_808 = arith.constant 1 : i32
        %eq3A_809 = arith.cmpi eq, %while3A_784, %eq3A_808 : i32
        %ne3A_810 = arith.constant 2 : i32
        %ne3A_811 = arith.cmpi ne, %while3A_784, %ne3A_810 : i32
        %convert_element_type3A_812 = arith.extui %eq3A_809 : i1 to i32
        %cond3A_813 = arith.constant 0 : i32
        %cond3A_814 = arith.cmpi ne, %convert_element_type3A_812, %cond3A_813 : i32
        scf.if %cond3A_814 {
          %and3A_835 = arith.constant 7 : i32
          %and3A_836 = arith.andi %while3A_785, %and3A_835 : i32
          %swap3A_837 = arith.index_cast %and3A_836 : i32 to index
          %swap3A_838 = arith.constant 0 : index
          %swap3A_839 = tpu.vector_load %arg11[%swap3A_837, %swap3A_838] {strides = array<i32>} : memref<8x128xf32, #tpu.memory_space<vmem>>, vector<16xf32>,
          tpu.vector_store %arg11[%swap3A_837, %swap3A_838], %parallel_loop3A_799#0 {strides = array<i32>} : memref<8x128xf32, #tpu.memory_space<vmem>>, vector<16xf32>,
          %swap3A_840 = arith.index_cast %and3A_836 : i32 to index
          %swap3A_841 = arith.constant 16 : index
          %swap3A_842 = tpu.vector_load %arg11[%swap3A_840, %swap3A_841] {strides = array<i32>} : memref<8x128xf32, #tpu.memory_space<vmem>>, vector<16xf32>,
          tpu.vector_store %arg11[%swap3A_840, %swap3A_841], %parallel_loop3A_799#1 {strides = array<i32>} : memref<8x128xf32, #tpu.memory_space<vmem>>, vector<16xf32>,
          %swap3A_843 = arith.index_cast %and3A_836 : i32 to index
          %swap3A_844 = arith.constant 32 : index
          %swap3A_845 = tpu.vector_load %arg11[%swap3A_843, %swap3A_844] {strides = array<i32>} : memref<8x128xf32, #tpu.memory_space<vmem>>, vector<16xf32>,
          tpu.vector_store %arg11[%swap3A_843, %swap3A_844], %parallel_loop3A_799#2 {strides = array<i32>} : memref<8x128xf32, #tpu.memory_space<vmem>>, vector<16xf32>,
          %swap3A_846 = arith.index_cast %and3A_836 : i32 to index
          %swap3A_847 = arith.constant 48 : index
          %swap3A_848 = tpu.vector_load %arg11[%swap3A_846, %swap3A_847] {strides = array<i32>} : memref<8x128xf32, #tpu.memory_space<vmem>>, vector<16xf32>,
          tpu.vector_store %arg11[%swap3A_846, %swap3A_847], %parallel_loop3A_799#3 {strides = array<i32>} : memref<8x128xf32, #tpu.memory_space<vmem>>, vector<16xf32>,
          %swap3A_849 = arith.index_cast %and3A_836 : i32 to index
          %swap3A_850 = arith.constant 64 : index
          %swap3A_851 = tpu.vector_load %arg11[%swap3A_849, %swap3A_850] {strides = array<i32>} : memref<8x128xf32, #tpu.memory_space<vmem>>, vector<16xf32>,
          tpu.vector_store %arg11[%swap3A_849, %swap3A_850], %parallel_loop3A_799#4 {strides = array<i32>} : memref<8x128xf32, #tpu.memory_space<vmem>>, vector<16xf32>,
          %swap3A_852 = arith.index_cast %and3A_836 : i32 to index
          %swap3A_853 = arith.constant 80 : index
          %swap3A_854 = tpu.vector_load %arg11[%swap3A_852, %swap3A_853] {strides = array<i32>} : memref<8x128xf32, #tpu.memory_space<vmem>>, vector<16xf32>,
          tpu.vector_store %arg11[%swap3A_852, %swap3A_853], %parallel_loop3A_799#5 {strides = array<i32>} : memref<8x128xf32, #tpu.memory_space<vmem>>, vector<16xf32>,
          %swap3A_855 = arith.index_cast %and3A_836 : i32 to index
          %swap3A_856 = arith.constant 96 : index
          %swap3A_857 = tpu.vector_load %arg11[%swap3A_855, %swap3A_856] {strides = array<i32>} : memref<8x128xf32, #tpu.memory_space<vmem>>, vector<16xf32>,
          tpu.vector_store %arg11[%swap3A_855, %swap3A_856], %parallel_loop3A_799#6 {strides = array<i32>} : memref<8x128xf32, #tpu.memory_space<vmem>>, vector<16xf32>,
          %swap3A_858 = arith.index_cast %and3A_836 : i32 to index
          %swap3A_859 = arith.constant 112 : index
          %swap3A_860 = tpu.vector_load %arg11[%swap3A_858, %swap3A_859] {strides = array<i32>} : memref<8x128xf32, #tpu.memory_space<vmem>>, vector<16xf32>,
          tpu.vector_store %arg11[%swap3A_858, %swap3A_859], %parallel_loop3A_799#7 {strides = array<i32>} : memref<8x128xf32, #tpu.memory_space<vmem>>, vector<16xf32>,
          %dma_start3A_861 = arith.constant 0 : i32
          %dma_start3A_862 = tpu.memref_slice %arg11[%and3A_836, %dma_start3A_861] : memref<8x128xf32, #tpu.memory_space<vmem>> -> memref<1x128xf32, #tpu.memory_space<vmem>>
          %dma_start3A_863 = tpu.memref_squeeze %dma_start3A_862 : memref<1x128xf32, #tpu.memory_space<vmem>> -> memref<128xf32, #tpu.memory_space<vmem>>
          %dma_start3A_864 = arith.constant 0 : i32
          %dma_start3A_865 = tpu.memref_slice %arg4[%while3A_783, %dma_start3A_864] : memref<10000x128xf32, #tpu.memory_space<hbm>> -> memref<1x128xf32, #tpu.memory_space<hbm>>
          %dma_start3A_866 = tpu.memref_squeeze %dma_start3A_865 : memref<1x128xf32, #tpu.memory_space<hbm>> -> memref<128xf32, #tpu.memory_space<hbm>>
          %dma_start3A_867 = arith.constant 0 : i32
          %dma_start3A_868 = tpu.memref_slice %arg4[%while3A_783, %dma_start3A_867] : memref<10000x128xf32, #tpu.memory_space<hbm>> -> memref<1x128xf32, #tpu.memory_space<hbm>>
          %dma_start3A_869 = tpu.memref_squeeze %dma_start3A_868 : memref<1x128xf32, #tpu.memory_space<hbm>> -> memref<128xf32, #tpu.memory_space<hbm>>
          %dma_start3A_870 = arith.constant 0 : i32
          %dma_start3A_871 = tpu.memref_slice %arg11[%and3A_836, %dma_start3A_870] : memref<8x128xf32, #tpu.memory_space<vmem>> -> memref<1x128xf32, #tpu.memory_space<vmem>>
          %dma_start3A_872 = tpu.memref_squeeze %dma_start3A_871 : memref<1x128xf32, #tpu.memory_space<vmem>> -> memref<128xf32, #tpu.memory_space<vmem>>
          tpu.enqueue_dma source(%dma_start3A_872 : memref<128xf32, #tpu.memory_space<vmem>>) target(%dma_start3A_869 : memref<128xf32, #tpu.memory_space<hbm>>) target_semaphore(%arg16 : memref<!tpu.dma_semaphore, #tpu.memory_space<semaphore_mem>>)
          %eq3A_873 = arith.constant 7 : i32
          %eq3A_874 = arith.cmpi eq, %and3A_836, %eq3A_873 : i32
          %convert_element_type3A_875 = arith.extui %eq3A_874 : i1 to i32
          %cond3A_876 = arith.constant 0 : i32
          %cond3A_877 = arith.cmpi ne, %convert_element_type3A_875, %cond3A_876 : i32
          scf.if %cond3A_877 {
            %dma_wait3A_878 = arith.constant 0 : i32
            %dma_wait3A_879 = arith.constant 0 : i32
            %dma_wait3A_880 = tpu.memref_slice %arg4[%dma_wait3A_878, %dma_wait3A_879] : memref<10000x128xf32, #tpu.memory_space<hbm>> -> memref<1x128xf32, #tpu.memory_space<hbm>>
            %dma_wait3A_881 = tpu.memref_squeeze %dma_wait3A_880 : memref<1x128xf32, #tpu.memory_space<hbm>> -> memref<128xf32, #tpu.memory_space<hbm>>
            %dma_wait3A_882 = arith.constant 0 : i32
            %dma_wait3A_883 = tpu.memref_slice %arg4[%dma_wait3A_878, %dma_wait3A_882] : memref<10000x128xf32, #tpu.memory_space<hbm>> -> memref<1x128xf32, #tpu.memory_space<hbm>>
            %dma_wait3A_884 = tpu.memref_squeeze %dma_wait3A_883 : memref<1x128xf32, #tpu.memory_space<hbm>> -> memref<128xf32, #tpu.memory_space<hbm>>
            tpu.wait_dma2 semaphore(%arg16 : memref<!tpu.dma_semaphore, #tpu.memory_space<semaphore_mem>>) src(%arg12 : memref<128xf32, #tpu.memory_space<vmem>>) dst(%dma_wait3A_884 : memref<128xf32, #tpu.memory_space<hbm>>)
            %dma_wait3A_885 = arith.constant 0 : i32
            %dma_wait3A_886 = arith.constant 0 : i32
            %dma_wait3A_887 = tpu.memref_slice %arg4[%dma_wait3A_885, %dma_wait3A_886] : memref<10000x128xf32, #tpu.memory_space<hbm>> -> memref<1x128xf32, #tpu.memory_space<hbm>>
            %dma_wait3A_888 = tpu.memref_squeeze %dma_wait3A_887 : memref<1x128xf32, #tpu.memory_space<hbm>> -> memref<128xf32, #tpu.memory_space<hbm>>
            %dma_wait3A_889 = arith.constant 0 : i32
            %dma_wait3A_890 = tpu.memref_slice %arg4[%dma_wait3A_885, %dma_wait3A_889] : memref<10000x128xf32, #tpu.memory_space<hbm>> -> memref<1x128xf32, #tpu.memory_space<hbm>>
            %dma_wait3A_891 = tpu.memref_squeeze %dma_wait3A_890 : memref<1x128xf32, #tpu.memory_space<hbm>> -> memref<128xf32, #tpu.memory_space<hbm>>
            tpu.wait_dma2 semaphore(%arg16 : memref<!tpu.dma_semaphore, #tpu.memory_space<semaphore_mem>>) src(%arg12 : memref<128xf32, #tpu.memory_space<vmem>>) dst(%dma_wait3A_891 : memref<128xf32, #tpu.memory_space<hbm>>)
            %dma_wait3A_892 = arith.constant 0 : i32
            %dma_wait3A_893 = arith.constant 0 : i32
            %dma_wait3A_894 = tpu.memref_slice %arg4[%dma_wait3A_892, %dma_wait3A_893] : memref<10000x128xf32, #tpu.memory_space<hbm>> -> memref<1x128xf32, #tpu.memory_space<hbm>>
            %dma_wait3A_895 = tpu.memref_squeeze %dma_wait3A_894 : memref<1x128xf32, #tpu.memory_space<hbm>> -> memref<128xf32, #tpu.memory_space<hbm>>
            %dma_wait3A_896 = arith.constant 0 : i32
            %dma_wait3A_897 = tpu.memref_slice %arg4[%dma_wait3A_892, %dma_wait3A_896] : memref<10000x128xf32, #tpu.memory_space<hbm>> -> memref<1x128xf32, #tpu.memory_space<hbm>>
            %dma_wait3A_898 = tpu.memref_squeeze %dma_wait3A_897 : memref<1x128xf32, #tpu.memory_space<hbm>> -> memref<128xf32, #tpu.memory_space<hbm>>
            tpu.wait_dma2 semaphore(%arg16 : memref<!tpu.dma_semaphore, #tpu.memory_space<semaphore_mem>>) src(%arg12 : memref<128xf32, #tpu.memory_space<vmem>>) dst(%dma_wait3A_898 : memref<128xf32, #tpu.memory_space<hbm>>)
            %dma_wait3A_899 = arith.constant 0 : i32
            %dma_wait3A_900 = arith.constant 0 : i32
            %dma_wait3A_901 = tpu.memref_slice %arg4[%dma_wait3A_899, %dma_wait3A_900] : memref<10000x128xf32, #tpu.memory_space<hbm>> -> memref<1x128xf32, #tpu.memory_space<hbm>>
            %dma_wait3A_902 = tpu.memref_squeeze %dma_wait3A_901 : memref<1x128xf32, #tpu.memory_space<hbm>> -> memref<128xf32, #tpu.memory_space<hbm>>
            %dma_wait3A_903 = arith.constant 0 : i32
            %dma_wait3A_904 = tpu.memref_slice %arg4[%dma_wait3A_899, %dma_wait3A_903] : memref<10000x128xf32, #tpu.memory_space<hbm>> -> memref<1x128xf32, #tpu.memory_space<hbm>>
            %dma_wait3A_905 = tpu.memref_squeeze %dma_wait3A_904 : memref<1x128xf32, #tpu.memory_space<hbm>> -> memref<128xf32, #tpu.memory_space<hbm>>
            tpu.wait_dma2 semaphore(%arg16 : memref<!tpu.dma_semaphore, #tpu.memory_space<semaphore_mem>>) src(%arg12 : memref<128xf32, #tpu.memory_space<vmem>>) dst(%dma_wait3A_905 : memref<128xf32, #tpu.memory_space<hbm>>)
            %dma_wait3A_906 = arith.constant 0 : i32
            %dma_wait3A_907 = arith.constant 0 : i32
            %dma_wait3A_908 = tpu.memref_slice %arg4[%dma_wait3A_906, %dma_wait3A_907] : memref<10000x128xf32, #tpu.memory_space<hbm>> -> memref<1x128xf32, #tpu.memory_space<hbm>>
            %dma_wait3A_909 = tpu.memref_squeeze %dma_wait3A_908 : memref<1x128xf32, #tpu.memory_space<hbm>> -> memref<128xf32, #tpu.memory_space<hbm>>
            %dma_wait3A_910 = arith.constant 0 : i32
            %dma_wait3A_911 = tpu.memref_slice %arg4[%dma_wait3A_906, %dma_wait3A_910] : memref<10000x128xf32, #tpu.memory_space<hbm>> -> memref<1x128xf32, #tpu.memory_space<hbm>>
            %dma_wait3A_912 = tpu.memref_squeeze %dma_wait3A_911 : memref<1x128xf32, #tpu.memory_space<hbm>> -> memref<128xf32, #tpu.memory_space<hbm>>
            tpu.wait_dma2 semaphore(%arg16 : memref<!tpu.dma_semaphore, #tpu.memory_space<semaphore_mem>>) src(%arg12 : memref<128xf32, #tpu.memory_space<vmem>>) dst(%dma_wait3A_912 : memref<128xf32, #tpu.memory_space<hbm>>)
            %dma_wait3A_913 = arith.constant 0 : i32
            %dma_wait3A_914 = arith.constant 0 : i32
            %dma_wait3A_915 = tpu.memref_slice %arg4[%dma_wait3A_913, %dma_wait3A_914] : memref<10000x128xf32, #tpu.memory_space<hbm>> -> memref<1x128xf32, #tpu.memory_space<hbm>>
            %dma_wait3A_916 = tpu.memref_squeeze %dma_wait3A_915 : memref<1x128xf32, #tpu.memory_space<hbm>> -> memref<128xf32, #tpu.memory_space<hbm>>
            %dma_wait3A_917 = arith.constant 0 : i32
            %dma_wait3A_918 = tpu.memref_slice %arg4[%dma_wait3A_913, %dma_wait3A_917] : memref<10000x128xf32, #tpu.memory_space<hbm>> -> memref<1x128xf32, #tpu.memory_space<hbm>>
            %dma_wait3A_919 = tpu.memref_squeeze %dma_wait3A_918 : memref<1x128xf32, #tpu.memory_space<hbm>> -> memref<128xf32, #tpu.memory_space<hbm>>
            tpu.wait_dma2 semaphore(%arg16 : memref<!tpu.dma_semaphore, #tpu.memory_space<semaphore_mem>>) src(%arg12 : memref<128xf32, #tpu.memory_space<vmem>>) dst(%dma_wait3A_919 : memref<128xf32, #tpu.memory_space<hbm>>)
            %dma_wait3A_920 = arith.constant 0 : i32
            %dma_wait3A_921 = arith.constant 0 : i32
            %dma_wait3A_922 = tpu.memref_slice %arg4[%dma_wait3A_920, %dma_wait3A_921] : memref<10000x128xf32, #tpu.memory_space<hbm>> -> memref<1x128xf32, #tpu.memory_space<hbm>>
            %dma_wait3A_923 = tpu.memref_squeeze %dma_wait3A_922 : memref<1x128xf32, #tpu.memory_space<hbm>> -> memref<128xf32, #tpu.memory_space<hbm>>
            %dma_wait3A_924 = arith.constant 0 : i32
            %dma_wait3A_925 = tpu.memref_slice %arg4[%dma_wait3A_920, %dma_wait3A_924] : memref<10000x128xf32, #tpu.memory_space<hbm>> -> memref<1x128xf32, #tpu.memory_space<hbm>>
            %dma_wait3A_926 = tpu.memref_squeeze %dma_wait3A_925 : memref<1x128xf32, #tpu.memory_space<hbm>> -> memref<128xf32, #tpu.memory_space<hbm>>
            tpu.wait_dma2 semaphore(%arg16 : memref<!tpu.dma_semaphore, #tpu.memory_space<semaphore_mem>>) src(%arg12 : memref<128xf32, #tpu.memory_space<vmem>>) dst(%dma_wait3A_926 : memref<128xf32, #tpu.memory_space<hbm>>)
            %dma_wait3A_927 = arith.constant 0 : i32
            %dma_wait3A_928 = arith.constant 0 : i32
            %dma_wait3A_929 = tpu.memref_slice %arg4[%dma_wait3A_927, %dma_wait3A_928] : memref<10000x128xf32, #tpu.memory_space<hbm>> -> memref<1x128xf32, #tpu.memory_space<hbm>>
            %dma_wait3A_930 = tpu.memref_squeeze %dma_wait3A_929 : memref<1x128xf32, #tpu.memory_space<hbm>> -> memref<128xf32, #tpu.memory_space<hbm>>
            %dma_wait3A_931 = arith.constant 0 : i32
            %dma_wait3A_932 = tpu.memref_slice %arg4[%dma_wait3A_927, %dma_wait3A_931] : memref<10000x128xf32, #tpu.memory_space<hbm>> -> memref<1x128xf32, #tpu.memory_space<hbm>>
            %dma_wait3A_933 = tpu.memref_squeeze %dma_wait3A_932 : memref<1x128xf32, #tpu.memory_space<hbm>> -> memref<128xf32, #tpu.memory_space<hbm>>
            tpu.wait_dma2 semaphore(%arg16 : memref<!tpu.dma_semaphore, #tpu.memory_space<semaphore_mem>>) src(%arg12 : memref<128xf32, #tpu.memory_space<vmem>>) dst(%dma_wait3A_933 : memref<128xf32, #tpu.memory_space<hbm>>)
          } else {
          }
        } else {
        }
        %and3A_815 = arith.andi %ne3A_811, %lt3A_807 : i1
        %convert_element_type3A_816 = arith.extui %and3A_815 : i1 to i32
        %cond3A_817 = arith.constant 0 : i32
        %cond3A_818 = arith.cmpi ne, %convert_element_type3A_816, %cond3A_817 : i32
        scf.if %cond3A_818 {
          %select_n3A_835 = arith.select %eq3A_809, %while3A_783, %squeeze3A : i32
          %add3A_836 = arith.constant 1 : i32
          %add3A_837 = arith.addi %select_n3A_835, %add3A_836 : i32
          %while3A_838 = arith.constant 0 : i32
          %while3A_839 = arith.subi %squeeze3A_805, %add3A_837 : i32
          %while3A_840 = arith.addi %add3A_837, %while3A_839 : i32
          %while3A_841 = arith.constant 1 : i32
          %while3A_842 = arith.divsi %while3A_839, %while3A_841 : i32
          %while3A_843 = arith.muli %while3A_842, %while3A_841 : i32
          %while3A_844 = arith.addi %add3A_837, %while3A_843 : i32
          %while3A_845 = arith.constant 1 : i32
          scf.for %while3A_847 = %add3A_837 to %while3A_844 step %while3A_845  : i32 {
            "tpu.region"() ({
              %run_scoped3A = tpu.sem_alloc : memref<!tpu.dma_semaphore, #tpu.memory_space<semaphore_mem>>
              %dma_start3A_848 = arith.constant 0 : i32
              %dma_start3A_849 = tpu.memref_slice %arg4[%while3A_847, %dma_start3A_848] : memref<10000x128xf32, #tpu.memory_space<hbm>> -> memref<1x128xf32, #tpu.memory_space<hbm>>
              %dma_start3A_850 = tpu.memref_squeeze %dma_start3A_849 : memref<1x128xf32, #tpu.memory_space<hbm>> -> memref<128xf32, #tpu.memory_space<hbm>>
              %dma_start3A_851 = arith.constant 0 : i32
              %dma_start3A_852 = tpu.memref_slice %arg4[%while3A_847, %dma_start3A_851] : memref<10000x128xf32, #tpu.memory_space<hbm>> -> memref<1x128xf32, #tpu.memory_space<hbm>>
              %dma_start3A_853 = tpu.memref_squeeze %dma_start3A_852 : memref<1x128xf32, #tpu.memory_space<hbm>> -> memref<128xf32, #tpu.memory_space<hbm>>
              tpu.enqueue_dma source(%arg12 : memref<128xf32, #tpu.memory_space<vmem>>) target(%dma_start3A_853 : memref<128xf32, #tpu.memory_space<hbm>>) target_semaphore(%run_scoped3A : memref<!tpu.dma_semaphore, #tpu.memory_space<semaphore_mem>>)
              %dma_wait3A_854 = arith.constant 0 : i32
              %dma_wait3A_855 = tpu.memref_slice %arg4[%while3A_847, %dma_wait3A_854] : memref<10000x128xf32, #tpu.memory_space<hbm>> -> memref<1x128xf32, #tpu.memory_space<hbm>>
              %dma_wait3A_856 = tpu.memref_squeeze %dma_wait3A_855 : memref<1x128xf32, #tpu.memory_space<hbm>> -> memref<128xf32, #tpu.memory_space<hbm>>
              %dma_wait3A_857 = arith.constant 0 : i32
              %dma_wait3A_858 = tpu.memref_slice %arg4[%while3A_847, %dma_wait3A_857] : memref<10000x128xf32, #tpu.memory_space<hbm>> -> memref<1x128xf32, #tpu.memory_space<hbm>>
              %dma_wait3A_859 = tpu.memref_squeeze %dma_wait3A_858 : memref<1x128xf32, #tpu.memory_space<hbm>> -> memref<128xf32, #tpu.memory_space<hbm>>
              tpu.wait_dma2 semaphore(%run_scoped3A : memref<!tpu.dma_semaphore, #tpu.memory_space<semaphore_mem>>) src(%arg12 : memref<128xf32, #tpu.memory_space<vmem>>) dst(%dma_wait3A_859 : memref<128xf32, #tpu.memory_space<hbm>>)
              tpu.yield
            }) : () -> ()
          }
          %while3A_846 = arith.constant 1 : i32
          scf.for %while3A_847 = %while3A_844 to %while3A_840 step %while3A_846  : i32 {
            "tpu.region"() ({
              %run_scoped3A = tpu.sem_alloc : memref<!tpu.dma_semaphore, #tpu.memory_space<semaphore_mem>>
              %dma_start3A_848 = arith.constant 0 : i32
              %dma_start3A_849 = tpu.memref_slice %arg4[%while3A_847, %dma_start3A_848] : memref<10000x128xf32, #tpu.memory_space<hbm>> -> memref<1x128xf32, #tpu.memory_space<hbm>>
              %dma_start3A_850 = tpu.memref_squeeze %dma_start3A_849 : memref<1x128xf32, #tpu.memory_space<hbm>> -> memref<128xf32, #tpu.memory_space<hbm>>
              %dma_start3A_851 = arith.constant 0 : i32
              %dma_start3A_852 = tpu.memref_slice %arg4[%while3A_847, %dma_start3A_851] : memref<10000x128xf32, #tpu.memory_space<hbm>> -> memref<1x128xf32, #tpu.memory_space<hbm>>
              %dma_start3A_853 = tpu.memref_squeeze %dma_start3A_852 : memref<1x128xf32, #tpu.memory_space<hbm>> -> memref<128xf32, #tpu.memory_space<hbm>>
              tpu.enqueue_dma source(%arg12 : memref<128xf32, #tpu.memory_space<vmem>>) target(%dma_start3A_853 : memref<128xf32, #tpu.memory_space<hbm>>) target_semaphore(%run_scoped3A : memref<!tpu.dma_semaphore, #tpu.memory_space<semaphore_mem>>)
              %dma_wait3A_854 = arith.constant 0 : i32
              %dma_wait3A_855 = tpu.memref_slice %arg4[%while3A_847, %dma_wait3A_854] : memref<10000x128xf32, #tpu.memory_space<hbm>> -> memref<1x128xf32, #tpu.memory_space<hbm>>
              %dma_wait3A_856 = tpu.memref_squeeze %dma_wait3A_855 : memref<1x128xf32, #tpu.memory_space<hbm>> -> memref<128xf32, #tpu.memory_space<hbm>>
              %dma_wait3A_857 = arith.constant 0 : i32
              %dma_wait3A_858 = tpu.memref_slice %arg4[%while3A_847, %dma_wait3A_857] : memref<10000x128xf32, #tpu.memory_space<hbm>> -> memref<1x128xf32, #tpu.memory_space<hbm>>
              %dma_wait3A_859 = tpu.memref_squeeze %dma_wait3A_858 : memref<1x128xf32, #tpu.memory_space<hbm>> -> memref<128xf32, #tpu.memory_space<hbm>>
              tpu.wait_dma2 semaphore(%run_scoped3A : memref<!tpu.dma_semaphore, #tpu.memory_space<semaphore_mem>>) src(%arg12 : memref<128xf32, #tpu.memory_space<vmem>>) dst(%dma_wait3A_859 : memref<128xf32, #tpu.memory_space<hbm>>)
              tpu.yield
            }) : () -> ()
          }
        } else {
        }
        %and3A_819 = arith.andi %ne3A_811, %lt3A_807 : i1
        %jit3A_820 = arith.constant 1 : i32
        %jit3A_821 = arith.constant 2 : i32
        %select_n3A_822 = arith.select %lt3A_807, %jit3A_820, %jit3A_821 : i32
        %select_n3A_823 = arith.select %ne3A_811, %select_n3A_822, %while3A_784 : i32
        %select_n3A_824 = arith.select %and3A_819, %squeeze3A_805, %while3A_783 : i32
        %convert_element_type3A_825 = arith.extui %eq3A_809 : i1 to i32
        %add3A_826 = arith.addi %while3A_785, %convert_element_type3A_825 : i32
        %select_n3A_827 = arith.select %and3A_819, %broadcast_in_dim3A_5, %parallel_loop3A_799#0 : vector<16xf32>
        %select_n3A_828 = arith.select %and3A_819, %broadcast_in_dim3A_5, %parallel_loop3A_799#1 : vector<16xf32>
        %select_n3A_829 = arith.select %and3A_819, %broadcast_in_dim3A_5, %parallel_loop3A_799#2 : vector<16xf32>
        %select_n3A_830 = arith.select %and3A_819, %broadcast_in_dim3A_5, %parallel_loop3A_799#3 : vector<16xf32>
        %select_n3A_831 = arith.select %and3A_819, %broadcast_in_dim3A_5, %parallel_loop3A_799#4 : vector<16xf32>
        %select_n3A_832 = arith.select %and3A_819, %broadcast_in_dim3A_5, %parallel_loop3A_799#5 : vector<16xf32>
        %select_n3A_833 = arith.select %and3A_819, %broadcast_in_dim3A_5, %parallel_loop3A_799#6 : vector<16xf32>
        %select_n3A_834 = arith.select %and3A_819, %broadcast_in_dim3A_5, %parallel_loop3A_799#7 : vector<16xf32>
        scf.yield %squeeze3A_797, %select_n3A_824, %select_n3A_823, %add3A_826, %select_n3A_827, %select_n3A_828, %select_n3A_829, %select_n3A_830, %select_n3A_831, %select_n3A_832, %select_n3A_833, %select_n3A_834 : i32, i32, i32, i32, vector<16xf32>, vector<16xf32>, vector<16xf32>, vector<16xf32>, vector<16xf32>, vector<16xf32>, vector<16xf32>, vector<16xf32>
      }
      %while3A_427 = arith.constant 1 : i32
      %while3A_428:12 = scf.for %while3A_781 = %while3A_424 to %while3A_420 step %while3A_427 iter_args(%while3A_782 = %while3A_426#0, %while3A_783 = %while3A_426#1, %while3A_784 = %while3A_426#2, %while3A_785 = %while3A_426#3, %while3A_786 = %while3A_426#4, %while3A_787 = %while3A_426#5, %while3A_788 = %while3A_426#6, %while3A_789 = %while3A_426#7, %while3A_790 = %while3A_426#8, %while3A_791 = %while3A_426#9, %while3A_792 = %while3A_426#10, %while3A_793 = %while3A_426#11) -> (i32, i32, i32, i32, vector<16xf32>, vector<16xf32>, vector<16xf32>, vector<16xf32>, vector<16xf32>, vector<16xf32>, vector<16xf32>, vector<16xf32>)  : i32 {
        %get3A_794 = arith.index_cast %while3A_781 : i32 to index
        %get3A_795 = tpu.vector_load %arg9[%get3A_794] {strides = array<i32>} : memref<272xi32, #tpu.memory_space<vmem>>, vector<16xi32>,
        %slice3A_796 = vector.extract_strided_slice %get3A_795 {offsets = [0], sizes = [1], strides = [1]} : vector<16xi32> to vector<1xi32>
        %squeeze3A_797 = vector.extract %slice3A_796[0] : i32 from vector<1xi32>
        %parallel_loop3A_798 = arith.constant 1 : i32
        %parallel_loop3A_799:8 = scf.for %parallel_loop3A_835 = %while3A_782 to %squeeze3A_797 step %parallel_loop3A_798 iter_args(%parallel_loop3A_836 = %while3A_786, %parallel_loop3A_837 = %while3A_787, %parallel_loop3A_838 = %while3A_788, %parallel_loop3A_839 = %while3A_789, %parallel_loop3A_840 = %while3A_790, %parallel_loop3A_841 = %while3A_791, %parallel_loop3A_842 = %while3A_792, %parallel_loop3A_843 = %while3A_793) -> (vector<16xf32>, vector<16xf32>, vector<16xf32>, vector<16xf32>, vector<16xf32>, vector<16xf32>, vector<16xf32>, vector<16xf32>)  : i32 {
          %parallel_loop3A_844 = arith.index_cast %parallel_loop3A_835 : i32 to index
          %parallel_loop3A_845 = arith.constant 0 : index
          %parallel_loop3A_846 = tpu.vector_load %arg5[%parallel_loop3A_844, %parallel_loop3A_845] {strides = array<i32>} : memref<256x128xf32, #tpu.memory_space<vmem>>, vector<16xf32>,
          %parallel_loop3A_847 = arith.maximumf %parallel_loop3A_836, %parallel_loop3A_846 : vector<16xf32>
          %parallel_loop3A_848 = arith.index_cast %parallel_loop3A_835 : i32 to index
          %parallel_loop3A_849 = arith.constant 16 : index
          %parallel_loop3A_850 = tpu.vector_load %arg5[%parallel_loop3A_848, %parallel_loop3A_849] {strides = array<i32>} : memref<256x128xf32, #tpu.memory_space<vmem>>, vector<16xf32>,
          %parallel_loop3A_851 = arith.maximumf %parallel_loop3A_837, %parallel_loop3A_850 : vector<16xf32>
          %parallel_loop3A_852 = arith.index_cast %parallel_loop3A_835 : i32 to index
          %parallel_loop3A_853 = arith.constant 32 : index
          %parallel_loop3A_854 = tpu.vector_load %arg5[%parallel_loop3A_852, %parallel_loop3A_853] {strides = array<i32>} : memref<256x128xf32, #tpu.memory_space<vmem>>, vector<16xf32>,
          %parallel_loop3A_855 = arith.maximumf %parallel_loop3A_838, %parallel_loop3A_854 : vector<16xf32>
          %parallel_loop3A_856 = arith.index_cast %parallel_loop3A_835 : i32 to index
          %parallel_loop3A_857 = arith.constant 48 : index
          %parallel_loop3A_858 = tpu.vector_load %arg5[%parallel_loop3A_856, %parallel_loop3A_857] {strides = array<i32>} : memref<256x128xf32, #tpu.memory_space<vmem>>, vector<16xf32>,
          %parallel_loop3A_859 = arith.maximumf %parallel_loop3A_839, %parallel_loop3A_858 : vector<16xf32>
          %parallel_loop3A_860 = arith.index_cast %parallel_loop3A_835 : i32 to index
          %parallel_loop3A_861 = arith.constant 64 : index
          %parallel_loop3A_862 = tpu.vector_load %arg5[%parallel_loop3A_860, %parallel_loop3A_861] {strides = array<i32>} : memref<256x128xf32, #tpu.memory_space<vmem>>, vector<16xf32>,
          %parallel_loop3A_863 = arith.maximumf %parallel_loop3A_840, %parallel_loop3A_862 : vector<16xf32>
          %parallel_loop3A_864 = arith.index_cast %parallel_loop3A_835 : i32 to index
          %parallel_loop3A_865 = arith.constant 80 : index
          %parallel_loop3A_866 = tpu.vector_load %arg5[%parallel_loop3A_864, %parallel_loop3A_865] {strides = array<i32>} : memref<256x128xf32, #tpu.memory_space<vmem>>, vector<16xf32>,
          %parallel_loop3A_867 = arith.maximumf %parallel_loop3A_841, %parallel_loop3A_866 : vector<16xf32>
          %parallel_loop3A_868 = arith.index_cast %parallel_loop3A_835 : i32 to index
          %parallel_loop3A_869 = arith.constant 96 : index
          %parallel_loop3A_870 = tpu.vector_load %arg5[%parallel_loop3A_868, %parallel_loop3A_869] {strides = array<i32>} : memref<256x128xf32, #tpu.memory_space<vmem>>, vector<16xf32>,
          %parallel_loop3A_871 = arith.maximumf %parallel_loop3A_842, %parallel_loop3A_870 : vector<16xf32>
          %parallel_loop3A_872 = arith.index_cast %parallel_loop3A_835 : i32 to index
          %parallel_loop3A_873 = arith.constant 112 : index
          %parallel_loop3A_874 = tpu.vector_load %arg5[%parallel_loop3A_872, %parallel_loop3A_873] {strides = array<i32>} : memref<256x128xf32, #tpu.memory_space<vmem>>, vector<16xf32>,
          %parallel_loop3A_875 = arith.maximumf %parallel_loop3A_843, %parallel_loop3A_874 : vector<16xf32>
          scf.yield %parallel_loop3A_847, %parallel_loop3A_851, %parallel_loop3A_855, %parallel_loop3A_859, %parallel_loop3A_863, %parallel_loop3A_867, %parallel_loop3A_871, %parallel_loop3A_875 : vector<16xf32>, vector<16xf32>, vector<16xf32>, vector<16xf32>, vector<16xf32>, vector<16xf32>, vector<16xf32>, vector<16xf32>
        } {sc.loop_unroll_factor = 4 : i64, sc.parallel_access}
        %add3A_800 = arith.constant 16 : i32
        %add3A_801 = arith.addi %add3A_800, %squeeze3A_797 : i32
        %get3A_802 = arith.index_cast %add3A_801 : i32 to index
        %get3A_803 = tpu.vector_load %arg7[%get3A_802] {strides = array<i32>} : memref<288xi32, #tpu.memory_space<vmem>>, vector<16xi32>,
        %slice3A_804 = vector.extract_strided_slice %get3A_803 {offsets = [0], sizes = [1], strides = [1]} : vector<16xi32> to vector<1xi32>
        %squeeze3A_805 = vector.extract %slice3A_804[0] : i32 from vector<1xi32>
        %add3A_806 = arith.addi %mul3A_122, %squeeze3A_797 : i32
        %lt3A_807 = arith.cmpi slt, %add3A_806, %add3A_4 : i32
        %eq3A_808 = arith.constant 1 : i32
        %eq3A_809 = arith.cmpi eq, %while3A_784, %eq3A_808 : i32
        %ne3A_810 = arith.constant 2 : i32
        %ne3A_811 = arith.cmpi ne, %while3A_784, %ne3A_810 : i32
        %convert_element_type3A_812 = arith.extui %eq3A_809 : i1 to i32
        %cond3A_813 = arith.constant 0 : i32
        %cond3A_814 = arith.cmpi ne, %convert_element_type3A_812, %cond3A_813 : i32
        scf.if %cond3A_814 {
          %and3A_835 = arith.constant 7 : i32
          %and3A_836 = arith.andi %while3A_785, %and3A_835 : i32
          %swap3A_837 = arith.index_cast %and3A_836 : i32 to index
          %swap3A_838 = arith.constant 0 : index
          %swap3A_839 = tpu.vector_load %arg11[%swap3A_837, %swap3A_838] {strides = array<i32>} : memref<8x128xf32, #tpu.memory_space<vmem>>, vector<16xf32>,
          tpu.vector_store %arg11[%swap3A_837, %swap3A_838], %parallel_loop3A_799#0 {strides = array<i32>} : memref<8x128xf32, #tpu.memory_space<vmem>>, vector<16xf32>,
          %swap3A_840 = arith.index_cast %and3A_836 : i32 to index
          %swap3A_841 = arith.constant 16 : index
          %swap3A_842 = tpu.vector_load %arg11[%swap3A_840, %swap3A_841] {strides = array<i32>} : memref<8x128xf32, #tpu.memory_space<vmem>>, vector<16xf32>,
          tpu.vector_store %arg11[%swap3A_840, %swap3A_841], %parallel_loop3A_799#1 {strides = array<i32>} : memref<8x128xf32, #tpu.memory_space<vmem>>, vector<16xf32>,
          %swap3A_843 = arith.index_cast %and3A_836 : i32 to index
          %swap3A_844 = arith.constant 32 : index
          %swap3A_845 = tpu.vector_load %arg11[%swap3A_843, %swap3A_844] {strides = array<i32>} : memref<8x128xf32, #tpu.memory_space<vmem>>, vector<16xf32>,
          tpu.vector_store %arg11[%swap3A_843, %swap3A_844], %parallel_loop3A_799#2 {strides = array<i32>} : memref<8x128xf32, #tpu.memory_space<vmem>>, vector<16xf32>,
          %swap3A_846 = arith.index_cast %and3A_836 : i32 to index
          %swap3A_847 = arith.constant 48 : index
          %swap3A_848 = tpu.vector_load %arg11[%swap3A_846, %swap3A_847] {strides = array<i32>} : memref<8x128xf32, #tpu.memory_space<vmem>>, vector<16xf32>,
          tpu.vector_store %arg11[%swap3A_846, %swap3A_847], %parallel_loop3A_799#3 {strides = array<i32>} : memref<8x128xf32, #tpu.memory_space<vmem>>, vector<16xf32>,
          %swap3A_849 = arith.index_cast %and3A_836 : i32 to index
          %swap3A_850 = arith.constant 64 : index
          %swap3A_851 = tpu.vector_load %arg11[%swap3A_849, %swap3A_850] {strides = array<i32>} : memref<8x128xf32, #tpu.memory_space<vmem>>, vector<16xf32>,
          tpu.vector_store %arg11[%swap3A_849, %swap3A_850], %parallel_loop3A_799#4 {strides = array<i32>} : memref<8x128xf32, #tpu.memory_space<vmem>>, vector<16xf32>,
          %swap3A_852 = arith.index_cast %and3A_836 : i32 to index
          %swap3A_853 = arith.constant 80 : index
          %swap3A_854 = tpu.vector_load %arg11[%swap3A_852, %swap3A_853] {strides = array<i32>} : memref<8x128xf32, #tpu.memory_space<vmem>>, vector<16xf32>,
          tpu.vector_store %arg11[%swap3A_852, %swap3A_853], %parallel_loop3A_799#5 {strides = array<i32>} : memref<8x128xf32, #tpu.memory_space<vmem>>, vector<16xf32>,
          %swap3A_855 = arith.index_cast %and3A_836 : i32 to index
          %swap3A_856 = arith.constant 96 : index
          %swap3A_857 = tpu.vector_load %arg11[%swap3A_855, %swap3A_856] {strides = array<i32>} : memref<8x128xf32, #tpu.memory_space<vmem>>, vector<16xf32>,
          tpu.vector_store %arg11[%swap3A_855, %swap3A_856], %parallel_loop3A_799#6 {strides = array<i32>} : memref<8x128xf32, #tpu.memory_space<vmem>>, vector<16xf32>,
          %swap3A_858 = arith.index_cast %and3A_836 : i32 to index
          %swap3A_859 = arith.constant 112 : index
          %swap3A_860 = tpu.vector_load %arg11[%swap3A_858, %swap3A_859] {strides = array<i32>} : memref<8x128xf32, #tpu.memory_space<vmem>>, vector<16xf32>,
          tpu.vector_store %arg11[%swap3A_858, %swap3A_859], %parallel_loop3A_799#7 {strides = array<i32>} : memref<8x128xf32, #tpu.memory_space<vmem>>, vector<16xf32>,
          %dma_start3A_861 = arith.constant 0 : i32
          %dma_start3A_862 = tpu.memref_slice %arg11[%and3A_836, %dma_start3A_861] : memref<8x128xf32, #tpu.memory_space<vmem>> -> memref<1x128xf32, #tpu.memory_space<vmem>>
          %dma_start3A_863 = tpu.memref_squeeze %dma_start3A_862 : memref<1x128xf32, #tpu.memory_space<vmem>> -> memref<128xf32, #tpu.memory_space<vmem>>
          %dma_start3A_864 = arith.constant 0 : i32
          %dma_start3A_865 = tpu.memref_slice %arg4[%while3A_783, %dma_start3A_864] : memref<10000x128xf32, #tpu.memory_space<hbm>> -> memref<1x128xf32, #tpu.memory_space<hbm>>
          %dma_start3A_866 = tpu.memref_squeeze %dma_start3A_865 : memref<1x128xf32, #tpu.memory_space<hbm>> -> memref<128xf32, #tpu.memory_space<hbm>>
          %dma_start3A_867 = arith.constant 0 : i32
          %dma_start3A_868 = tpu.memref_slice %arg4[%while3A_783, %dma_start3A_867] : memref<10000x128xf32, #tpu.memory_space<hbm>> -> memref<1x128xf32, #tpu.memory_space<hbm>>
          %dma_start3A_869 = tpu.memref_squeeze %dma_start3A_868 : memref<1x128xf32, #tpu.memory_space<hbm>> -> memref<128xf32, #tpu.memory_space<hbm>>
          %dma_start3A_870 = arith.constant 0 : i32
          %dma_start3A_871 = tpu.memref_slice %arg11[%and3A_836, %dma_start3A_870] : memref<8x128xf32, #tpu.memory_space<vmem>> -> memref<1x128xf32, #tpu.memory_space<vmem>>
          %dma_start3A_872 = tpu.memref_squeeze %dma_start3A_871 : memref<1x128xf32, #tpu.memory_space<vmem>> -> memref<128xf32, #tpu.memory_space<vmem>>
          tpu.enqueue_dma source(%dma_start3A_872 : memref<128xf32, #tpu.memory_space<vmem>>) target(%dma_start3A_869 : memref<128xf32, #tpu.memory_space<hbm>>) target_semaphore(%arg16 : memref<!tpu.dma_semaphore, #tpu.memory_space<semaphore_mem>>)
          %eq3A_873 = arith.constant 7 : i32
          %eq3A_874 = arith.cmpi eq, %and3A_836, %eq3A_873 : i32
          %convert_element_type3A_875 = arith.extui %eq3A_874 : i1 to i32
          %cond3A_876 = arith.constant 0 : i32
          %cond3A_877 = arith.cmpi ne, %convert_element_type3A_875, %cond3A_876 : i32
          scf.if %cond3A_877 {
            %dma_wait3A_878 = arith.constant 0 : i32
            %dma_wait3A_879 = arith.constant 0 : i32
            %dma_wait3A_880 = tpu.memref_slice %arg4[%dma_wait3A_878, %dma_wait3A_879] : memref<10000x128xf32, #tpu.memory_space<hbm>> -> memref<1x128xf32, #tpu.memory_space<hbm>>
            %dma_wait3A_881 = tpu.memref_squeeze %dma_wait3A_880 : memref<1x128xf32, #tpu.memory_space<hbm>> -> memref<128xf32, #tpu.memory_space<hbm>>
            %dma_wait3A_882 = arith.constant 0 : i32
            %dma_wait3A_883 = tpu.memref_slice %arg4[%dma_wait3A_878, %dma_wait3A_882] : memref<10000x128xf32, #tpu.memory_space<hbm>> -> memref<1x128xf32, #tpu.memory_space<hbm>>
            %dma_wait3A_884 = tpu.memref_squeeze %dma_wait3A_883 : memref<1x128xf32, #tpu.memory_space<hbm>> -> memref<128xf32, #tpu.memory_space<hbm>>
            tpu.wait_dma2 semaphore(%arg16 : memref<!tpu.dma_semaphore, #tpu.memory_space<semaphore_mem>>) src(%arg12 : memref<128xf32, #tpu.memory_space<vmem>>) dst(%dma_wait3A_884 : memref<128xf32, #tpu.memory_space<hbm>>)
            %dma_wait3A_885 = arith.constant 0 : i32
            %dma_wait3A_886 = arith.constant 0 : i32
            %dma_wait3A_887 = tpu.memref_slice %arg4[%dma_wait3A_885, %dma_wait3A_886] : memref<10000x128xf32, #tpu.memory_space<hbm>> -> memref<1x128xf32, #tpu.memory_space<hbm>>
            %dma_wait3A_888 = tpu.memref_squeeze %dma_wait3A_887 : memref<1x128xf32, #tpu.memory_space<hbm>> -> memref<128xf32, #tpu.memory_space<hbm>>
            %dma_wait3A_889 = arith.constant 0 : i32
            %dma_wait3A_890 = tpu.memref_slice %arg4[%dma_wait3A_885, %dma_wait3A_889] : memref<10000x128xf32, #tpu.memory_space<hbm>> -> memref<1x128xf32, #tpu.memory_space<hbm>>
            %dma_wait3A_891 = tpu.memref_squeeze %dma_wait3A_890 : memref<1x128xf32, #tpu.memory_space<hbm>> -> memref<128xf32, #tpu.memory_space<hbm>>
            tpu.wait_dma2 semaphore(%arg16 : memref<!tpu.dma_semaphore, #tpu.memory_space<semaphore_mem>>) src(%arg12 : memref<128xf32, #tpu.memory_space<vmem>>) dst(%dma_wait3A_891 : memref<128xf32, #tpu.memory_space<hbm>>)
            %dma_wait3A_892 = arith.constant 0 : i32
            %dma_wait3A_893 = arith.constant 0 : i32
            %dma_wait3A_894 = tpu.memref_slice %arg4[%dma_wait3A_892, %dma_wait3A_893] : memref<10000x128xf32, #tpu.memory_space<hbm>> -> memref<1x128xf32, #tpu.memory_space<hbm>>
            %dma_wait3A_895 = tpu.memref_squeeze %dma_wait3A_894 : memref<1x128xf32, #tpu.memory_space<hbm>> -> memref<128xf32, #tpu.memory_space<hbm>>
            %dma_wait3A_896 = arith.constant 0 : i32
            %dma_wait3A_897 = tpu.memref_slice %arg4[%dma_wait3A_892, %dma_wait3A_896] : memref<10000x128xf32, #tpu.memory_space<hbm>> -> memref<1x128xf32, #tpu.memory_space<hbm>>
            %dma_wait3A_898 = tpu.memref_squeeze %dma_wait3A_897 : memref<1x128xf32, #tpu.memory_space<hbm>> -> memref<128xf32, #tpu.memory_space<hbm>>
            tpu.wait_dma2 semaphore(%arg16 : memref<!tpu.dma_semaphore, #tpu.memory_space<semaphore_mem>>) src(%arg12 : memref<128xf32, #tpu.memory_space<vmem>>) dst(%dma_wait3A_898 : memref<128xf32, #tpu.memory_space<hbm>>)
            %dma_wait3A_899 = arith.constant 0 : i32
            %dma_wait3A_900 = arith.constant 0 : i32
            %dma_wait3A_901 = tpu.memref_slice %arg4[%dma_wait3A_899, %dma_wait3A_900] : memref<10000x128xf32, #tpu.memory_space<hbm>> -> memref<1x128xf32, #tpu.memory_space<hbm>>
            %dma_wait3A_902 = tpu.memref_squeeze %dma_wait3A_901 : memref<1x128xf32, #tpu.memory_space<hbm>> -> memref<128xf32, #tpu.memory_space<hbm>>
            %dma_wait3A_903 = arith.constant 0 : i32
            %dma_wait3A_904 = tpu.memref_slice %arg4[%dma_wait3A_899, %dma_wait3A_903] : memref<10000x128xf32, #tpu.memory_space<hbm>> -> memref<1x128xf32, #tpu.memory_space<hbm>>
            %dma_wait3A_905 = tpu.memref_squeeze %dma_wait3A_904 : memref<1x128xf32, #tpu.memory_space<hbm>> -> memref<128xf32, #tpu.memory_space<hbm>>
            tpu.wait_dma2 semaphore(%arg16 : memref<!tpu.dma_semaphore, #tpu.memory_space<semaphore_mem>>) src(%arg12 : memref<128xf32, #tpu.memory_space<vmem>>) dst(%dma_wait3A_905 : memref<128xf32, #tpu.memory_space<hbm>>)
            %dma_wait3A_906 = arith.constant 0 : i32
            %dma_wait3A_907 = arith.constant 0 : i32
            %dma_wait3A_908 = tpu.memref_slice %arg4[%dma_wait3A_906, %dma_wait3A_907] : memref<10000x128xf32, #tpu.memory_space<hbm>> -> memref<1x128xf32, #tpu.memory_space<hbm>>
            %dma_wait3A_909 = tpu.memref_squeeze %dma_wait3A_908 : memref<1x128xf32, #tpu.memory_space<hbm>> -> memref<128xf32, #tpu.memory_space<hbm>>
            %dma_wait3A_910 = arith.constant 0 : i32
            %dma_wait3A_911 = tpu.memref_slice %arg4[%dma_wait3A_906, %dma_wait3A_910] : memref<10000x128xf32, #tpu.memory_space<hbm>> -> memref<1x128xf32, #tpu.memory_space<hbm>>
            %dma_wait3A_912 = tpu.memref_squeeze %dma_wait3A_911 : memref<1x128xf32, #tpu.memory_space<hbm>> -> memref<128xf32, #tpu.memory_space<hbm>>
            tpu.wait_dma2 semaphore(%arg16 : memref<!tpu.dma_semaphore, #tpu.memory_space<semaphore_mem>>) src(%arg12 : memref<128xf32, #tpu.memory_space<vmem>>) dst(%dma_wait3A_912 : memref<128xf32, #tpu.memory_space<hbm>>)
            %dma_wait3A_913 = arith.constant 0 : i32
            %dma_wait3A_914 = arith.constant 0 : i32
            %dma_wait3A_915 = tpu.memref_slice %arg4[%dma_wait3A_913, %dma_wait3A_914] : memref<10000x128xf32, #tpu.memory_space<hbm>> -> memref<1x128xf32, #tpu.memory_space<hbm>>
            %dma_wait3A_916 = tpu.memref_squeeze %dma_wait3A_915 : memref<1x128xf32, #tpu.memory_space<hbm>> -> memref<128xf32, #tpu.memory_space<hbm>>
            %dma_wait3A_917 = arith.constant 0 : i32
            %dma_wait3A_918 = tpu.memref_slice %arg4[%dma_wait3A_913, %dma_wait3A_917] : memref<10000x128xf32, #tpu.memory_space<hbm>> -> memref<1x128xf32, #tpu.memory_space<hbm>>
            %dma_wait3A_919 = tpu.memref_squeeze %dma_wait3A_918 : memref<1x128xf32, #tpu.memory_space<hbm>> -> memref<128xf32, #tpu.memory_space<hbm>>
            tpu.wait_dma2 semaphore(%arg16 : memref<!tpu.dma_semaphore, #tpu.memory_space<semaphore_mem>>) src(%arg12 : memref<128xf32, #tpu.memory_space<vmem>>) dst(%dma_wait3A_919 : memref<128xf32, #tpu.memory_space<hbm>>)
            %dma_wait3A_920 = arith.constant 0 : i32
            %dma_wait3A_921 = arith.constant 0 : i32
            %dma_wait3A_922 = tpu.memref_slice %arg4[%dma_wait3A_920, %dma_wait3A_921] : memref<10000x128xf32, #tpu.memory_space<hbm>> -> memref<1x128xf32, #tpu.memory_space<hbm>>
            %dma_wait3A_923 = tpu.memref_squeeze %dma_wait3A_922 : memref<1x128xf32, #tpu.memory_space<hbm>> -> memref<128xf32, #tpu.memory_space<hbm>>
            %dma_wait3A_924 = arith.constant 0 : i32
            %dma_wait3A_925 = tpu.memref_slice %arg4[%dma_wait3A_920, %dma_wait3A_924] : memref<10000x128xf32, #tpu.memory_space<hbm>> -> memref<1x128xf32, #tpu.memory_space<hbm>>
            %dma_wait3A_926 = tpu.memref_squeeze %dma_wait3A_925 : memref<1x128xf32, #tpu.memory_space<hbm>> -> memref<128xf32, #tpu.memory_space<hbm>>
            tpu.wait_dma2 semaphore(%arg16 : memref<!tpu.dma_semaphore, #tpu.memory_space<semaphore_mem>>) src(%arg12 : memref<128xf32, #tpu.memory_space<vmem>>) dst(%dma_wait3A_926 : memref<128xf32, #tpu.memory_space<hbm>>)
            %dma_wait3A_927 = arith.constant 0 : i32
            %dma_wait3A_928 = arith.constant 0 : i32
            %dma_wait3A_929 = tpu.memref_slice %arg4[%dma_wait3A_927, %dma_wait3A_928] : memref<10000x128xf32, #tpu.memory_space<hbm>> -> memref<1x128xf32, #tpu.memory_space<hbm>>
            %dma_wait3A_930 = tpu.memref_squeeze %dma_wait3A_929 : memref<1x128xf32, #tpu.memory_space<hbm>> -> memref<128xf32, #tpu.memory_space<hbm>>
            %dma_wait3A_931 = arith.constant 0 : i32
            %dma_wait3A_932 = tpu.memref_slice %arg4[%dma_wait3A_927, %dma_wait3A_931] : memref<10000x128xf32, #tpu.memory_space<hbm>> -> memref<1x128xf32, #tpu.memory_space<hbm>>
            %dma_wait3A_933 = tpu.memref_squeeze %dma_wait3A_932 : memref<1x128xf32, #tpu.memory_space<hbm>> -> memref<128xf32, #tpu.memory_space<hbm>>
            tpu.wait_dma2 semaphore(%arg16 : memref<!tpu.dma_semaphore, #tpu.memory_space<semaphore_mem>>) src(%arg12 : memref<128xf32, #tpu.memory_space<vmem>>) dst(%dma_wait3A_933 : memref<128xf32, #tpu.memory_space<hbm>>)
          } else {
          }
        } else {
        }
        %and3A_815 = arith.andi %ne3A_811, %lt3A_807 : i1
        %convert_element_type3A_816 = arith.extui %and3A_815 : i1 to i32
        %cond3A_817 = arith.constant 0 : i32
        %cond3A_818 = arith.cmpi ne, %convert_element_type3A_816, %cond3A_817 : i32
        scf.if %cond3A_818 {
          %select_n3A_835 = arith.select %eq3A_809, %while3A_783, %squeeze3A : i32
          %add3A_836 = arith.constant 1 : i32
          %add3A_837 = arith.addi %select_n3A_835, %add3A_836 : i32
          %while3A_838 = arith.constant 0 : i32
          %while3A_839 = arith.subi %squeeze3A_805, %add3A_837 : i32
          %while3A_840 = arith.addi %add3A_837, %while3A_839 : i32
          %while3A_841 = arith.constant 1 : i32
          %while3A_842 = arith.divsi %while3A_839, %while3A_841 : i32
          %while3A_843 = arith.muli %while3A_842, %while3A_841 : i32
          %while3A_844 = arith.addi %add3A_837, %while3A_843 : i32
          %while3A_845 = arith.constant 1 : i32
          scf.for %while3A_847 = %add3A_837 to %while3A_844 step %while3A_845  : i32 {
            "tpu.region"() ({
              %run_scoped3A = tpu.sem_alloc : memref<!tpu.dma_semaphore, #tpu.memory_space<semaphore_mem>>
              %dma_start3A_848 = arith.constant 0 : i32
              %dma_start3A_849 = tpu.memref_slice %arg4[%while3A_847, %dma_start3A_848] : memref<10000x128xf32, #tpu.memory_space<hbm>> -> memref<1x128xf32, #tpu.memory_space<hbm>>
              %dma_start3A_850 = tpu.memref_squeeze %dma_start3A_849 : memref<1x128xf32, #tpu.memory_space<hbm>> -> memref<128xf32, #tpu.memory_space<hbm>>
              %dma_start3A_851 = arith.constant 0 : i32
              %dma_start3A_852 = tpu.memref_slice %arg4[%while3A_847, %dma_start3A_851] : memref<10000x128xf32, #tpu.memory_space<hbm>> -> memref<1x128xf32, #tpu.memory_space<hbm>>
              %dma_start3A_853 = tpu.memref_squeeze %dma_start3A_852 : memref<1x128xf32, #tpu.memory_space<hbm>> -> memref<128xf32, #tpu.memory_space<hbm>>
              tpu.enqueue_dma source(%arg12 : memref<128xf32, #tpu.memory_space<vmem>>) target(%dma_start3A_853 : memref<128xf32, #tpu.memory_space<hbm>>) target_semaphore(%run_scoped3A : memref<!tpu.dma_semaphore, #tpu.memory_space<semaphore_mem>>)
              %dma_wait3A_854 = arith.constant 0 : i32
              %dma_wait3A_855 = tpu.memref_slice %arg4[%while3A_847, %dma_wait3A_854] : memref<10000x128xf32, #tpu.memory_space<hbm>> -> memref<1x128xf32, #tpu.memory_space<hbm>>
              %dma_wait3A_856 = tpu.memref_squeeze %dma_wait3A_855 : memref<1x128xf32, #tpu.memory_space<hbm>> -> memref<128xf32, #tpu.memory_space<hbm>>
              %dma_wait3A_857 = arith.constant 0 : i32
              %dma_wait3A_858 = tpu.memref_slice %arg4[%while3A_847, %dma_wait3A_857] : memref<10000x128xf32, #tpu.memory_space<hbm>> -> memref<1x128xf32, #tpu.memory_space<hbm>>
              %dma_wait3A_859 = tpu.memref_squeeze %dma_wait3A_858 : memref<1x128xf32, #tpu.memory_space<hbm>> -> memref<128xf32, #tpu.memory_space<hbm>>
              tpu.wait_dma2 semaphore(%run_scoped3A : memref<!tpu.dma_semaphore, #tpu.memory_space<semaphore_mem>>) src(%arg12 : memref<128xf32, #tpu.memory_space<vmem>>) dst(%dma_wait3A_859 : memref<128xf32, #tpu.memory_space<hbm>>)
              tpu.yield
            }) : () -> ()
          }
          %while3A_846 = arith.constant 1 : i32
          scf.for %while3A_847 = %while3A_844 to %while3A_840 step %while3A_846  : i32 {
            "tpu.region"() ({
              %run_scoped3A = tpu.sem_alloc : memref<!tpu.dma_semaphore, #tpu.memory_space<semaphore_mem>>
              %dma_start3A_848 = arith.constant 0 : i32
              %dma_start3A_849 = tpu.memref_slice %arg4[%while3A_847, %dma_start3A_848] : memref<10000x128xf32, #tpu.memory_space<hbm>> -> memref<1x128xf32, #tpu.memory_space<hbm>>
              %dma_start3A_850 = tpu.memref_squeeze %dma_start3A_849 : memref<1x128xf32, #tpu.memory_space<hbm>> -> memref<128xf32, #tpu.memory_space<hbm>>
              %dma_start3A_851 = arith.constant 0 : i32
              %dma_start3A_852 = tpu.memref_slice %arg4[%while3A_847, %dma_start3A_851] : memref<10000x128xf32, #tpu.memory_space<hbm>> -> memref<1x128xf32, #tpu.memory_space<hbm>>
              %dma_start3A_853 = tpu.memref_squeeze %dma_start3A_852 : memref<1x128xf32, #tpu.memory_space<hbm>> -> memref<128xf32, #tpu.memory_space<hbm>>
              tpu.enqueue_dma source(%arg12 : memref<128xf32, #tpu.memory_space<vmem>>) target(%dma_start3A_853 : memref<128xf32, #tpu.memory_space<hbm>>) target_semaphore(%run_scoped3A : memref<!tpu.dma_semaphore, #tpu.memory_space<semaphore_mem>>)
              %dma_wait3A_854 = arith.constant 0 : i32
              %dma_wait3A_855 = tpu.memref_slice %arg4[%while3A_847, %dma_wait3A_854] : memref<10000x128xf32, #tpu.memory_space<hbm>> -> memref<1x128xf32, #tpu.memory_space<hbm>>
              %dma_wait3A_856 = tpu.memref_squeeze %dma_wait3A_855 : memref<1x128xf32, #tpu.memory_space<hbm>> -> memref<128xf32, #tpu.memory_space<hbm>>
              %dma_wait3A_857 = arith.constant 0 : i32
              %dma_wait3A_858 = tpu.memref_slice %arg4[%while3A_847, %dma_wait3A_857] : memref<10000x128xf32, #tpu.memory_space<hbm>> -> memref<1x128xf32, #tpu.memory_space<hbm>>
              %dma_wait3A_859 = tpu.memref_squeeze %dma_wait3A_858 : memref<1x128xf32, #tpu.memory_space<hbm>> -> memref<128xf32, #tpu.memory_space<hbm>>
              tpu.wait_dma2 semaphore(%run_scoped3A : memref<!tpu.dma_semaphore, #tpu.memory_space<semaphore_mem>>) src(%arg12 : memref<128xf32, #tpu.memory_space<vmem>>) dst(%dma_wait3A_859 : memref<128xf32, #tpu.memory_space<hbm>>)
              tpu.yield
            }) : () -> ()
          }
        } else {
        }
        %and3A_819 = arith.andi %ne3A_811, %lt3A_807 : i1
        %jit3A_820 = arith.constant 1 : i32
        %jit3A_821 = arith.constant 2 : i32
        %select_n3A_822 = arith.select %lt3A_807, %jit3A_820, %jit3A_821 : i32
        %select_n3A_823 = arith.select %ne3A_811, %select_n3A_822, %while3A_784 : i32
        %select_n3A_824 = arith.select %and3A_819, %squeeze3A_805, %while3A_783 : i32
        %convert_element_type3A_825 = arith.extui %eq3A_809 : i1 to i32
        %add3A_826 = arith.addi %while3A_785, %convert_element_type3A_825 : i32
        %select_n3A_827 = arith.select %and3A_819, %broadcast_in_dim3A_5, %parallel_loop3A_799#0 : vector<16xf32>
        %select_n3A_828 = arith.select %and3A_819, %broadcast_in_dim3A_5, %parallel_loop3A_799#1 : vector<16xf32>
        %select_n3A_829 = arith.select %and3A_819, %broadcast_in_dim3A_5, %parallel_loop3A_799#2 : vector<16xf32>
        %select_n3A_830 = arith.select %and3A_819, %broadcast_in_dim3A_5, %parallel_loop3A_799#3 : vector<16xf32>
        %select_n3A_831 = arith.select %and3A_819, %broadcast_in_dim3A_5, %parallel_loop3A_799#4 : vector<16xf32>
        %select_n3A_832 = arith.select %and3A_819, %broadcast_in_dim3A_5, %parallel_loop3A_799#5 : vector<16xf32>
        %select_n3A_833 = arith.select %and3A_819, %broadcast_in_dim3A_5, %parallel_loop3A_799#6 : vector<16xf32>
        %select_n3A_834 = arith.select %and3A_819, %broadcast_in_dim3A_5, %parallel_loop3A_799#7 : vector<16xf32>
        scf.yield %squeeze3A_797, %select_n3A_824, %select_n3A_823, %add3A_826, %select_n3A_827, %select_n3A_828, %select_n3A_829, %select_n3A_830, %select_n3A_831, %select_n3A_832, %select_n3A_833, %select_n3A_834 : i32, i32, i32, i32, vector<16xf32>, vector<16xf32>, vector<16xf32>, vector<16xf32>, vector<16xf32>, vector<16xf32>, vector<16xf32>, vector<16xf32>
      }
      %parallel_loop3A = arith.constant 256 : i32
      %parallel_loop3A_429 = arith.constant 1 : i32
      %parallel_loop3A_430:8 = scf.for %parallel_loop3A_781 = %while3A_428#0 to %parallel_loop3A step %parallel_loop3A_429 iter_args(%parallel_loop3A_782 = %while3A_428#4, %parallel_loop3A_783 = %while3A_428#5, %parallel_loop3A_784 = %while3A_428#6, %parallel_loop3A_785 = %while3A_428#7, %parallel_loop3A_786 = %while3A_428#8, %parallel_loop3A_787 = %while3A_428#9, %parallel_loop3A_788 = %while3A_428#10, %parallel_loop3A_789 = %while3A_428#11) -> (vector<16xf32>, vector<16xf32>, vector<16xf32>, vector<16xf32>, vector<16xf32>, vector<16xf32>, vector<16xf32>, vector<16xf32>)  : i32 {
        %parallel_loop3A_790 = arith.index_cast %parallel_loop3A_781 : i32 to index
        %parallel_loop3A_791 = arith.constant 0 : index
        %parallel_loop3A_792 = tpu.vector_load %arg5[%parallel_loop3A_790, %parallel_loop3A_791] {strides = array<i32>} : memref<256x128xf32, #tpu.memory_space<vmem>>, vector<16xf32>,
        %parallel_loop3A_793 = arith.maximumf %parallel_loop3A_782, %parallel_loop3A_792 : vector<16xf32>
        %parallel_loop3A_794 = arith.index_cast %parallel_loop3A_781 : i32 to index
        %parallel_loop3A_795 = arith.constant 16 : index
        %parallel_loop3A_796 = tpu.vector_load %arg5[%parallel_loop3A_794, %parallel_loop3A_795] {strides = array<i32>} : memref<256x128xf32, #tpu.memory_space<vmem>>, vector<16xf32>,
        %parallel_loop3A_797 = arith.maximumf %parallel_loop3A_783, %parallel_loop3A_796 : vector<16xf32>
        %parallel_loop3A_798 = arith.index_cast %parallel_loop3A_781 : i32 to index
        %parallel_loop3A_799 = arith.constant 32 : index
        %parallel_loop3A_800 = tpu.vector_load %arg5[%parallel_loop3A_798, %parallel_loop3A_799] {strides = array<i32>} : memref<256x128xf32, #tpu.memory_space<vmem>>, vector<16xf32>,
        %parallel_loop3A_801 = arith.maximumf %parallel_loop3A_784, %parallel_loop3A_800 : vector<16xf32>
        %parallel_loop3A_802 = arith.index_cast %parallel_loop3A_781 : i32 to index
        %parallel_loop3A_803 = arith.constant 48 : index
        %parallel_loop3A_804 = tpu.vector_load %arg5[%parallel_loop3A_802, %parallel_loop3A_803] {strides = array<i32>} : memref<256x128xf32, #tpu.memory_space<vmem>>, vector<16xf32>,
        %parallel_loop3A_805 = arith.maximumf %parallel_loop3A_785, %parallel_loop3A_804 : vector<16xf32>
        %parallel_loop3A_806 = arith.index_cast %parallel_loop3A_781 : i32 to index
        %parallel_loop3A_807 = arith.constant 64 : index
        %parallel_loop3A_808 = tpu.vector_load %arg5[%parallel_loop3A_806, %parallel_loop3A_807] {strides = array<i32>} : memref<256x128xf32, #tpu.memory_space<vmem>>, vector<16xf32>,
        %parallel_loop3A_809 = arith.maximumf %parallel_loop3A_786, %parallel_loop3A_808 : vector<16xf32>
        %parallel_loop3A_810 = arith.index_cast %parallel_loop3A_781 : i32 to index
        %parallel_loop3A_811 = arith.constant 80 : index
        %parallel_loop3A_812 = tpu.vector_load %arg5[%parallel_loop3A_810, %parallel_loop3A_811] {strides = array<i32>} : memref<256x128xf32, #tpu.memory_space<vmem>>, vector<16xf32>,
        %parallel_loop3A_813 = arith.maximumf %parallel_loop3A_787, %parallel_loop3A_812 : vector<16xf32>
        %parallel_loop3A_814 = arith.index_cast %parallel_loop3A_781 : i32 to index
        %parallel_loop3A_815 = arith.constant 96 : index
        %parallel_loop3A_816 = tpu.vector_load %arg5[%parallel_loop3A_814, %parallel_loop3A_815] {strides = array<i32>} : memref<256x128xf32, #tpu.memory_space<vmem>>, vector<16xf32>,
        %parallel_loop3A_817 = arith.maximumf %parallel_loop3A_788, %parallel_loop3A_816 : vector<16xf32>
        %parallel_loop3A_818 = arith.index_cast %parallel_loop3A_781 : i32 to index
        %parallel_loop3A_819 = arith.constant 112 : index
        %parallel_loop3A_820 = tpu.vector_load %arg5[%parallel_loop3A_818, %parallel_loop3A_819] {strides = array<i32>} : memref<256x128xf32, #tpu.memory_space<vmem>>, vector<16xf32>,
        %parallel_loop3A_821 = arith.maximumf %parallel_loop3A_789, %parallel_loop3A_820 : vector<16xf32>
        scf.yield %parallel_loop3A_793, %parallel_loop3A_797, %parallel_loop3A_801, %parallel_loop3A_805, %parallel_loop3A_809, %parallel_loop3A_813, %parallel_loop3A_817, %parallel_loop3A_821 : vector<16xf32>, vector<16xf32>, vector<16xf32>, vector<16xf32>, vector<16xf32>, vector<16xf32>, vector<16xf32>, vector<16xf32>
      } {sc.loop_unroll_factor = 4 : i64, sc.parallel_access}
      %get3A_431 = arith.constant 256 : index
      %get3A_432 = tpu.vector_load %arg7[%get3A_431] {strides = array<i32>} : memref<288xi32, #tpu.memory_space<vmem>>, vector<16xi32>,
      %slice3A_433 = vector.extract_strided_slice %get3A_432 {offsets = [15], sizes = [1], strides = [1]} : vector<16xi32> to vector<1xi32>
      %squeeze3A_434 = vector.extract %slice3A_433[0] : i32 from vector<1xi32>
      %dma_wait3A_435 = arith.constant 0 : i32
      %dma_wait3A_436 = arith.constant 0 : i32
      %dma_wait3A_437 = tpu.memref_slice %arg2[%dma_wait3A_435, %dma_wait3A_436] : memref<320000x128xf32, #tpu.memory_space<hbm>> -> memref<256x128xf32, #tpu.memory_space<hbm>>
      %dma_wait3A_438 = arith.constant 0 : i32
      %dma_wait3A_439 = arith.constant 0 : i32
      %dma_wait3A_440 = tpu.memref_slice %arg2[%dma_wait3A_438, %dma_wait3A_439] : memref<320000x128xf32, #tpu.memory_space<hbm>> -> memref<256x128xf32, #tpu.memory_space<hbm>>
      tpu.wait_dma2 semaphore(%arg15 : memref<!tpu.dma_semaphore, #tpu.memory_space<semaphore_mem>>) src(%dma_wait3A_440 : memref<256x128xf32, #tpu.memory_space<hbm>>) dst(%arg6 : memref<256x128xf32, #tpu.memory_space<vmem>>)
      %dma_wait3A_441 = arith.constant 16 : i32
      %dma_wait3A_442 = tpu.memref_slice %arg8[%dma_wait3A_441] : memref<288xi32, #tpu.memory_space<vmem>> -> memref<256xi32, #tpu.memory_space<vmem>>
      %dma_wait3A_443 = arith.constant 0 : i32
      %dma_wait3A_444 = tpu.memref_slice %arg3[%dma_wait3A_443] : memref<320000xi32, #tpu.memory_space<hbm>> -> memref<256xi32, #tpu.memory_space<hbm>>
      %dma_wait3A_445 = arith.constant 16 : i32
      %dma_wait3A_446 = tpu.memref_slice %arg8[%dma_wait3A_445] : memref<288xi32, #tpu.memory_space<vmem>> -> memref<256xi32, #tpu.memory_space<vmem>>
      %dma_wait3A_447 = arith.constant 0 : i32
      %dma_wait3A_448 = tpu.memref_slice %arg3[%dma_wait3A_447] : memref<320000xi32, #tpu.memory_space<hbm>> -> memref<256xi32, #tpu.memory_space<hbm>>
      tpu.wait_dma2 semaphore(%arg15 : memref<!tpu.dma_semaphore, #tpu.memory_space<semaphore_mem>>) src(%dma_wait3A_448 : memref<256xi32, #tpu.memory_space<hbm>>) dst(%dma_wait3A_446 : memref<256xi32, #tpu.memory_space<vmem>>)
      %add3A_449 = arith.constant 1 : i32
      %add3A_450 = arith.addi %while3A_95, %add3A_449 : i32
      %mul3A_451 = arith.constant 256 : i32
      %mul3A_452 = arith.muli %add3A_450, %mul3A_451 : i32
      %sub3A_453 = arith.subi %mul3A_2, %mul3A_452 : i32
      %max3A_454 = arith.constant 0 : i32
      %max3A_455 = arith.maxsi %sub3A_453, %max3A_454 : i32
      %broadcast_in_dim3A_456 = arith.constant 0 : i32
      %broadcast_in_dim3A_457 = vector.broadcast %broadcast_in_dim3A_456 : i32 to vector<16xi32>
      %add3A_458 = vector.broadcast %squeeze3A_434 : i32 to vector<16xi32>
      %add3A_459 = arith.addi %broadcast_in_dim3A_457, %add3A_458 : vector<16xi32>
      %swap3A_460 = arith.constant 0 : index
      %swap3A_461 = tpu.vector_load %arg8[%swap3A_460] {strides = array<i32>} : memref<288xi32, #tpu.memory_space<vmem>>, vector<16xi32>,
      tpu.vector_store %arg8[%swap3A_460], %add3A_459 {strides = array<i32>} : memref<288xi32, #tpu.memory_space<vmem>>, vector<16xi32>,
      %get3A_462 = arith.constant 16 : index
      %get3A_463 = tpu.vector_load %arg8[%get3A_462] {strides = array<i32>} : memref<288xi32, #tpu.memory_space<vmem>>, vector<16xi32>,
      %get3A_464 = arith.constant 15 : index
      %get3A_465 = tpu.vector_load %arg8[%get3A_464] {strides = array<i32>} : memref<288xi32, #tpu.memory_space<vmem>>, vector<16xi32>,
      %iota3A_466 = tpu.iota {dimensions = array<i32: 0>} : vector<16xi32>
      %add3A_467 = arith.constant 0 : i32
      %add3A_468 = vector.broadcast %add3A_467 : i32 to vector<16xi32>
      %add3A_469 = arith.addi %iota3A_466, %add3A_468 : vector<16xi32>
      %ne3A_470 = arith.cmpi ne, %get3A_463, %get3A_465 : vector<16xi32>
      %ge3A_471 = vector.broadcast %max3A_455 : i32 to vector<16xi32>
      %ge3A_472 = arith.cmpi sge, %add3A_469, %ge3A_471 : vector<16xi32>
      %and3A_473 = arith.andi %ne3A_470, %ge3A_472 : vector<16xi1>
      %swap3A_474 = arith.constant 0 : i32
      %swap3A_475 = arith.index_cast %swap3A_474 : i32 to index
      %swap3A_476 = tpu.vector_load %arg9[%swap3A_475] masked %and3A_473 {strides = array<i32>} : memref<272xi32, #tpu.memory_space<vmem>>, vector<16xi32>, vector<16xi1>
      tpu.vector_store %arg9[%swap3A_475], %add3A_469 masked %and3A_473 {strides = array<i32>} : memref<272xi32, #tpu.memory_space<vmem>>, vector<16xi32>, vector<16xi1>
      %all_reduce_population_count3A_477 = tpu.all_reduce %and3A_473 {dim = 0 : i64, kind = #tpu.reduction_kind<sum>} : vector<16xi1> -> vector<16xi32>
      %slice3A_478 = vector.extract_strided_slice %all_reduce_population_count3A_477 {offsets = [0], sizes = [1], strides = [1]} : vector<16xi32> to vector<1xi32>
      %squeeze3A_479 = vector.extract %slice3A_478[0] : i32 from vector<1xi32>
      %add3A_480 = arith.constant 0 : i32
      %add3A_481 = arith.addi %add3A_480, %squeeze3A_479 : i32
      %get3A_482 = arith.constant 32 : index
      %get3A_483 = tpu.vector_load %arg8[%get3A_482] {strides = array<i32>} : memref<288xi32, #tpu.memory_space<vmem>>, vector<16xi32>,
      %get3A_484 = arith.constant 31 : index
      %get3A_485 = tpu.vector_load %arg8[%get3A_484] {strides = array<i32>} : memref<288xi32, #tpu.memory_space<vmem>>, vector<16xi32>,
      %iota3A_486 = tpu.iota {dimensions = array<i32: 0>} : vector<16xi32>
      %add3A_487 = arith.constant 16 : i32
      %add3A_488 = vector.broadcast %add3A_487 : i32 to vector<16xi32>
      %add3A_489 = arith.addi %iota3A_486, %add3A_488 : vector<16xi32>
      %ne3A_490 = arith.cmpi ne, %get3A_483, %get3A_485 : vector<16xi32>
      %ge3A_491 = vector.broadcast %max3A_455 : i32 to vector<16xi32>
      %ge3A_492 = arith.cmpi sge, %add3A_489, %ge3A_491 : vector<16xi32>
      %and3A_493 = arith.andi %ne3A_490, %ge3A_492 : vector<16xi1>
      %swap3A_494 = arith.index_cast %add3A_481 : i32 to index
      %swap3A_495 = tpu.vector_load %arg9[%swap3A_494] masked %and3A_493 {strides = array<i32>} : memref<272xi32, #tpu.memory_space<vmem>>, vector<16xi32>, vector<16xi1>
      tpu.vector_store %arg9[%swap3A_494], %add3A_489 masked %and3A_493 {strides = array<i32>} : memref<272xi32, #tpu.memory_space<vmem>>, vector<16xi32>, vector<16xi1>
      %all_reduce_population_count3A_496 = tpu.all_reduce %and3A_493 {dim = 0 : i64, kind = #tpu.reduction_kind<sum>} : vector<16xi1> -> vector<16xi32>
      %slice3A_497 = vector.extract_strided_slice %all_reduce_population_count3A_496 {offsets = [0], sizes = [1], strides = [1]} : vector<16xi32> to vector<1xi32>
      %squeeze3A_498 = vector.extract %slice3A_497[0] : i32 from vector<1xi32>
      %add3A_499 = arith.addi %add3A_481, %squeeze3A_498 : i32
      %get3A_500 = arith.constant 48 : index
      %get3A_501 = tpu.vector_load %arg8[%get3A_500] {strides = array<i32>} : memref<288xi32, #tpu.memory_space<vmem>>, vector<16xi32>,
      %get3A_502 = arith.constant 47 : index
      %get3A_503 = tpu.vector_load %arg8[%get3A_502] {strides = array<i32>} : memref<288xi32, #tpu.memory_space<vmem>>, vector<16xi32>,
      %iota3A_504 = tpu.iota {dimensions = array<i32: 0>} : vector<16xi32>
      %add3A_505 = arith.constant 32 : i32
      %add3A_506 = vector.broadcast %add3A_505 : i32 to vector<16xi32>
      %add3A_507 = arith.addi %iota3A_504, %add3A_506 : vector<16xi32>
      %ne3A_508 = arith.cmpi ne, %get3A_501, %get3A_503 : vector<16xi32>
      %ge3A_509 = vector.broadcast %max3A_455 : i32 to vector<16xi32>
      %ge3A_510 = arith.cmpi sge, %add3A_507, %ge3A_509 : vector<16xi32>
      %and3A_511 = arith.andi %ne3A_508, %ge3A_510 : vector<16xi1>
      %swap3A_512 = arith.index_cast %add3A_499 : i32 to index
      %swap3A_513 = tpu.vector_load %arg9[%swap3A_512] masked %and3A_511 {strides = array<i32>} : memref<272xi32, #tpu.memory_space<vmem>>, vector<16xi32>, vector<16xi1>
      tpu.vector_store %arg9[%swap3A_512], %add3A_507 masked %and3A_511 {strides = array<i32>} : memref<272xi32, #tpu.memory_space<vmem>>, vector<16xi32>, vector<16xi1>
      %all_reduce_population_count3A_514 = tpu.all_reduce %and3A_511 {dim = 0 : i64, kind = #tpu.reduction_kind<sum>} : vector<16xi1> -> vector<16xi32>
      %slice3A_515 = vector.extract_strided_slice %all_reduce_population_count3A_514 {offsets = [0], sizes = [1], strides = [1]} : vector<16xi32> to vector<1xi32>
      %squeeze3A_516 = vector.extract %slice3A_515[0] : i32 from vector<1xi32>
      %add3A_517 = arith.addi %add3A_499, %squeeze3A_516 : i32
      %get3A_518 = arith.constant 64 : index
      %get3A_519 = tpu.vector_load %arg8[%get3A_518] {strides = array<i32>} : memref<288xi32, #tpu.memory_space<vmem>>, vector<16xi32>,
      %get3A_520 = arith.constant 63 : index
      %get3A_521 = tpu.vector_load %arg8[%get3A_520] {strides = array<i32>} : memref<288xi32, #tpu.memory_space<vmem>>, vector<16xi32>,
      %iota3A_522 = tpu.iota {dimensions = array<i32: 0>} : vector<16xi32>
      %add3A_523 = arith.constant 48 : i32
      %add3A_524 = vector.broadcast %add3A_523 : i32 to vector<16xi32>
      %add3A_525 = arith.addi %iota3A_522, %add3A_524 : vector<16xi32>
      %ne3A_526 = arith.cmpi ne, %get3A_519, %get3A_521 : vector<16xi32>
      %ge3A_527 = vector.broadcast %max3A_455 : i32 to vector<16xi32>
      %ge3A_528 = arith.cmpi sge, %add3A_525, %ge3A_527 : vector<16xi32>
      %and3A_529 = arith.andi %ne3A_526, %ge3A_528 : vector<16xi1>
      %swap3A_530 = arith.index_cast %add3A_517 : i32 to index
      %swap3A_531 = tpu.vector_load %arg9[%swap3A_530] masked %and3A_529 {strides = array<i32>} : memref<272xi32, #tpu.memory_space<vmem>>, vector<16xi32>, vector<16xi1>
      tpu.vector_store %arg9[%swap3A_530], %add3A_525 masked %and3A_529 {strides = array<i32>} : memref<272xi32, #tpu.memory_space<vmem>>, vector<16xi32>, vector<16xi1>
      %all_reduce_population_count3A_532 = tpu.all_reduce %and3A_529 {dim = 0 : i64, kind = #tpu.reduction_kind<sum>} : vector<16xi1> -> vector<16xi32>
      %slice3A_533 = vector.extract_strided_slice %all_reduce_population_count3A_532 {offsets = [0], sizes = [1], strides = [1]} : vector<16xi32> to vector<1xi32>
      %squeeze3A_534 = vector.extract %slice3A_533[0] : i32 from vector<1xi32>
      %add3A_535 = arith.addi %add3A_517, %squeeze3A_534 : i32
      %get3A_536 = arith.constant 80 : index
      %get3A_537 = tpu.vector_load %arg8[%get3A_536] {strides = array<i32>} : memref<288xi32, #tpu.memory_space<vmem>>, vector<16xi32>,
      %get3A_538 = arith.constant 79 : index
      %get3A_539 = tpu.vector_load %arg8[%get3A_538] {strides = array<i32>} : memref<288xi32, #tpu.memory_space<vmem>>, vector<16xi32>,
      %iota3A_540 = tpu.iota {dimensions = array<i32: 0>} : vector<16xi32>
      %add3A_541 = arith.constant 64 : i32
      %add3A_542 = vector.broadcast %add3A_541 : i32 to vector<16xi32>
      %add3A_543 = arith.addi %iota3A_540, %add3A_542 : vector<16xi32>
      %ne3A_544 = arith.cmpi ne, %get3A_537, %get3A_539 : vector<16xi32>
      %ge3A_545 = vector.broadcast %max3A_455 : i32 to vector<16xi32>
      %ge3A_546 = arith.cmpi sge, %add3A_543, %ge3A_545 : vector<16xi32>
      %and3A_547 = arith.andi %ne3A_544, %ge3A_546 : vector<16xi1>
      %swap3A_548 = arith.index_cast %add3A_535 : i32 to index
      %swap3A_549 = tpu.vector_load %arg9[%swap3A_548] masked %and3A_547 {strides = array<i32>} : memref<272xi32, #tpu.memory_space<vmem>>, vector<16xi32>, vector<16xi1>
      tpu.vector_store %arg9[%swap3A_548], %add3A_543 masked %and3A_547 {strides = array<i32>} : memref<272xi32, #tpu.memory_space<vmem>>, vector<16xi32>, vector<16xi1>
      %all_reduce_population_count3A_550 = tpu.all_reduce %and3A_547 {dim = 0 : i64, kind = #tpu.reduction_kind<sum>} : vector<16xi1> -> vector<16xi32>
      %slice3A_551 = vector.extract_strided_slice %all_reduce_population_count3A_550 {offsets = [0], sizes = [1], strides = [1]} : vector<16xi32> to vector<1xi32>
      %squeeze3A_552 = vector.extract %slice3A_551[0] : i32 from vector<1xi32>
      %add3A_553 = arith.addi %add3A_535, %squeeze3A_552 : i32
      %get3A_554 = arith.constant 96 : index
      %get3A_555 = tpu.vector_load %arg8[%get3A_554] {strides = array<i32>} : memref<288xi32, #tpu.memory_space<vmem>>, vector<16xi32>,
      %get3A_556 = arith.constant 95 : index
      %get3A_557 = tpu.vector_load %arg8[%get3A_556] {strides = array<i32>} : memref<288xi32, #tpu.memory_space<vmem>>, vector<16xi32>,
      %iota3A_558 = tpu.iota {dimensions = array<i32: 0>} : vector<16xi32>
      %add3A_559 = arith.constant 80 : i32
      %add3A_560 = vector.broadcast %add3A_559 : i32 to vector<16xi32>
      %add3A_561 = arith.addi %iota3A_558, %add3A_560 : vector<16xi32>
      %ne3A_562 = arith.cmpi ne, %get3A_555, %get3A_557 : vector<16xi32>
      %ge3A_563 = vector.broadcast %max3A_455 : i32 to vector<16xi32>
      %ge3A_564 = arith.cmpi sge, %add3A_561, %ge3A_563 : vector<16xi32>
      %and3A_565 = arith.andi %ne3A_562, %ge3A_564 : vector<16xi1>
      %swap3A_566 = arith.index_cast %add3A_553 : i32 to index
      %swap3A_567 = tpu.vector_load %arg9[%swap3A_566] masked %and3A_565 {strides = array<i32>} : memref<272xi32, #tpu.memory_space<vmem>>, vector<16xi32>, vector<16xi1>
      tpu.vector_store %arg9[%swap3A_566], %add3A_561 masked %and3A_565 {strides = array<i32>} : memref<272xi32, #tpu.memory_space<vmem>>, vector<16xi32>, vector<16xi1>
      %all_reduce_population_count3A_568 = tpu.all_reduce %and3A_565 {dim = 0 : i64, kind = #tpu.reduction_kind<sum>} : vector<16xi1> -> vector<16xi32>
      %slice3A_569 = vector.extract_strided_slice %all_reduce_population_count3A_568 {offsets = [0], sizes = [1], strides = [1]} : vector<16xi32> to vector<1xi32>
      %squeeze3A_570 = vector.extract %slice3A_569[0] : i32 from vector<1xi32>
      %add3A_571 = arith.addi %add3A_553, %squeeze3A_570 : i32
      %get3A_572 = arith.constant 112 : index
      %get3A_573 = tpu.vector_load %arg8[%get3A_572] {strides = array<i32>} : memref<288xi32, #tpu.memory_space<vmem>>, vector<16xi32>,
      %get3A_574 = arith.constant 111 : index
      %get3A_575 = tpu.vector_load %arg8[%get3A_574] {strides = array<i32>} : memref<288xi32, #tpu.memory_space<vmem>>, vector<16xi32>,
      %iota3A_576 = tpu.iota {dimensions = array<i32: 0>} : vector<16xi32>
      %add3A_577 = arith.constant 96 : i32
      %add3A_578 = vector.broadcast %add3A_577 : i32 to vector<16xi32>
      %add3A_579 = arith.addi %iota3A_576, %add3A_578 : vector<16xi32>
      %ne3A_580 = arith.cmpi ne, %get3A_573, %get3A_575 : vector<16xi32>
      %ge3A_581 = vector.broadcast %max3A_455 : i32 to vector<16xi32>
      %ge3A_582 = arith.cmpi sge, %add3A_579, %ge3A_581 : vector<16xi32>
      %and3A_583 = arith.andi %ne3A_580, %ge3A_582 : vector<16xi1>
      %swap3A_584 = arith.index_cast %add3A_571 : i32 to index
      %swap3A_585 = tpu.vector_load %arg9[%swap3A_584] masked %and3A_583 {strides = array<i32>} : memref<272xi32, #tpu.memory_space<vmem>>, vector<16xi32>, vector<16xi1>
      tpu.vector_store %arg9[%swap3A_584], %add3A_579 masked %and3A_583 {strides = array<i32>} : memref<272xi32, #tpu.memory_space<vmem>>, vector<16xi32>, vector<16xi1>
      %all_reduce_population_count3A_586 = tpu.all_reduce %and3A_583 {dim = 0 : i64, kind = #tpu.reduction_kind<sum>} : vector<16xi1> -> vector<16xi32>
      %slice3A_587 = vector.extract_strided_slice %all_reduce_population_count3A_586 {offsets = [0], sizes = [1], strides = [1]} : vector<16xi32> to vector<1xi32>
      %squeeze3A_588 = vector.extract %slice3A_587[0] : i32 from vector<1xi32>
      %add3A_589 = arith.addi %add3A_571, %squeeze3A_588 : i32
      %get3A_590 = arith.constant 128 : index
      %get3A_591 = tpu.vector_load %arg8[%get3A_590] {strides = array<i32>} : memref<288xi32, #tpu.memory_space<vmem>>, vector<16xi32>,
      %get3A_592 = arith.constant 127 : index
      %get3A_593 = tpu.vector_load %arg8[%get3A_592] {strides = array<i32>} : memref<288xi32, #tpu.memory_space<vmem>>, vector<16xi32>,
      %iota3A_594 = tpu.iota {dimensions = array<i32: 0>} : vector<16xi32>
      %add3A_595 = arith.constant 112 : i32
      %add3A_596 = vector.broadcast %add3A_595 : i32 to vector<16xi32>
      %add3A_597 = arith.addi %iota3A_594, %add3A_596 : vector<16xi32>
      %ne3A_598 = arith.cmpi ne, %get3A_591, %get3A_593 : vector<16xi32>
      %ge3A_599 = vector.broadcast %max3A_455 : i32 to vector<16xi32>
      %ge3A_600 = arith.cmpi sge, %add3A_597, %ge3A_599 : vector<16xi32>
      %and3A_601 = arith.andi %ne3A_598, %ge3A_600 : vector<16xi1>
      %swap3A_602 = arith.index_cast %add3A_589 : i32 to index
      %swap3A_603 = tpu.vector_load %arg9[%swap3A_602] masked %and3A_601 {strides = array<i32>} : memref<272xi32, #tpu.memory_space<vmem>>, vector<16xi32>, vector<16xi1>
      tpu.vector_store %arg9[%swap3A_602], %add3A_597 masked %and3A_601 {strides = array<i32>} : memref<272xi32, #tpu.memory_space<vmem>>, vector<16xi32>, vector<16xi1>
      %all_reduce_population_count3A_604 = tpu.all_reduce %and3A_601 {dim = 0 : i64, kind = #tpu.reduction_kind<sum>} : vector<16xi1> -> vector<16xi32>
      %slice3A_605 = vector.extract_strided_slice %all_reduce_population_count3A_604 {offsets = [0], sizes = [1], strides = [1]} : vector<16xi32> to vector<1xi32>
      %squeeze3A_606 = vector.extract %slice3A_605[0] : i32 from vector<1xi32>
      %add3A_607 = arith.addi %add3A_589, %squeeze3A_606 : i32
      %get3A_608 = arith.constant 144 : index
      %get3A_609 = tpu.vector_load %arg8[%get3A_608] {strides = array<i32>} : memref<288xi32, #tpu.memory_space<vmem>>, vector<16xi32>,
      %get3A_610 = arith.constant 143 : index
      %get3A_611 = tpu.vector_load %arg8[%get3A_610] {strides = array<i32>} : memref<288xi32, #tpu.memory_space<vmem>>, vector<16xi32>,
      %iota3A_612 = tpu.iota {dimensions = array<i32: 0>} : vector<16xi32>
      %add3A_613 = arith.constant 128 : i32
      %add3A_614 = vector.broadcast %add3A_613 : i32 to vector<16xi32>
      %add3A_615 = arith.addi %iota3A_612, %add3A_614 : vector<16xi32>
      %ne3A_616 = arith.cmpi ne, %get3A_609, %get3A_611 : vector<16xi32>
      %ge3A_617 = vector.broadcast %max3A_455 : i32 to vector<16xi32>
      %ge3A_618 = arith.cmpi sge, %add3A_615, %ge3A_617 : vector<16xi32>
      %and3A_619 = arith.andi %ne3A_616, %ge3A_618 : vector<16xi1>
      %swap3A_620 = arith.index_cast %add3A_607 : i32 to index
      %swap3A_621 = tpu.vector_load %arg9[%swap3A_620] masked %and3A_619 {strides = array<i32>} : memref<272xi32, #tpu.memory_space<vmem>>, vector<16xi32>, vector<16xi1>
      tpu.vector_store %arg9[%swap3A_620], %add3A_615 masked %and3A_619 {strides = array<i32>} : memref<272xi32, #tpu.memory_space<vmem>>, vector<16xi32>, vector<16xi1>
      %all_reduce_population_count3A_622 = tpu.all_reduce %and3A_619 {dim = 0 : i64, kind = #tpu.reduction_kind<sum>} : vector<16xi1> -> vector<16xi32>
      %slice3A_623 = vector.extract_strided_slice %all_reduce_population_count3A_622 {offsets = [0], sizes = [1], strides = [1]} : vector<16xi32> to vector<1xi32>
      %squeeze3A_624 = vector.extract %slice3A_623[0] : i32 from vector<1xi32>
      %add3A_625 = arith.addi %add3A_607, %squeeze3A_624 : i32
      %get3A_626 = arith.constant 160 : index
      %get3A_627 = tpu.vector_load %arg8[%get3A_626] {strides = array<i32>} : memref<288xi32, #tpu.memory_space<vmem>>, vector<16xi32>,
      %get3A_628 = arith.constant 159 : index
      %get3A_629 = tpu.vector_load %arg8[%get3A_628] {strides = array<i32>} : memref<288xi32, #tpu.memory_space<vmem>>, vector<16xi32>,
      %iota3A_630 = tpu.iota {dimensions = array<i32: 0>} : vector<16xi32>
      %add3A_631 = arith.constant 144 : i32
      %add3A_632 = vector.broadcast %add3A_631 : i32 to vector<16xi32>
      %add3A_633 = arith.addi %iota3A_630, %add3A_632 : vector<16xi32>
      %ne3A_634 = arith.cmpi ne, %get3A_627, %get3A_629 : vector<16xi32>
      %ge3A_635 = vector.broadcast %max3A_455 : i32 to vector<16xi32>
      %ge3A_636 = arith.cmpi sge, %add3A_633, %ge3A_635 : vector<16xi32>
      %and3A_637 = arith.andi %ne3A_634, %ge3A_636 : vector<16xi1>
      %swap3A_638 = arith.index_cast %add3A_625 : i32 to index
      %swap3A_639 = tpu.vector_load %arg9[%swap3A_638] masked %and3A_637 {strides = array<i32>} : memref<272xi32, #tpu.memory_space<vmem>>, vector<16xi32>, vector<16xi1>
      tpu.vector_store %arg9[%swap3A_638], %add3A_633 masked %and3A_637 {strides = array<i32>} : memref<272xi32, #tpu.memory_space<vmem>>, vector<16xi32>, vector<16xi1>
      %all_reduce_population_count3A_640 = tpu.all_reduce %and3A_637 {dim = 0 : i64, kind = #tpu.reduction_kind<sum>} : vector<16xi1> -> vector<16xi32>
      %slice3A_641 = vector.extract_strided_slice %all_reduce_population_count3A_640 {offsets = [0], sizes = [1], strides = [1]} : vector<16xi32> to vector<1xi32>
      %squeeze3A_642 = vector.extract %slice3A_641[0] : i32 from vector<1xi32>
      %add3A_643 = arith.addi %add3A_625, %squeeze3A_642 : i32
      %get3A_644 = arith.constant 176 : index
      %get3A_645 = tpu.vector_load %arg8[%get3A_644] {strides = array<i32>} : memref<288xi32, #tpu.memory_space<vmem>>, vector<16xi32>,
      %get3A_646 = arith.constant 175 : index
      %get3A_647 = tpu.vector_load %arg8[%get3A_646] {strides = array<i32>} : memref<288xi32, #tpu.memory_space<vmem>>, vector<16xi32>,
      %iota3A_648 = tpu.iota {dimensions = array<i32: 0>} : vector<16xi32>
      %add3A_649 = arith.constant 160 : i32
      %add3A_650 = vector.broadcast %add3A_649 : i32 to vector<16xi32>
      %add3A_651 = arith.addi %iota3A_648, %add3A_650 : vector<16xi32>
      %ne3A_652 = arith.cmpi ne, %get3A_645, %get3A_647 : vector<16xi32>
      %ge3A_653 = vector.broadcast %max3A_455 : i32 to vector<16xi32>
      %ge3A_654 = arith.cmpi sge, %add3A_651, %ge3A_653 : vector<16xi32>
      %and3A_655 = arith.andi %ne3A_652, %ge3A_654 : vector<16xi1>
      %swap3A_656 = arith.index_cast %add3A_643 : i32 to index
      %swap3A_657 = tpu.vector_load %arg9[%swap3A_656] masked %and3A_655 {strides = array<i32>} : memref<272xi32, #tpu.memory_space<vmem>>, vector<16xi32>, vector<16xi1>
      tpu.vector_store %arg9[%swap3A_656], %add3A_651 masked %and3A_655 {strides = array<i32>} : memref<272xi32, #tpu.memory_space<vmem>>, vector<16xi32>, vector<16xi1>
      %all_reduce_population_count3A_658 = tpu.all_reduce %and3A_655 {dim = 0 : i64, kind = #tpu.reduction_kind<sum>} : vector<16xi1> -> vector<16xi32>
      %slice3A_659 = vector.extract_strided_slice %all_reduce_population_count3A_658 {offsets = [0], sizes = [1], strides = [1]} : vector<16xi32> to vector<1xi32>
      %squeeze3A_660 = vector.extract %slice3A_659[0] : i32 from vector<1xi32>
      %add3A_661 = arith.addi %add3A_643, %squeeze3A_660 : i32
      %get3A_662 = arith.constant 192 : index
      %get3A_663 = tpu.vector_load %arg8[%get3A_662] {strides = array<i32>} : memref<288xi32, #tpu.memory_space<vmem>>, vector<16xi32>,
      %get3A_664 = arith.constant 191 : index
      %get3A_665 = tpu.vector_load %arg8[%get3A_664] {strides = array<i32>} : memref<288xi32, #tpu.memory_space<vmem>>, vector<16xi32>,
      %iota3A_666 = tpu.iota {dimensions = array<i32: 0>} : vector<16xi32>
      %add3A_667 = arith.constant 176 : i32
      %add3A_668 = vector.broadcast %add3A_667 : i32 to vector<16xi32>
      %add3A_669 = arith.addi %iota3A_666, %add3A_668 : vector<16xi32>
      %ne3A_670 = arith.cmpi ne, %get3A_663, %get3A_665 : vector<16xi32>
      %ge3A_671 = vector.broadcast %max3A_455 : i32 to vector<16xi32>
      %ge3A_672 = arith.cmpi sge, %add3A_669, %ge3A_671 : vector<16xi32>
      %and3A_673 = arith.andi %ne3A_670, %ge3A_672 : vector<16xi1>
      %swap3A_674 = arith.index_cast %add3A_661 : i32 to index
      %swap3A_675 = tpu.vector_load %arg9[%swap3A_674] masked %and3A_673 {strides = array<i32>} : memref<272xi32, #tpu.memory_space<vmem>>, vector<16xi32>, vector<16xi1>
      tpu.vector_store %arg9[%swap3A_674], %add3A_669 masked %and3A_673 {strides = array<i32>} : memref<272xi32, #tpu.memory_space<vmem>>, vector<16xi32>, vector<16xi1>
      %all_reduce_population_count3A_676 = tpu.all_reduce %and3A_673 {dim = 0 : i64, kind = #tpu.reduction_kind<sum>} : vector<16xi1> -> vector<16xi32>
      %slice3A_677 = vector.extract_strided_slice %all_reduce_population_count3A_676 {offsets = [0], sizes = [1], strides = [1]} : vector<16xi32> to vector<1xi32>
      %squeeze3A_678 = vector.extract %slice3A_677[0] : i32 from vector<1xi32>
      %add3A_679 = arith.addi %add3A_661, %squeeze3A_678 : i32
      %get3A_680 = arith.constant 208 : index
      %get3A_681 = tpu.vector_load %arg8[%get3A_680] {strides = array<i32>} : memref<288xi32, #tpu.memory_space<vmem>>, vector<16xi32>,
      %get3A_682 = arith.constant 207 : index
      %get3A_683 = tpu.vector_load %arg8[%get3A_682] {strides = array<i32>} : memref<288xi32, #tpu.memory_space<vmem>>, vector<16xi32>,
      %iota3A_684 = tpu.iota {dimensions = array<i32: 0>} : vector<16xi32>
      %add3A_685 = arith.constant 192 : i32
      %add3A_686 = vector.broadcast %add3A_685 : i32 to vector<16xi32>
      %add3A_687 = arith.addi %iota3A_684, %add3A_686 : vector<16xi32>
      %ne3A_688 = arith.cmpi ne, %get3A_681, %get3A_683 : vector<16xi32>
      %ge3A_689 = vector.broadcast %max3A_455 : i32 to vector<16xi32>
      %ge3A_690 = arith.cmpi sge, %add3A_687, %ge3A_689 : vector<16xi32>
      %and3A_691 = arith.andi %ne3A_688, %ge3A_690 : vector<16xi1>
      %swap3A_692 = arith.index_cast %add3A_679 : i32 to index
      %swap3A_693 = tpu.vector_load %arg9[%swap3A_692] masked %and3A_691 {strides = array<i32>} : memref<272xi32, #tpu.memory_space<vmem>>, vector<16xi32>, vector<16xi1>
      tpu.vector_store %arg9[%swap3A_692], %add3A_687 masked %and3A_691 {strides = array<i32>} : memref<272xi32, #tpu.memory_space<vmem>>, vector<16xi32>, vector<16xi1>
      %all_reduce_population_count3A_694 = tpu.all_reduce %and3A_691 {dim = 0 : i64, kind = #tpu.reduction_kind<sum>} : vector<16xi1> -> vector<16xi32>
      %slice3A_695 = vector.extract_strided_slice %all_reduce_population_count3A_694 {offsets = [0], sizes = [1], strides = [1]} : vector<16xi32> to vector<1xi32>
      %squeeze3A_696 = vector.extract %slice3A_695[0] : i32 from vector<1xi32>
      %add3A_697 = arith.addi %add3A_679, %squeeze3A_696 : i32
      %get3A_698 = arith.constant 224 : index
      %get3A_699 = tpu.vector_load %arg8[%get3A_698] {strides = array<i32>} : memref<288xi32, #tpu.memory_space<vmem>>, vector<16xi32>,
      %get3A_700 = arith.constant 223 : index
      %get3A_701 = tpu.vector_load %arg8[%get3A_700] {strides = array<i32>} : memref<288xi32, #tpu.memory_space<vmem>>, vector<16xi32>,
      %iota3A_702 = tpu.iota {dimensions = array<i32: 0>} : vector<16xi32>
      %add3A_703 = arith.constant 208 : i32
      %add3A_704 = vector.broadcast %add3A_703 : i32 to vector<16xi32>
      %add3A_705 = arith.addi %iota3A_702, %add3A_704 : vector<16xi32>
      %ne3A_706 = arith.cmpi ne, %get3A_699, %get3A_701 : vector<16xi32>
      %ge3A_707 = vector.broadcast %max3A_455 : i32 to vector<16xi32>
      %ge3A_708 = arith.cmpi sge, %add3A_705, %ge3A_707 : vector<16xi32>
      %and3A_709 = arith.andi %ne3A_706, %ge3A_708 : vector<16xi1>
      %swap3A_710 = arith.index_cast %add3A_697 : i32 to index
      %swap3A_711 = tpu.vector_load %arg9[%swap3A_710] masked %and3A_709 {strides = array<i32>} : memref<272xi32, #tpu.memory_space<vmem>>, vector<16xi32>, vector<16xi1>
      tpu.vector_store %arg9[%swap3A_710], %add3A_705 masked %and3A_709 {strides = array<i32>} : memref<272xi32, #tpu.memory_space<vmem>>, vector<16xi32>, vector<16xi1>
      %all_reduce_population_count3A_712 = tpu.all_reduce %and3A_709 {dim = 0 : i64, kind = #tpu.reduction_kind<sum>} : vector<16xi1> -> vector<16xi32>
      %slice3A_713 = vector.extract_strided_slice %all_reduce_population_count3A_712 {offsets = [0], sizes = [1], strides = [1]} : vector<16xi32> to vector<1xi32>
      %squeeze3A_714 = vector.extract %slice3A_713[0] : i32 from vector<1xi32>
      %add3A_715 = arith.addi %add3A_697, %squeeze3A_714 : i32
      %get3A_716 = arith.constant 240 : index
      %get3A_717 = tpu.vector_load %arg8[%get3A_716] {strides = array<i32>} : memref<288xi32, #tpu.memory_space<vmem>>, vector<16xi32>,
      %get3A_718 = arith.constant 239 : index
      %get3A_719 = tpu.vector_load %arg8[%get3A_718] {strides = array<i32>} : memref<288xi32, #tpu.memory_space<vmem>>, vector<16xi32>,
      %iota3A_720 = tpu.iota {dimensions = array<i32: 0>} : vector<16xi32>
      %add3A_721 = arith.constant 224 : i32
      %add3A_722 = vector.broadcast %add3A_721 : i32 to vector<16xi32>
      %add3A_723 = arith.addi %iota3A_720, %add3A_722 : vector<16xi32>
      %ne3A_724 = arith.cmpi ne, %get3A_717, %get3A_719 : vector<16xi32>
      %ge3A_725 = vector.broadcast %max3A_455 : i32 to vector<16xi32>
      %ge3A_726 = arith.cmpi sge, %add3A_723, %ge3A_725 : vector<16xi32>
      %and3A_727 = arith.andi %ne3A_724, %ge3A_726 : vector<16xi1>
      %swap3A_728 = arith.index_cast %add3A_715 : i32 to index
      %swap3A_729 = tpu.vector_load %arg9[%swap3A_728] masked %and3A_727 {strides = array<i32>} : memref<272xi32, #tpu.memory_space<vmem>>, vector<16xi32>, vector<16xi1>
      tpu.vector_store %arg9[%swap3A_728], %add3A_723 masked %and3A_727 {strides = array<i32>} : memref<272xi32, #tpu.memory_space<vmem>>, vector<16xi32>, vector<16xi1>
      %all_reduce_population_count3A_730 = tpu.all_reduce %and3A_727 {dim = 0 : i64, kind = #tpu.reduction_kind<sum>} : vector<16xi1> -> vector<16xi32>
      %slice3A_731 = vector.extract_strided_slice %all_reduce_population_count3A_730 {offsets = [0], sizes = [1], strides = [1]} : vector<16xi32> to vector<1xi32>
      %squeeze3A_732 = vector.extract %slice3A_731[0] : i32 from vector<1xi32>
      %add3A_733 = arith.addi %add3A_715, %squeeze3A_732 : i32
      %get3A_734 = arith.constant 256 : index
      %get3A_735 = tpu.vector_load %arg8[%get3A_734] {strides = array<i32>} : memref<288xi32, #tpu.memory_space<vmem>>, vector<16xi32>,
      %get3A_736 = arith.constant 255 : index
      %get3A_737 = tpu.vector_load %arg8[%get3A_736] {strides = array<i32>} : memref<288xi32, #tpu.memory_space<vmem>>, vector<16xi32>,
      %iota3A_738 = tpu.iota {dimensions = array<i32: 0>} : vector<16xi32>
      %add3A_739 = arith.constant 240 : i32
      %add3A_740 = vector.broadcast %add3A_739 : i32 to vector<16xi32>
      %add3A_741 = arith.addi %iota3A_738, %add3A_740 : vector<16xi32>
      %ne3A_742 = arith.cmpi ne, %get3A_735, %get3A_737 : vector<16xi32>
      %ge3A_743 = vector.broadcast %max3A_455 : i32 to vector<16xi32>
      %ge3A_744 = arith.cmpi sge, %add3A_741, %ge3A_743 : vector<16xi32>
      %and3A_745 = arith.andi %ne3A_742, %ge3A_744 : vector<16xi1>
      %swap3A_746 = arith.index_cast %add3A_733 : i32 to index
      %swap3A_747 = tpu.vector_load %arg9[%swap3A_746] masked %and3A_745 {strides = array<i32>} : memref<272xi32, #tpu.memory_space<vmem>>, vector<16xi32>, vector<16xi1>
      tpu.vector_store %arg9[%swap3A_746], %add3A_741 masked %and3A_745 {strides = array<i32>} : memref<272xi32, #tpu.memory_space<vmem>>, vector<16xi32>, vector<16xi1>
      %all_reduce_population_count3A_748 = tpu.all_reduce %and3A_745 {dim = 0 : i64, kind = #tpu.reduction_kind<sum>} : vector<16xi1> -> vector<16xi32>
      %slice3A_749 = vector.extract_strided_slice %all_reduce_population_count3A_748 {offsets = [0], sizes = [1], strides = [1]} : vector<16xi32> to vector<1xi32>
      %squeeze3A_750 = vector.extract %slice3A_749[0] : i32 from vector<1xi32>
      %add3A_751 = arith.addi %add3A_733, %squeeze3A_750 : i32
      %while3A_752 = arith.constant 0 : i32
      %while3A_753 = arith.subi %add3A_751, %while3A_752 : i32
      %while3A_754 = arith.addi %while3A_752, %while3A_753 : i32
      %while3A_755 = arith.constant 1 : i32
      %while3A_756 = arith.divsi %while3A_753, %while3A_755 : i32
      %while3A_757 = arith.muli %while3A_756, %while3A_755 : i32
      %while3A_758 = arith.addi %while3A_752, %while3A_757 : i32
      %while3A_759 = arith.constant 1 : i32
      %while3A_760:12 = scf.for %while3A_781 = %while3A_752 to %while3A_758 step %while3A_759 iter_args(%while3A_782 = %max3A_455, %while3A_783 = %while3A_428#1, %while3A_784 = %while3A_428#2, %while3A_785 = %while3A_428#3, %while3A_786 = %parallel_loop3A_430#0, %while3A_787 = %parallel_loop3A_430#1, %while3A_788 = %parallel_loop3A_430#2, %while3A_789 = %parallel_loop3A_430#3, %while3A_790 = %parallel_loop3A_430#4, %while3A_791 = %parallel_loop3A_430#5, %while3A_792 = %parallel_loop3A_430#6, %while3A_793 = %parallel_loop3A_430#7) -> (i32, i32, i32, i32, vector<16xf32>, vector<16xf32>, vector<16xf32>, vector<16xf32>, vector<16xf32>, vector<16xf32>, vector<16xf32>, vector<16xf32>)  : i32 {
        %get3A_794 = arith.index_cast %while3A_781 : i32 to index
        %get3A_795 = tpu.vector_load %arg9[%get3A_794] {strides = array<i32>} : memref<272xi32, #tpu.memory_space<vmem>>, vector<16xi32>,
        %slice3A_796 = vector.extract_strided_slice %get3A_795 {offsets = [0], sizes = [1], strides = [1]} : vector<16xi32> to vector<1xi32>
        %squeeze3A_797 = vector.extract %slice3A_796[0] : i32 from vector<1xi32>
        %parallel_loop3A_798 = arith.constant 1 : i32
        %parallel_loop3A_799:8 = scf.for %parallel_loop3A_835 = %while3A_782 to %squeeze3A_797 step %parallel_loop3A_798 iter_args(%parallel_loop3A_836 = %while3A_786, %parallel_loop3A_837 = %while3A_787, %parallel_loop3A_838 = %while3A_788, %parallel_loop3A_839 = %while3A_789, %parallel_loop3A_840 = %while3A_790, %parallel_loop3A_841 = %while3A_791, %parallel_loop3A_842 = %while3A_792, %parallel_loop3A_843 = %while3A_793) -> (vector<16xf32>, vector<16xf32>, vector<16xf32>, vector<16xf32>, vector<16xf32>, vector<16xf32>, vector<16xf32>, vector<16xf32>)  : i32 {
          %parallel_loop3A_844 = arith.index_cast %parallel_loop3A_835 : i32 to index
          %parallel_loop3A_845 = arith.constant 0 : index
          %parallel_loop3A_846 = tpu.vector_load %arg6[%parallel_loop3A_844, %parallel_loop3A_845] {strides = array<i32>} : memref<256x128xf32, #tpu.memory_space<vmem>>, vector<16xf32>,
          %parallel_loop3A_847 = arith.maximumf %parallel_loop3A_836, %parallel_loop3A_846 : vector<16xf32>
          %parallel_loop3A_848 = arith.index_cast %parallel_loop3A_835 : i32 to index
          %parallel_loop3A_849 = arith.constant 16 : index
          %parallel_loop3A_850 = tpu.vector_load %arg6[%parallel_loop3A_848, %parallel_loop3A_849] {strides = array<i32>} : memref<256x128xf32, #tpu.memory_space<vmem>>, vector<16xf32>,
          %parallel_loop3A_851 = arith.maximumf %parallel_loop3A_837, %parallel_loop3A_850 : vector<16xf32>
          %parallel_loop3A_852 = arith.index_cast %parallel_loop3A_835 : i32 to index
          %parallel_loop3A_853 = arith.constant 32 : index
          %parallel_loop3A_854 = tpu.vector_load %arg6[%parallel_loop3A_852, %parallel_loop3A_853] {strides = array<i32>} : memref<256x128xf32, #tpu.memory_space<vmem>>, vector<16xf32>,
          %parallel_loop3A_855 = arith.maximumf %parallel_loop3A_838, %parallel_loop3A_854 : vector<16xf32>
          %parallel_loop3A_856 = arith.index_cast %parallel_loop3A_835 : i32 to index
          %parallel_loop3A_857 = arith.constant 48 : index
          %parallel_loop3A_858 = tpu.vector_load %arg6[%parallel_loop3A_856, %parallel_loop3A_857] {strides = array<i32>} : memref<256x128xf32, #tpu.memory_space<vmem>>, vector<16xf32>,
          %parallel_loop3A_859 = arith.maximumf %parallel_loop3A_839, %parallel_loop3A_858 : vector<16xf32>
          %parallel_loop3A_860 = arith.index_cast %parallel_loop3A_835 : i32 to index
          %parallel_loop3A_861 = arith.constant 64 : index
          %parallel_loop3A_862 = tpu.vector_load %arg6[%parallel_loop3A_860, %parallel_loop3A_861] {strides = array<i32>} : memref<256x128xf32, #tpu.memory_space<vmem>>, vector<16xf32>,
          %parallel_loop3A_863 = arith.maximumf %parallel_loop3A_840, %parallel_loop3A_862 : vector<16xf32>
          %parallel_loop3A_864 = arith.index_cast %parallel_loop3A_835 : i32 to index
          %parallel_loop3A_865 = arith.constant 80 : index
          %parallel_loop3A_866 = tpu.vector_load %arg6[%parallel_loop3A_864, %parallel_loop3A_865] {strides = array<i32>} : memref<256x128xf32, #tpu.memory_space<vmem>>, vector<16xf32>,
          %parallel_loop3A_867 = arith.maximumf %parallel_loop3A_841, %parallel_loop3A_866 : vector<16xf32>
          %parallel_loop3A_868 = arith.index_cast %parallel_loop3A_835 : i32 to index
          %parallel_loop3A_869 = arith.constant 96 : index
          %parallel_loop3A_870 = tpu.vector_load %arg6[%parallel_loop3A_868, %parallel_loop3A_869] {strides = array<i32>} : memref<256x128xf32, #tpu.memory_space<vmem>>, vector<16xf32>,
          %parallel_loop3A_871 = arith.maximumf %parallel_loop3A_842, %parallel_loop3A_870 : vector<16xf32>
          %parallel_loop3A_872 = arith.index_cast %parallel_loop3A_835 : i32 to index
          %parallel_loop3A_873 = arith.constant 112 : index
          %parallel_loop3A_874 = tpu.vector_load %arg6[%parallel_loop3A_872, %parallel_loop3A_873] {strides = array<i32>} : memref<256x128xf32, #tpu.memory_space<vmem>>, vector<16xf32>,
          %parallel_loop3A_875 = arith.maximumf %parallel_loop3A_843, %parallel_loop3A_874 : vector<16xf32>
          scf.yield %parallel_loop3A_847, %parallel_loop3A_851, %parallel_loop3A_855, %parallel_loop3A_859, %parallel_loop3A_863, %parallel_loop3A_867, %parallel_loop3A_871, %parallel_loop3A_875 : vector<16xf32>, vector<16xf32>, vector<16xf32>, vector<16xf32>, vector<16xf32>, vector<16xf32>, vector<16xf32>, vector<16xf32>
        } {sc.loop_unroll_factor = 4 : i64, sc.parallel_access}
        %add3A_800 = arith.constant 16 : i32
        %add3A_801 = arith.addi %add3A_800, %squeeze3A_797 : i32
        %get3A_802 = arith.index_cast %add3A_801 : i32 to index
        %get3A_803 = tpu.vector_load %arg8[%get3A_802] {strides = array<i32>} : memref<288xi32, #tpu.memory_space<vmem>>, vector<16xi32>,
        %slice3A_804 = vector.extract_strided_slice %get3A_803 {offsets = [0], sizes = [1], strides = [1]} : vector<16xi32> to vector<1xi32>
        %squeeze3A_805 = vector.extract %slice3A_804[0] : i32 from vector<1xi32>
        %add3A_806 = arith.addi %mul3A_452, %squeeze3A_797 : i32
        %lt3A_807 = arith.cmpi slt, %add3A_806, %add3A_4 : i32
        %eq3A_808 = arith.constant 1 : i32
        %eq3A_809 = arith.cmpi eq, %while3A_784, %eq3A_808 : i32
        %ne3A_810 = arith.constant 2 : i32
        %ne3A_811 = arith.cmpi ne, %while3A_784, %ne3A_810 : i32
        %convert_element_type3A_812 = arith.extui %eq3A_809 : i1 to i32
        %cond3A_813 = arith.constant 0 : i32
        %cond3A_814 = arith.cmpi ne, %convert_element_type3A_812, %cond3A_813 : i32
        scf.if %cond3A_814 {
          %and3A_835 = arith.constant 7 : i32
          %and3A_836 = arith.andi %while3A_785, %and3A_835 : i32
          %swap3A_837 = arith.index_cast %and3A_836 : i32 to index
          %swap3A_838 = arith.constant 0 : index
          %swap3A_839 = tpu.vector_load %arg11[%swap3A_837, %swap3A_838] {strides = array<i32>} : memref<8x128xf32, #tpu.memory_space<vmem>>, vector<16xf32>,
          tpu.vector_store %arg11[%swap3A_837, %swap3A_838], %parallel_loop3A_799#0 {strides = array<i32>} : memref<8x128xf32, #tpu.memory_space<vmem>>, vector<16xf32>,
          %swap3A_840 = arith.index_cast %and3A_836 : i32 to index
          %swap3A_841 = arith.constant 16 : index
          %swap3A_842 = tpu.vector_load %arg11[%swap3A_840, %swap3A_841] {strides = array<i32>} : memref<8x128xf32, #tpu.memory_space<vmem>>, vector<16xf32>,
          tpu.vector_store %arg11[%swap3A_840, %swap3A_841], %parallel_loop3A_799#1 {strides = array<i32>} : memref<8x128xf32, #tpu.memory_space<vmem>>, vector<16xf32>,
          %swap3A_843 = arith.index_cast %and3A_836 : i32 to index
          %swap3A_844 = arith.constant 32 : index
          %swap3A_845 = tpu.vector_load %arg11[%swap3A_843, %swap3A_844] {strides = array<i32>} : memref<8x128xf32, #tpu.memory_space<vmem>>, vector<16xf32>,
          tpu.vector_store %arg11[%swap3A_843, %swap3A_844], %parallel_loop3A_799#2 {strides = array<i32>} : memref<8x128xf32, #tpu.memory_space<vmem>>, vector<16xf32>,
          %swap3A_846 = arith.index_cast %and3A_836 : i32 to index
          %swap3A_847 = arith.constant 48 : index
          %swap3A_848 = tpu.vector_load %arg11[%swap3A_846, %swap3A_847] {strides = array<i32>} : memref<8x128xf32, #tpu.memory_space<vmem>>, vector<16xf32>,
          tpu.vector_store %arg11[%swap3A_846, %swap3A_847], %parallel_loop3A_799#3 {strides = array<i32>} : memref<8x128xf32, #tpu.memory_space<vmem>>, vector<16xf32>,
          %swap3A_849 = arith.index_cast %and3A_836 : i32 to index
          %swap3A_850 = arith.constant 64 : index
          %swap3A_851 = tpu.vector_load %arg11[%swap3A_849, %swap3A_850] {strides = array<i32>} : memref<8x128xf32, #tpu.memory_space<vmem>>, vector<16xf32>,
          tpu.vector_store %arg11[%swap3A_849, %swap3A_850], %parallel_loop3A_799#4 {strides = array<i32>} : memref<8x128xf32, #tpu.memory_space<vmem>>, vector<16xf32>,
          %swap3A_852 = arith.index_cast %and3A_836 : i32 to index
          %swap3A_853 = arith.constant 80 : index
          %swap3A_854 = tpu.vector_load %arg11[%swap3A_852, %swap3A_853] {strides = array<i32>} : memref<8x128xf32, #tpu.memory_space<vmem>>, vector<16xf32>,
          tpu.vector_store %arg11[%swap3A_852, %swap3A_853], %parallel_loop3A_799#5 {strides = array<i32>} : memref<8x128xf32, #tpu.memory_space<vmem>>, vector<16xf32>,
          %swap3A_855 = arith.index_cast %and3A_836 : i32 to index
          %swap3A_856 = arith.constant 96 : index
          %swap3A_857 = tpu.vector_load %arg11[%swap3A_855, %swap3A_856] {strides = array<i32>} : memref<8x128xf32, #tpu.memory_space<vmem>>, vector<16xf32>,
          tpu.vector_store %arg11[%swap3A_855, %swap3A_856], %parallel_loop3A_799#6 {strides = array<i32>} : memref<8x128xf32, #tpu.memory_space<vmem>>, vector<16xf32>,
          %swap3A_858 = arith.index_cast %and3A_836 : i32 to index
          %swap3A_859 = arith.constant 112 : index
          %swap3A_860 = tpu.vector_load %arg11[%swap3A_858, %swap3A_859] {strides = array<i32>} : memref<8x128xf32, #tpu.memory_space<vmem>>, vector<16xf32>,
          tpu.vector_store %arg11[%swap3A_858, %swap3A_859], %parallel_loop3A_799#7 {strides = array<i32>} : memref<8x128xf32, #tpu.memory_space<vmem>>, vector<16xf32>,
          %dma_start3A_861 = arith.constant 0 : i32
          %dma_start3A_862 = tpu.memref_slice %arg11[%and3A_836, %dma_start3A_861] : memref<8x128xf32, #tpu.memory_space<vmem>> -> memref<1x128xf32, #tpu.memory_space<vmem>>
          %dma_start3A_863 = tpu.memref_squeeze %dma_start3A_862 : memref<1x128xf32, #tpu.memory_space<vmem>> -> memref<128xf32, #tpu.memory_space<vmem>>
          %dma_start3A_864 = arith.constant 0 : i32
          %dma_start3A_865 = tpu.memref_slice %arg4[%while3A_783, %dma_start3A_864] : memref<10000x128xf32, #tpu.memory_space<hbm>> -> memref<1x128xf32, #tpu.memory_space<hbm>>
          %dma_start3A_866 = tpu.memref_squeeze %dma_start3A_865 : memref<1x128xf32, #tpu.memory_space<hbm>> -> memref<128xf32, #tpu.memory_space<hbm>>
          %dma_start3A_867 = arith.constant 0 : i32
          %dma_start3A_868 = tpu.memref_slice %arg4[%while3A_783, %dma_start3A_867] : memref<10000x128xf32, #tpu.memory_space<hbm>> -> memref<1x128xf32, #tpu.memory_space<hbm>>
          %dma_start3A_869 = tpu.memref_squeeze %dma_start3A_868 : memref<1x128xf32, #tpu.memory_space<hbm>> -> memref<128xf32, #tpu.memory_space<hbm>>
          %dma_start3A_870 = arith.constant 0 : i32
          %dma_start3A_871 = tpu.memref_slice %arg11[%and3A_836, %dma_start3A_870] : memref<8x128xf32, #tpu.memory_space<vmem>> -> memref<1x128xf32, #tpu.memory_space<vmem>>
          %dma_start3A_872 = tpu.memref_squeeze %dma_start3A_871 : memref<1x128xf32, #tpu.memory_space<vmem>> -> memref<128xf32, #tpu.memory_space<vmem>>
          tpu.enqueue_dma source(%dma_start3A_872 : memref<128xf32, #tpu.memory_space<vmem>>) target(%dma_start3A_869 : memref<128xf32, #tpu.memory_space<hbm>>) target_semaphore(%arg16 : memref<!tpu.dma_semaphore, #tpu.memory_space<semaphore_mem>>)
          %eq3A_873 = arith.constant 7 : i32
          %eq3A_874 = arith.cmpi eq, %and3A_836, %eq3A_873 : i32
          %convert_element_type3A_875 = arith.extui %eq3A_874 : i1 to i32
          %cond3A_876 = arith.constant 0 : i32
          %cond3A_877 = arith.cmpi ne, %convert_element_type3A_875, %cond3A_876 : i32
          scf.if %cond3A_877 {
            %dma_wait3A_878 = arith.constant 0 : i32
            %dma_wait3A_879 = arith.constant 0 : i32
            %dma_wait3A_880 = tpu.memref_slice %arg4[%dma_wait3A_878, %dma_wait3A_879] : memref<10000x128xf32, #tpu.memory_space<hbm>> -> memref<1x128xf32, #tpu.memory_space<hbm>>
            %dma_wait3A_881 = tpu.memref_squeeze %dma_wait3A_880 : memref<1x128xf32, #tpu.memory_space<hbm>> -> memref<128xf32, #tpu.memory_space<hbm>>
            %dma_wait3A_882 = arith.constant 0 : i32
            %dma_wait3A_883 = tpu.memref_slice %arg4[%dma_wait3A_878, %dma_wait3A_882] : memref<10000x128xf32, #tpu.memory_space<hbm>> -> memref<1x128xf32, #tpu.memory_space<hbm>>
            %dma_wait3A_884 = tpu.memref_squeeze %dma_wait3A_883 : memref<1x128xf32, #tpu.memory_space<hbm>> -> memref<128xf32, #tpu.memory_space<hbm>>
            tpu.wait_dma2 semaphore(%arg16 : memref<!tpu.dma_semaphore, #tpu.memory_space<semaphore_mem>>) src(%arg12 : memref<128xf32, #tpu.memory_space<vmem>>) dst(%dma_wait3A_884 : memref<128xf32, #tpu.memory_space<hbm>>)
            %dma_wait3A_885 = arith.constant 0 : i32
            %dma_wait3A_886 = arith.constant 0 : i32
            %dma_wait3A_887 = tpu.memref_slice %arg4[%dma_wait3A_885, %dma_wait3A_886] : memref<10000x128xf32, #tpu.memory_space<hbm>> -> memref<1x128xf32, #tpu.memory_space<hbm>>
            %dma_wait3A_888 = tpu.memref_squeeze %dma_wait3A_887 : memref<1x128xf32, #tpu.memory_space<hbm>> -> memref<128xf32, #tpu.memory_space<hbm>>
            %dma_wait3A_889 = arith.constant 0 : i32
            %dma_wait3A_890 = tpu.memref_slice %arg4[%dma_wait3A_885, %dma_wait3A_889] : memref<10000x128xf32, #tpu.memory_space<hbm>> -> memref<1x128xf32, #tpu.memory_space<hbm>>
            %dma_wait3A_891 = tpu.memref_squeeze %dma_wait3A_890 : memref<1x128xf32, #tpu.memory_space<hbm>> -> memref<128xf32, #tpu.memory_space<hbm>>
            tpu.wait_dma2 semaphore(%arg16 : memref<!tpu.dma_semaphore, #tpu.memory_space<semaphore_mem>>) src(%arg12 : memref<128xf32, #tpu.memory_space<vmem>>) dst(%dma_wait3A_891 : memref<128xf32, #tpu.memory_space<hbm>>)
            %dma_wait3A_892 = arith.constant 0 : i32
            %dma_wait3A_893 = arith.constant 0 : i32
            %dma_wait3A_894 = tpu.memref_slice %arg4[%dma_wait3A_892, %dma_wait3A_893] : memref<10000x128xf32, #tpu.memory_space<hbm>> -> memref<1x128xf32, #tpu.memory_space<hbm>>
            %dma_wait3A_895 = tpu.memref_squeeze %dma_wait3A_894 : memref<1x128xf32, #tpu.memory_space<hbm>> -> memref<128xf32, #tpu.memory_space<hbm>>
            %dma_wait3A_896 = arith.constant 0 : i32
            %dma_wait3A_897 = tpu.memref_slice %arg4[%dma_wait3A_892, %dma_wait3A_896] : memref<10000x128xf32, #tpu.memory_space<hbm>> -> memref<1x128xf32, #tpu.memory_space<hbm>>
            %dma_wait3A_898 = tpu.memref_squeeze %dma_wait3A_897 : memref<1x128xf32, #tpu.memory_space<hbm>> -> memref<128xf32, #tpu.memory_space<hbm>>
            tpu.wait_dma2 semaphore(%arg16 : memref<!tpu.dma_semaphore, #tpu.memory_space<semaphore_mem>>) src(%arg12 : memref<128xf32, #tpu.memory_space<vmem>>) dst(%dma_wait3A_898 : memref<128xf32, #tpu.memory_space<hbm>>)
            %dma_wait3A_899 = arith.constant 0 : i32
            %dma_wait3A_900 = arith.constant 0 : i32
            %dma_wait3A_901 = tpu.memref_slice %arg4[%dma_wait3A_899, %dma_wait3A_900] : memref<10000x128xf32, #tpu.memory_space<hbm>> -> memref<1x128xf32, #tpu.memory_space<hbm>>
            %dma_wait3A_902 = tpu.memref_squeeze %dma_wait3A_901 : memref<1x128xf32, #tpu.memory_space<hbm>> -> memref<128xf32, #tpu.memory_space<hbm>>
            %dma_wait3A_903 = arith.constant 0 : i32
            %dma_wait3A_904 = tpu.memref_slice %arg4[%dma_wait3A_899, %dma_wait3A_903] : memref<10000x128xf32, #tpu.memory_space<hbm>> -> memref<1x128xf32, #tpu.memory_space<hbm>>
            %dma_wait3A_905 = tpu.memref_squeeze %dma_wait3A_904 : memref<1x128xf32, #tpu.memory_space<hbm>> -> memref<128xf32, #tpu.memory_space<hbm>>
            tpu.wait_dma2 semaphore(%arg16 : memref<!tpu.dma_semaphore, #tpu.memory_space<semaphore_mem>>) src(%arg12 : memref<128xf32, #tpu.memory_space<vmem>>) dst(%dma_wait3A_905 : memref<128xf32, #tpu.memory_space<hbm>>)
            %dma_wait3A_906 = arith.constant 0 : i32
            %dma_wait3A_907 = arith.constant 0 : i32
            %dma_wait3A_908 = tpu.memref_slice %arg4[%dma_wait3A_906, %dma_wait3A_907] : memref<10000x128xf32, #tpu.memory_space<hbm>> -> memref<1x128xf32, #tpu.memory_space<hbm>>
            %dma_wait3A_909 = tpu.memref_squeeze %dma_wait3A_908 : memref<1x128xf32, #tpu.memory_space<hbm>> -> memref<128xf32, #tpu.memory_space<hbm>>
            %dma_wait3A_910 = arith.constant 0 : i32
            %dma_wait3A_911 = tpu.memref_slice %arg4[%dma_wait3A_906, %dma_wait3A_910] : memref<10000x128xf32, #tpu.memory_space<hbm>> -> memref<1x128xf32, #tpu.memory_space<hbm>>
            %dma_wait3A_912 = tpu.memref_squeeze %dma_wait3A_911 : memref<1x128xf32, #tpu.memory_space<hbm>> -> memref<128xf32, #tpu.memory_space<hbm>>
            tpu.wait_dma2 semaphore(%arg16 : memref<!tpu.dma_semaphore, #tpu.memory_space<semaphore_mem>>) src(%arg12 : memref<128xf32, #tpu.memory_space<vmem>>) dst(%dma_wait3A_912 : memref<128xf32, #tpu.memory_space<hbm>>)
            %dma_wait3A_913 = arith.constant 0 : i32
            %dma_wait3A_914 = arith.constant 0 : i32
            %dma_wait3A_915 = tpu.memref_slice %arg4[%dma_wait3A_913, %dma_wait3A_914] : memref<10000x128xf32, #tpu.memory_space<hbm>> -> memref<1x128xf32, #tpu.memory_space<hbm>>
            %dma_wait3A_916 = tpu.memref_squeeze %dma_wait3A_915 : memref<1x128xf32, #tpu.memory_space<hbm>> -> memref<128xf32, #tpu.memory_space<hbm>>
            %dma_wait3A_917 = arith.constant 0 : i32
            %dma_wait3A_918 = tpu.memref_slice %arg4[%dma_wait3A_913, %dma_wait3A_917] : memref<10000x128xf32, #tpu.memory_space<hbm>> -> memref<1x128xf32, #tpu.memory_space<hbm>>
            %dma_wait3A_919 = tpu.memref_squeeze %dma_wait3A_918 : memref<1x128xf32, #tpu.memory_space<hbm>> -> memref<128xf32, #tpu.memory_space<hbm>>
            tpu.wait_dma2 semaphore(%arg16 : memref<!tpu.dma_semaphore, #tpu.memory_space<semaphore_mem>>) src(%arg12 : memref<128xf32, #tpu.memory_space<vmem>>) dst(%dma_wait3A_919 : memref<128xf32, #tpu.memory_space<hbm>>)
            %dma_wait3A_920 = arith.constant 0 : i32
            %dma_wait3A_921 = arith.constant 0 : i32
            %dma_wait3A_922 = tpu.memref_slice %arg4[%dma_wait3A_920, %dma_wait3A_921] : memref<10000x128xf32, #tpu.memory_space<hbm>> -> memref<1x128xf32, #tpu.memory_space<hbm>>
            %dma_wait3A_923 = tpu.memref_squeeze %dma_wait3A_922 : memref<1x128xf32, #tpu.memory_space<hbm>> -> memref<128xf32, #tpu.memory_space<hbm>>
            %dma_wait3A_924 = arith.constant 0 : i32
            %dma_wait3A_925 = tpu.memref_slice %arg4[%dma_wait3A_920, %dma_wait3A_924] : memref<10000x128xf32, #tpu.memory_space<hbm>> -> memref<1x128xf32, #tpu.memory_space<hbm>>
            %dma_wait3A_926 = tpu.memref_squeeze %dma_wait3A_925 : memref<1x128xf32, #tpu.memory_space<hbm>> -> memref<128xf32, #tpu.memory_space<hbm>>
            tpu.wait_dma2 semaphore(%arg16 : memref<!tpu.dma_semaphore, #tpu.memory_space<semaphore_mem>>) src(%arg12 : memref<128xf32, #tpu.memory_space<vmem>>) dst(%dma_wait3A_926 : memref<128xf32, #tpu.memory_space<hbm>>)
            %dma_wait3A_927 = arith.constant 0 : i32
            %dma_wait3A_928 = arith.constant 0 : i32
            %dma_wait3A_929 = tpu.memref_slice %arg4[%dma_wait3A_927, %dma_wait3A_928] : memref<10000x128xf32, #tpu.memory_space<hbm>> -> memref<1x128xf32, #tpu.memory_space<hbm>>
            %dma_wait3A_930 = tpu.memref_squeeze %dma_wait3A_929 : memref<1x128xf32, #tpu.memory_space<hbm>> -> memref<128xf32, #tpu.memory_space<hbm>>
            %dma_wait3A_931 = arith.constant 0 : i32
            %dma_wait3A_932 = tpu.memref_slice %arg4[%dma_wait3A_927, %dma_wait3A_931] : memref<10000x128xf32, #tpu.memory_space<hbm>> -> memref<1x128xf32, #tpu.memory_space<hbm>>
            %dma_wait3A_933 = tpu.memref_squeeze %dma_wait3A_932 : memref<1x128xf32, #tpu.memory_space<hbm>> -> memref<128xf32, #tpu.memory_space<hbm>>
            tpu.wait_dma2 semaphore(%arg16 : memref<!tpu.dma_semaphore, #tpu.memory_space<semaphore_mem>>) src(%arg12 : memref<128xf32, #tpu.memory_space<vmem>>) dst(%dma_wait3A_933 : memref<128xf32, #tpu.memory_space<hbm>>)
          } else {
          }
        } else {
        }
        %and3A_815 = arith.andi %ne3A_811, %lt3A_807 : i1
        %convert_element_type3A_816 = arith.extui %and3A_815 : i1 to i32
        %cond3A_817 = arith.constant 0 : i32
        %cond3A_818 = arith.cmpi ne, %convert_element_type3A_816, %cond3A_817 : i32
        scf.if %cond3A_818 {
          %select_n3A_835 = arith.select %eq3A_809, %while3A_783, %squeeze3A : i32
          %add3A_836 = arith.constant 1 : i32
          %add3A_837 = arith.addi %select_n3A_835, %add3A_836 : i32
          %while3A_838 = arith.constant 0 : i32
          %while3A_839 = arith.subi %squeeze3A_805, %add3A_837 : i32
          %while3A_840 = arith.addi %add3A_837, %while3A_839 : i32
          %while3A_841 = arith.constant 1 : i32
          %while3A_842 = arith.divsi %while3A_839, %while3A_841 : i32
          %while3A_843 = arith.muli %while3A_842, %while3A_841 : i32
          %while3A_844 = arith.addi %add3A_837, %while3A_843 : i32
          %while3A_845 = arith.constant 1 : i32
          scf.for %while3A_847 = %add3A_837 to %while3A_844 step %while3A_845  : i32 {
            "tpu.region"() ({
              %run_scoped3A = tpu.sem_alloc : memref<!tpu.dma_semaphore, #tpu.memory_space<semaphore_mem>>
              %dma_start3A_848 = arith.constant 0 : i32
              %dma_start3A_849 = tpu.memref_slice %arg4[%while3A_847, %dma_start3A_848] : memref<10000x128xf32, #tpu.memory_space<hbm>> -> memref<1x128xf32, #tpu.memory_space<hbm>>
              %dma_start3A_850 = tpu.memref_squeeze %dma_start3A_849 : memref<1x128xf32, #tpu.memory_space<hbm>> -> memref<128xf32, #tpu.memory_space<hbm>>
              %dma_start3A_851 = arith.constant 0 : i32
              %dma_start3A_852 = tpu.memref_slice %arg4[%while3A_847, %dma_start3A_851] : memref<10000x128xf32, #tpu.memory_space<hbm>> -> memref<1x128xf32, #tpu.memory_space<hbm>>
              %dma_start3A_853 = tpu.memref_squeeze %dma_start3A_852 : memref<1x128xf32, #tpu.memory_space<hbm>> -> memref<128xf32, #tpu.memory_space<hbm>>
              tpu.enqueue_dma source(%arg12 : memref<128xf32, #tpu.memory_space<vmem>>) target(%dma_start3A_853 : memref<128xf32, #tpu.memory_space<hbm>>) target_semaphore(%run_scoped3A : memref<!tpu.dma_semaphore, #tpu.memory_space<semaphore_mem>>)
              %dma_wait3A_854 = arith.constant 0 : i32
              %dma_wait3A_855 = tpu.memref_slice %arg4[%while3A_847, %dma_wait3A_854] : memref<10000x128xf32, #tpu.memory_space<hbm>> -> memref<1x128xf32, #tpu.memory_space<hbm>>
              %dma_wait3A_856 = tpu.memref_squeeze %dma_wait3A_855 : memref<1x128xf32, #tpu.memory_space<hbm>> -> memref<128xf32, #tpu.memory_space<hbm>>
              %dma_wait3A_857 = arith.constant 0 : i32
              %dma_wait3A_858 = tpu.memref_slice %arg4[%while3A_847, %dma_wait3A_857] : memref<10000x128xf32, #tpu.memory_space<hbm>> -> memref<1x128xf32, #tpu.memory_space<hbm>>
              %dma_wait3A_859 = tpu.memref_squeeze %dma_wait3A_858 : memref<1x128xf32, #tpu.memory_space<hbm>> -> memref<128xf32, #tpu.memory_space<hbm>>
              tpu.wait_dma2 semaphore(%run_scoped3A : memref<!tpu.dma_semaphore, #tpu.memory_space<semaphore_mem>>) src(%arg12 : memref<128xf32, #tpu.memory_space<vmem>>) dst(%dma_wait3A_859 : memref<128xf32, #tpu.memory_space<hbm>>)
              tpu.yield
            }) : () -> ()
          }
          %while3A_846 = arith.constant 1 : i32
          scf.for %while3A_847 = %while3A_844 to %while3A_840 step %while3A_846  : i32 {
            "tpu.region"() ({
              %run_scoped3A = tpu.sem_alloc : memref<!tpu.dma_semaphore, #tpu.memory_space<semaphore_mem>>
              %dma_start3A_848 = arith.constant 0 : i32
              %dma_start3A_849 = tpu.memref_slice %arg4[%while3A_847, %dma_start3A_848] : memref<10000x128xf32, #tpu.memory_space<hbm>> -> memref<1x128xf32, #tpu.memory_space<hbm>>
              %dma_start3A_850 = tpu.memref_squeeze %dma_start3A_849 : memref<1x128xf32, #tpu.memory_space<hbm>> -> memref<128xf32, #tpu.memory_space<hbm>>
              %dma_start3A_851 = arith.constant 0 : i32
              %dma_start3A_852 = tpu.memref_slice %arg4[%while3A_847, %dma_start3A_851] : memref<10000x128xf32, #tpu.memory_space<hbm>> -> memref<1x128xf32, #tpu.memory_space<hbm>>
              %dma_start3A_853 = tpu.memref_squeeze %dma_start3A_852 : memref<1x128xf32, #tpu.memory_space<hbm>> -> memref<128xf32, #tpu.memory_space<hbm>>
              tpu.enqueue_dma source(%arg12 : memref<128xf32, #tpu.memory_space<vmem>>) target(%dma_start3A_853 : memref<128xf32, #tpu.memory_space<hbm>>) target_semaphore(%run_scoped3A : memref<!tpu.dma_semaphore, #tpu.memory_space<semaphore_mem>>)
              %dma_wait3A_854 = arith.constant 0 : i32
              %dma_wait3A_855 = tpu.memref_slice %arg4[%while3A_847, %dma_wait3A_854] : memref<10000x128xf32, #tpu.memory_space<hbm>> -> memref<1x128xf32, #tpu.memory_space<hbm>>
              %dma_wait3A_856 = tpu.memref_squeeze %dma_wait3A_855 : memref<1x128xf32, #tpu.memory_space<hbm>> -> memref<128xf32, #tpu.memory_space<hbm>>
              %dma_wait3A_857 = arith.constant 0 : i32
              %dma_wait3A_858 = tpu.memref_slice %arg4[%while3A_847, %dma_wait3A_857] : memref<10000x128xf32, #tpu.memory_space<hbm>> -> memref<1x128xf32, #tpu.memory_space<hbm>>
              %dma_wait3A_859 = tpu.memref_squeeze %dma_wait3A_858 : memref<1x128xf32, #tpu.memory_space<hbm>> -> memref<128xf32, #tpu.memory_space<hbm>>
              tpu.wait_dma2 semaphore(%run_scoped3A : memref<!tpu.dma_semaphore, #tpu.memory_space<semaphore_mem>>) src(%arg12 : memref<128xf32, #tpu.memory_space<vmem>>) dst(%dma_wait3A_859 : memref<128xf32, #tpu.memory_space<hbm>>)
              tpu.yield
            }) : () -> ()
          }
        } else {
        }
        %and3A_819 = arith.andi %ne3A_811, %lt3A_807 : i1
        %jit3A_820 = arith.constant 1 : i32
        %jit3A_821 = arith.constant 2 : i32
        %select_n3A_822 = arith.select %lt3A_807, %jit3A_820, %jit3A_821 : i32
        %select_n3A_823 = arith.select %ne3A_811, %select_n3A_822, %while3A_784 : i32
        %select_n3A_824 = arith.select %and3A_819, %squeeze3A_805, %while3A_783 : i32
        %convert_element_type3A_825 = arith.extui %eq3A_809 : i1 to i32
        %add3A_826 = arith.addi %while3A_785, %convert_element_type3A_825 : i32
        %select_n3A_827 = arith.select %and3A_819, %broadcast_in_dim3A_5, %parallel_loop3A_799#0 : vector<16xf32>
        %select_n3A_828 = arith.select %and3A_819, %broadcast_in_dim3A_5, %parallel_loop3A_799#1 : vector<16xf32>
        %select_n3A_829 = arith.select %and3A_819, %broadcast_in_dim3A_5, %parallel_loop3A_799#2 : vector<16xf32>
        %select_n3A_830 = arith.select %and3A_819, %broadcast_in_dim3A_5, %parallel_loop3A_799#3 : vector<16xf32>
        %select_n3A_831 = arith.select %and3A_819, %broadcast_in_dim3A_5, %parallel_loop3A_799#4 : vector<16xf32>
        %select_n3A_832 = arith.select %and3A_819, %broadcast_in_dim3A_5, %parallel_loop3A_799#5 : vector<16xf32>
        %select_n3A_833 = arith.select %and3A_819, %broadcast_in_dim3A_5, %parallel_loop3A_799#6 : vector<16xf32>
        %select_n3A_834 = arith.select %and3A_819, %broadcast_in_dim3A_5, %parallel_loop3A_799#7 : vector<16xf32>
        scf.yield %squeeze3A_797, %select_n3A_824, %select_n3A_823, %add3A_826, %select_n3A_827, %select_n3A_828, %select_n3A_829, %select_n3A_830, %select_n3A_831, %select_n3A_832, %select_n3A_833, %select_n3A_834 : i32, i32, i32, i32, vector<16xf32>, vector<16xf32>, vector<16xf32>, vector<16xf32>, vector<16xf32>, vector<16xf32>, vector<16xf32>, vector<16xf32>
      }
      %while3A_761 = arith.constant 1 : i32
      %while3A_762:12 = scf.for %while3A_781 = %while3A_758 to %while3A_754 step %while3A_761 iter_args(%while3A_782 = %while3A_760#0, %while3A_783 = %while3A_760#1, %while3A_784 = %while3A_760#2, %while3A_785 = %while3A_760#3, %while3A_786 = %while3A_760#4, %while3A_787 = %while3A_760#5, %while3A_788 = %while3A_760#6, %while3A_789 = %while3A_760#7, %while3A_790 = %while3A_760#8, %while3A_791 = %while3A_760#9, %while3A_792 = %while3A_760#10, %while3A_793 = %while3A_760#11) -> (i32, i32, i32, i32, vector<16xf32>, vector<16xf32>, vector<16xf32>, vector<16xf32>, vector<16xf32>, vector<16xf32>, vector<16xf32>, vector<16xf32>)  : i32 {
        %get3A_794 = arith.index_cast %while3A_781 : i32 to index
        %get3A_795 = tpu.vector_load %arg9[%get3A_794] {strides = array<i32>} : memref<272xi32, #tpu.memory_space<vmem>>, vector<16xi32>,
        %slice3A_796 = vector.extract_strided_slice %get3A_795 {offsets = [0], sizes = [1], strides = [1]} : vector<16xi32> to vector<1xi32>
        %squeeze3A_797 = vector.extract %slice3A_796[0] : i32 from vector<1xi32>
        %parallel_loop3A_798 = arith.constant 1 : i32
        %parallel_loop3A_799:8 = scf.for %parallel_loop3A_835 = %while3A_782 to %squeeze3A_797 step %parallel_loop3A_798 iter_args(%parallel_loop3A_836 = %while3A_786, %parallel_loop3A_837 = %while3A_787, %parallel_loop3A_838 = %while3A_788, %parallel_loop3A_839 = %while3A_789, %parallel_loop3A_840 = %while3A_790, %parallel_loop3A_841 = %while3A_791, %parallel_loop3A_842 = %while3A_792, %parallel_loop3A_843 = %while3A_793) -> (vector<16xf32>, vector<16xf32>, vector<16xf32>, vector<16xf32>, vector<16xf32>, vector<16xf32>, vector<16xf32>, vector<16xf32>)  : i32 {
          %parallel_loop3A_844 = arith.index_cast %parallel_loop3A_835 : i32 to index
          %parallel_loop3A_845 = arith.constant 0 : index
          %parallel_loop3A_846 = tpu.vector_load %arg6[%parallel_loop3A_844, %parallel_loop3A_845] {strides = array<i32>} : memref<256x128xf32, #tpu.memory_space<vmem>>, vector<16xf32>,
          %parallel_loop3A_847 = arith.maximumf %parallel_loop3A_836, %parallel_loop3A_846 : vector<16xf32>
          %parallel_loop3A_848 = arith.index_cast %parallel_loop3A_835 : i32 to index
          %parallel_loop3A_849 = arith.constant 16 : index
          %parallel_loop3A_850 = tpu.vector_load %arg6[%parallel_loop3A_848, %parallel_loop3A_849] {strides = array<i32>} : memref<256x128xf32, #tpu.memory_space<vmem>>, vector<16xf32>,
          %parallel_loop3A_851 = arith.maximumf %parallel_loop3A_837, %parallel_loop3A_850 : vector<16xf32>
          %parallel_loop3A_852 = arith.index_cast %parallel_loop3A_835 : i32 to index
          %parallel_loop3A_853 = arith.constant 32 : index
          %parallel_loop3A_854 = tpu.vector_load %arg6[%parallel_loop3A_852, %parallel_loop3A_853] {strides = array<i32>} : memref<256x128xf32, #tpu.memory_space<vmem>>, vector<16xf32>,
          %parallel_loop3A_855 = arith.maximumf %parallel_loop3A_838, %parallel_loop3A_854 : vector<16xf32>
          %parallel_loop3A_856 = arith.index_cast %parallel_loop3A_835 : i32 to index
          %parallel_loop3A_857 = arith.constant 48 : index
          %parallel_loop3A_858 = tpu.vector_load %arg6[%parallel_loop3A_856, %parallel_loop3A_857] {strides = array<i32>} : memref<256x128xf32, #tpu.memory_space<vmem>>, vector<16xf32>,
          %parallel_loop3A_859 = arith.maximumf %parallel_loop3A_839, %parallel_loop3A_858 : vector<16xf32>
          %parallel_loop3A_860 = arith.index_cast %parallel_loop3A_835 : i32 to index
          %parallel_loop3A_861 = arith.constant 64 : index
          %parallel_loop3A_862 = tpu.vector_load %arg6[%parallel_loop3A_860, %parallel_loop3A_861] {strides = array<i32>} : memref<256x128xf32, #tpu.memory_space<vmem>>, vector<16xf32>,
          %parallel_loop3A_863 = arith.maximumf %parallel_loop3A_840, %parallel_loop3A_862 : vector<16xf32>
          %parallel_loop3A_864 = arith.index_cast %parallel_loop3A_835 : i32 to index
          %parallel_loop3A_865 = arith.constant 80 : index
          %parallel_loop3A_866 = tpu.vector_load %arg6[%parallel_loop3A_864, %parallel_loop3A_865] {strides = array<i32>} : memref<256x128xf32, #tpu.memory_space<vmem>>, vector<16xf32>,
          %parallel_loop3A_867 = arith.maximumf %parallel_loop3A_841, %parallel_loop3A_866 : vector<16xf32>
          %parallel_loop3A_868 = arith.index_cast %parallel_loop3A_835 : i32 to index
          %parallel_loop3A_869 = arith.constant 96 : index
          %parallel_loop3A_870 = tpu.vector_load %arg6[%parallel_loop3A_868, %parallel_loop3A_869] {strides = array<i32>} : memref<256x128xf32, #tpu.memory_space<vmem>>, vector<16xf32>,
          %parallel_loop3A_871 = arith.maximumf %parallel_loop3A_842, %parallel_loop3A_870 : vector<16xf32>
          %parallel_loop3A_872 = arith.index_cast %parallel_loop3A_835 : i32 to index
          %parallel_loop3A_873 = arith.constant 112 : index
          %parallel_loop3A_874 = tpu.vector_load %arg6[%parallel_loop3A_872, %parallel_loop3A_873] {strides = array<i32>} : memref<256x128xf32, #tpu.memory_space<vmem>>, vector<16xf32>,
          %parallel_loop3A_875 = arith.maximumf %parallel_loop3A_843, %parallel_loop3A_874 : vector<16xf32>
          scf.yield %parallel_loop3A_847, %parallel_loop3A_851, %parallel_loop3A_855, %parallel_loop3A_859, %parallel_loop3A_863, %parallel_loop3A_867, %parallel_loop3A_871, %parallel_loop3A_875 : vector<16xf32>, vector<16xf32>, vector<16xf32>, vector<16xf32>, vector<16xf32>, vector<16xf32>, vector<16xf32>, vector<16xf32>
        } {sc.loop_unroll_factor = 4 : i64, sc.parallel_access}
        %add3A_800 = arith.constant 16 : i32
        %add3A_801 = arith.addi %add3A_800, %squeeze3A_797 : i32
        %get3A_802 = arith.index_cast %add3A_801 : i32 to index
        %get3A_803 = tpu.vector_load %arg8[%get3A_802] {strides = array<i32>} : memref<288xi32, #tpu.memory_space<vmem>>, vector<16xi32>,
        %slice3A_804 = vector.extract_strided_slice %get3A_803 {offsets = [0], sizes = [1], strides = [1]} : vector<16xi32> to vector<1xi32>
        %squeeze3A_805 = vector.extract %slice3A_804[0] : i32 from vector<1xi32>
        %add3A_806 = arith.addi %mul3A_452, %squeeze3A_797 : i32
        %lt3A_807 = arith.cmpi slt, %add3A_806, %add3A_4 : i32
        %eq3A_808 = arith.constant 1 : i32
        %eq3A_809 = arith.cmpi eq, %while3A_784, %eq3A_808 : i32
        %ne3A_810 = arith.constant 2 : i32
        %ne3A_811 = arith.cmpi ne, %while3A_784, %ne3A_810 : i32
        %convert_element_type3A_812 = arith.extui %eq3A_809 : i1 to i32
        %cond3A_813 = arith.constant 0 : i32
        %cond3A_814 = arith.cmpi ne, %convert_element_type3A_812, %cond3A_813 : i32
        scf.if %cond3A_814 {
          %and3A_835 = arith.constant 7 : i32
          %and3A_836 = arith.andi %while3A_785, %and3A_835 : i32
          %swap3A_837 = arith.index_cast %and3A_836 : i32 to index
          %swap3A_838 = arith.constant 0 : index
          %swap3A_839 = tpu.vector_load %arg11[%swap3A_837, %swap3A_838] {strides = array<i32>} : memref<8x128xf32, #tpu.memory_space<vmem>>, vector<16xf32>,
          tpu.vector_store %arg11[%swap3A_837, %swap3A_838], %parallel_loop3A_799#0 {strides = array<i32>} : memref<8x128xf32, #tpu.memory_space<vmem>>, vector<16xf32>,
          %swap3A_840 = arith.index_cast %and3A_836 : i32 to index
          %swap3A_841 = arith.constant 16 : index
          %swap3A_842 = tpu.vector_load %arg11[%swap3A_840, %swap3A_841] {strides = array<i32>} : memref<8x128xf32, #tpu.memory_space<vmem>>, vector<16xf32>,
          tpu.vector_store %arg11[%swap3A_840, %swap3A_841], %parallel_loop3A_799#1 {strides = array<i32>} : memref<8x128xf32, #tpu.memory_space<vmem>>, vector<16xf32>,
          %swap3A_843 = arith.index_cast %and3A_836 : i32 to index
          %swap3A_844 = arith.constant 32 : index
          %swap3A_845 = tpu.vector_load %arg11[%swap3A_843, %swap3A_844] {strides = array<i32>} : memref<8x128xf32, #tpu.memory_space<vmem>>, vector<16xf32>,
          tpu.vector_store %arg11[%swap3A_843, %swap3A_844], %parallel_loop3A_799#2 {strides = array<i32>} : memref<8x128xf32, #tpu.memory_space<vmem>>, vector<16xf32>,
          %swap3A_846 = arith.index_cast %and3A_836 : i32 to index
          %swap3A_847 = arith.constant 48 : index
          %swap3A_848 = tpu.vector_load %arg11[%swap3A_846, %swap3A_847] {strides = array<i32>} : memref<8x128xf32, #tpu.memory_space<vmem>>, vector<16xf32>,
          tpu.vector_store %arg11[%swap3A_846, %swap3A_847], %parallel_loop3A_799#3 {strides = array<i32>} : memref<8x128xf32, #tpu.memory_space<vmem>>, vector<16xf32>,
          %swap3A_849 = arith.index_cast %and3A_836 : i32 to index
          %swap3A_850 = arith.constant 64 : index
          %swap3A_851 = tpu.vector_load %arg11[%swap3A_849, %swap3A_850] {strides = array<i32>} : memref<8x128xf32, #tpu.memory_space<vmem>>, vector<16xf32>,
          tpu.vector_store %arg11[%swap3A_849, %swap3A_850], %parallel_loop3A_799#4 {strides = array<i32>} : memref<8x128xf32, #tpu.memory_space<vmem>>, vector<16xf32>,
          %swap3A_852 = arith.index_cast %and3A_836 : i32 to index
          %swap3A_853 = arith.constant 80 : index
          %swap3A_854 = tpu.vector_load %arg11[%swap3A_852, %swap3A_853] {strides = array<i32>} : memref<8x128xf32, #tpu.memory_space<vmem>>, vector<16xf32>,
          tpu.vector_store %arg11[%swap3A_852, %swap3A_853], %parallel_loop3A_799#5 {strides = array<i32>} : memref<8x128xf32, #tpu.memory_space<vmem>>, vector<16xf32>,
          %swap3A_855 = arith.index_cast %and3A_836 : i32 to index
          %swap3A_856 = arith.constant 96 : index
          %swap3A_857 = tpu.vector_load %arg11[%swap3A_855, %swap3A_856] {strides = array<i32>} : memref<8x128xf32, #tpu.memory_space<vmem>>, vector<16xf32>,
          tpu.vector_store %arg11[%swap3A_855, %swap3A_856], %parallel_loop3A_799#6 {strides = array<i32>} : memref<8x128xf32, #tpu.memory_space<vmem>>, vector<16xf32>,
          %swap3A_858 = arith.index_cast %and3A_836 : i32 to index
          %swap3A_859 = arith.constant 112 : index
          %swap3A_860 = tpu.vector_load %arg11[%swap3A_858, %swap3A_859] {strides = array<i32>} : memref<8x128xf32, #tpu.memory_space<vmem>>, vector<16xf32>,
          tpu.vector_store %arg11[%swap3A_858, %swap3A_859], %parallel_loop3A_799#7 {strides = array<i32>} : memref<8x128xf32, #tpu.memory_space<vmem>>, vector<16xf32>,
          %dma_start3A_861 = arith.constant 0 : i32
          %dma_start3A_862 = tpu.memref_slice %arg11[%and3A_836, %dma_start3A_861] : memref<8x128xf32, #tpu.memory_space<vmem>> -> memref<1x128xf32, #tpu.memory_space<vmem>>
          %dma_start3A_863 = tpu.memref_squeeze %dma_start3A_862 : memref<1x128xf32, #tpu.memory_space<vmem>> -> memref<128xf32, #tpu.memory_space<vmem>>
          %dma_start3A_864 = arith.constant 0 : i32
          %dma_start3A_865 = tpu.memref_slice %arg4[%while3A_783, %dma_start3A_864] : memref<10000x128xf32, #tpu.memory_space<hbm>> -> memref<1x128xf32, #tpu.memory_space<hbm>>
          %dma_start3A_866 = tpu.memref_squeeze %dma_start3A_865 : memref<1x128xf32, #tpu.memory_space<hbm>> -> memref<128xf32, #tpu.memory_space<hbm>>
          %dma_start3A_867 = arith.constant 0 : i32
          %dma_start3A_868 = tpu.memref_slice %arg4[%while3A_783, %dma_start3A_867] : memref<10000x128xf32, #tpu.memory_space<hbm>> -> memref<1x128xf32, #tpu.memory_space<hbm>>
          %dma_start3A_869 = tpu.memref_squeeze %dma_start3A_868 : memref<1x128xf32, #tpu.memory_space<hbm>> -> memref<128xf32, #tpu.memory_space<hbm>>
          %dma_start3A_870 = arith.constant 0 : i32
          %dma_start3A_871 = tpu.memref_slice %arg11[%and3A_836, %dma_start3A_870] : memref<8x128xf32, #tpu.memory_space<vmem>> -> memref<1x128xf32, #tpu.memory_space<vmem>>
          %dma_start3A_872 = tpu.memref_squeeze %dma_start3A_871 : memref<1x128xf32, #tpu.memory_space<vmem>> -> memref<128xf32, #tpu.memory_space<vmem>>
          tpu.enqueue_dma source(%dma_start3A_872 : memref<128xf32, #tpu.memory_space<vmem>>) target(%dma_start3A_869 : memref<128xf32, #tpu.memory_space<hbm>>) target_semaphore(%arg16 : memref<!tpu.dma_semaphore, #tpu.memory_space<semaphore_mem>>)
          %eq3A_873 = arith.constant 7 : i32
          %eq3A_874 = arith.cmpi eq, %and3A_836, %eq3A_873 : i32
          %convert_element_type3A_875 = arith.extui %eq3A_874 : i1 to i32
          %cond3A_876 = arith.constant 0 : i32
          %cond3A_877 = arith.cmpi ne, %convert_element_type3A_875, %cond3A_876 : i32
          scf.if %cond3A_877 {
            %dma_wait3A_878 = arith.constant 0 : i32
            %dma_wait3A_879 = arith.constant 0 : i32
            %dma_wait3A_880 = tpu.memref_slice %arg4[%dma_wait3A_878, %dma_wait3A_879] : memref<10000x128xf32, #tpu.memory_space<hbm>> -> memref<1x128xf32, #tpu.memory_space<hbm>>
            %dma_wait3A_881 = tpu.memref_squeeze %dma_wait3A_880 : memref<1x128xf32, #tpu.memory_space<hbm>> -> memref<128xf32, #tpu.memory_space<hbm>>
            %dma_wait3A_882 = arith.constant 0 : i32
            %dma_wait3A_883 = tpu.memref_slice %arg4[%dma_wait3A_878, %dma_wait3A_882] : memref<10000x128xf32, #tpu.memory_space<hbm>> -> memref<1x128xf32, #tpu.memory_space<hbm>>
            %dma_wait3A_884 = tpu.memref_squeeze %dma_wait3A_883 : memref<1x128xf32, #tpu.memory_space<hbm>> -> memref<128xf32, #tpu.memory_space<hbm>>
            tpu.wait_dma2 semaphore(%arg16 : memref<!tpu.dma_semaphore, #tpu.memory_space<semaphore_mem>>) src(%arg12 : memref<128xf32, #tpu.memory_space<vmem>>) dst(%dma_wait3A_884 : memref<128xf32, #tpu.memory_space<hbm>>)
            %dma_wait3A_885 = arith.constant 0 : i32
            %dma_wait3A_886 = arith.constant 0 : i32
            %dma_wait3A_887 = tpu.memref_slice %arg4[%dma_wait3A_885, %dma_wait3A_886] : memref<10000x128xf32, #tpu.memory_space<hbm>> -> memref<1x128xf32, #tpu.memory_space<hbm>>
            %dma_wait3A_888 = tpu.memref_squeeze %dma_wait3A_887 : memref<1x128xf32, #tpu.memory_space<hbm>> -> memref<128xf32, #tpu.memory_space<hbm>>
            %dma_wait3A_889 = arith.constant 0 : i32
            %dma_wait3A_890 = tpu.memref_slice %arg4[%dma_wait3A_885, %dma_wait3A_889] : memref<10000x128xf32, #tpu.memory_space<hbm>> -> memref<1x128xf32, #tpu.memory_space<hbm>>
            %dma_wait3A_891 = tpu.memref_squeeze %dma_wait3A_890 : memref<1x128xf32, #tpu.memory_space<hbm>> -> memref<128xf32, #tpu.memory_space<hbm>>
            tpu.wait_dma2 semaphore(%arg16 : memref<!tpu.dma_semaphore, #tpu.memory_space<semaphore_mem>>) src(%arg12 : memref<128xf32, #tpu.memory_space<vmem>>) dst(%dma_wait3A_891 : memref<128xf32, #tpu.memory_space<hbm>>)
            %dma_wait3A_892 = arith.constant 0 : i32
            %dma_wait3A_893 = arith.constant 0 : i32
            %dma_wait3A_894 = tpu.memref_slice %arg4[%dma_wait3A_892, %dma_wait3A_893] : memref<10000x128xf32, #tpu.memory_space<hbm>> -> memref<1x128xf32, #tpu.memory_space<hbm>>
            %dma_wait3A_895 = tpu.memref_squeeze %dma_wait3A_894 : memref<1x128xf32, #tpu.memory_space<hbm>> -> memref<128xf32, #tpu.memory_space<hbm>>
            %dma_wait3A_896 = arith.constant 0 : i32
            %dma_wait3A_897 = tpu.memref_slice %arg4[%dma_wait3A_892, %dma_wait3A_896] : memref<10000x128xf32, #tpu.memory_space<hbm>> -> memref<1x128xf32, #tpu.memory_space<hbm>>
            %dma_wait3A_898 = tpu.memref_squeeze %dma_wait3A_897 : memref<1x128xf32, #tpu.memory_space<hbm>> -> memref<128xf32, #tpu.memory_space<hbm>>
            tpu.wait_dma2 semaphore(%arg16 : memref<!tpu.dma_semaphore, #tpu.memory_space<semaphore_mem>>) src(%arg12 : memref<128xf32, #tpu.memory_space<vmem>>) dst(%dma_wait3A_898 : memref<128xf32, #tpu.memory_space<hbm>>)
            %dma_wait3A_899 = arith.constant 0 : i32
            %dma_wait3A_900 = arith.constant 0 : i32
            %dma_wait3A_901 = tpu.memref_slice %arg4[%dma_wait3A_899, %dma_wait3A_900] : memref<10000x128xf32, #tpu.memory_space<hbm>> -> memref<1x128xf32, #tpu.memory_space<hbm>>
            %dma_wait3A_902 = tpu.memref_squeeze %dma_wait3A_901 : memref<1x128xf32, #tpu.memory_space<hbm>> -> memref<128xf32, #tpu.memory_space<hbm>>
            %dma_wait3A_903 = arith.constant 0 : i32
            %dma_wait3A_904 = tpu.memref_slice %arg4[%dma_wait3A_899, %dma_wait3A_903] : memref<10000x128xf32, #tpu.memory_space<hbm>> -> memref<1x128xf32, #tpu.memory_space<hbm>>
            %dma_wait3A_905 = tpu.memref_squeeze %dma_wait3A_904 : memref<1x128xf32, #tpu.memory_space<hbm>> -> memref<128xf32, #tpu.memory_space<hbm>>
            tpu.wait_dma2 semaphore(%arg16 : memref<!tpu.dma_semaphore, #tpu.memory_space<semaphore_mem>>) src(%arg12 : memref<128xf32, #tpu.memory_space<vmem>>) dst(%dma_wait3A_905 : memref<128xf32, #tpu.memory_space<hbm>>)
            %dma_wait3A_906 = arith.constant 0 : i32
            %dma_wait3A_907 = arith.constant 0 : i32
            %dma_wait3A_908 = tpu.memref_slice %arg4[%dma_wait3A_906, %dma_wait3A_907] : memref<10000x128xf32, #tpu.memory_space<hbm>> -> memref<1x128xf32, #tpu.memory_space<hbm>>
            %dma_wait3A_909 = tpu.memref_squeeze %dma_wait3A_908 : memref<1x128xf32, #tpu.memory_space<hbm>> -> memref<128xf32, #tpu.memory_space<hbm>>
            %dma_wait3A_910 = arith.constant 0 : i32
            %dma_wait3A_911 = tpu.memref_slice %arg4[%dma_wait3A_906, %dma_wait3A_910] : memref<10000x128xf32, #tpu.memory_space<hbm>> -> memref<1x128xf32, #tpu.memory_space<hbm>>
            %dma_wait3A_912 = tpu.memref_squeeze %dma_wait3A_911 : memref<1x128xf32, #tpu.memory_space<hbm>> -> memref<128xf32, #tpu.memory_space<hbm>>
            tpu.wait_dma2 semaphore(%arg16 : memref<!tpu.dma_semaphore, #tpu.memory_space<semaphore_mem>>) src(%arg12 : memref<128xf32, #tpu.memory_space<vmem>>) dst(%dma_wait3A_912 : memref<128xf32, #tpu.memory_space<hbm>>)
            %dma_wait3A_913 = arith.constant 0 : i32
            %dma_wait3A_914 = arith.constant 0 : i32
            %dma_wait3A_915 = tpu.memref_slice %arg4[%dma_wait3A_913, %dma_wait3A_914] : memref<10000x128xf32, #tpu.memory_space<hbm>> -> memref<1x128xf32, #tpu.memory_space<hbm>>
            %dma_wait3A_916 = tpu.memref_squeeze %dma_wait3A_915 : memref<1x128xf32, #tpu.memory_space<hbm>> -> memref<128xf32, #tpu.memory_space<hbm>>
            %dma_wait3A_917 = arith.constant 0 : i32
            %dma_wait3A_918 = tpu.memref_slice %arg4[%dma_wait3A_913, %dma_wait3A_917] : memref<10000x128xf32, #tpu.memory_space<hbm>> -> memref<1x128xf32, #tpu.memory_space<hbm>>
            %dma_wait3A_919 = tpu.memref_squeeze %dma_wait3A_918 : memref<1x128xf32, #tpu.memory_space<hbm>> -> memref<128xf32, #tpu.memory_space<hbm>>
            tpu.wait_dma2 semaphore(%arg16 : memref<!tpu.dma_semaphore, #tpu.memory_space<semaphore_mem>>) src(%arg12 : memref<128xf32, #tpu.memory_space<vmem>>) dst(%dma_wait3A_919 : memref<128xf32, #tpu.memory_space<hbm>>)
            %dma_wait3A_920 = arith.constant 0 : i32
            %dma_wait3A_921 = arith.constant 0 : i32
            %dma_wait3A_922 = tpu.memref_slice %arg4[%dma_wait3A_920, %dma_wait3A_921] : memref<10000x128xf32, #tpu.memory_space<hbm>> -> memref<1x128xf32, #tpu.memory_space<hbm>>
            %dma_wait3A_923 = tpu.memref_squeeze %dma_wait3A_922 : memref<1x128xf32, #tpu.memory_space<hbm>> -> memref<128xf32, #tpu.memory_space<hbm>>
            %dma_wait3A_924 = arith.constant 0 : i32
            %dma_wait3A_925 = tpu.memref_slice %arg4[%dma_wait3A_920, %dma_wait3A_924] : memref<10000x128xf32, #tpu.memory_space<hbm>> -> memref<1x128xf32, #tpu.memory_space<hbm>>
            %dma_wait3A_926 = tpu.memref_squeeze %dma_wait3A_925 : memref<1x128xf32, #tpu.memory_space<hbm>> -> memref<128xf32, #tpu.memory_space<hbm>>
            tpu.wait_dma2 semaphore(%arg16 : memref<!tpu.dma_semaphore, #tpu.memory_space<semaphore_mem>>) src(%arg12 : memref<128xf32, #tpu.memory_space<vmem>>) dst(%dma_wait3A_926 : memref<128xf32, #tpu.memory_space<hbm>>)
            %dma_wait3A_927 = arith.constant 0 : i32
            %dma_wait3A_928 = arith.constant 0 : i32
            %dma_wait3A_929 = tpu.memref_slice %arg4[%dma_wait3A_927, %dma_wait3A_928] : memref<10000x128xf32, #tpu.memory_space<hbm>> -> memref<1x128xf32, #tpu.memory_space<hbm>>
            %dma_wait3A_930 = tpu.memref_squeeze %dma_wait3A_929 : memref<1x128xf32, #tpu.memory_space<hbm>> -> memref<128xf32, #tpu.memory_space<hbm>>
            %dma_wait3A_931 = arith.constant 0 : i32
            %dma_wait3A_932 = tpu.memref_slice %arg4[%dma_wait3A_927, %dma_wait3A_931] : memref<10000x128xf32, #tpu.memory_space<hbm>> -> memref<1x128xf32, #tpu.memory_space<hbm>>
            %dma_wait3A_933 = tpu.memref_squeeze %dma_wait3A_932 : memref<1x128xf32, #tpu.memory_space<hbm>> -> memref<128xf32, #tpu.memory_space<hbm>>
            tpu.wait_dma2 semaphore(%arg16 : memref<!tpu.dma_semaphore, #tpu.memory_space<semaphore_mem>>) src(%arg12 : memref<128xf32, #tpu.memory_space<vmem>>) dst(%dma_wait3A_933 : memref<128xf32, #tpu.memory_space<hbm>>)
          } else {
          }
        } else {
        }
        %and3A_815 = arith.andi %ne3A_811, %lt3A_807 : i1
        %convert_element_type3A_816 = arith.extui %and3A_815 : i1 to i32
        %cond3A_817 = arith.constant 0 : i32
        %cond3A_818 = arith.cmpi ne, %convert_element_type3A_816, %cond3A_817 : i32
        scf.if %cond3A_818 {
          %select_n3A_835 = arith.select %eq3A_809, %while3A_783, %squeeze3A : i32
          %add3A_836 = arith.constant 1 : i32
          %add3A_837 = arith.addi %select_n3A_835, %add3A_836 : i32
          %while3A_838 = arith.constant 0 : i32
          %while3A_839 = arith.subi %squeeze3A_805, %add3A_837 : i32
          %while3A_840 = arith.addi %add3A_837, %while3A_839 : i32
          %while3A_841 = arith.constant 1 : i32
          %while3A_842 = arith.divsi %while3A_839, %while3A_841 : i32
          %while3A_843 = arith.muli %while3A_842, %while3A_841 : i32
          %while3A_844 = arith.addi %add3A_837, %while3A_843 : i32
          %while3A_845 = arith.constant 1 : i32
          scf.for %while3A_847 = %add3A_837 to %while3A_844 step %while3A_845  : i32 {
            "tpu.region"() ({
              %run_scoped3A = tpu.sem_alloc : memref<!tpu.dma_semaphore, #tpu.memory_space<semaphore_mem>>
              %dma_start3A_848 = arith.constant 0 : i32
              %dma_start3A_849 = tpu.memref_slice %arg4[%while3A_847, %dma_start3A_848] : memref<10000x128xf32, #tpu.memory_space<hbm>> -> memref<1x128xf32, #tpu.memory_space<hbm>>
              %dma_start3A_850 = tpu.memref_squeeze %dma_start3A_849 : memref<1x128xf32, #tpu.memory_space<hbm>> -> memref<128xf32, #tpu.memory_space<hbm>>
              %dma_start3A_851 = arith.constant 0 : i32
              %dma_start3A_852 = tpu.memref_slice %arg4[%while3A_847, %dma_start3A_851] : memref<10000x128xf32, #tpu.memory_space<hbm>> -> memref<1x128xf32, #tpu.memory_space<hbm>>
              %dma_start3A_853 = tpu.memref_squeeze %dma_start3A_852 : memref<1x128xf32, #tpu.memory_space<hbm>> -> memref<128xf32, #tpu.memory_space<hbm>>
              tpu.enqueue_dma source(%arg12 : memref<128xf32, #tpu.memory_space<vmem>>) target(%dma_start3A_853 : memref<128xf32, #tpu.memory_space<hbm>>) target_semaphore(%run_scoped3A : memref<!tpu.dma_semaphore, #tpu.memory_space<semaphore_mem>>)
              %dma_wait3A_854 = arith.constant 0 : i32
              %dma_wait3A_855 = tpu.memref_slice %arg4[%while3A_847, %dma_wait3A_854] : memref<10000x128xf32, #tpu.memory_space<hbm>> -> memref<1x128xf32, #tpu.memory_space<hbm>>
              %dma_wait3A_856 = tpu.memref_squeeze %dma_wait3A_855 : memref<1x128xf32, #tpu.memory_space<hbm>> -> memref<128xf32, #tpu.memory_space<hbm>>
              %dma_wait3A_857 = arith.constant 0 : i32
              %dma_wait3A_858 = tpu.memref_slice %arg4[%while3A_847, %dma_wait3A_857] : memref<10000x128xf32, #tpu.memory_space<hbm>> -> memref<1x128xf32, #tpu.memory_space<hbm>>
              %dma_wait3A_859 = tpu.memref_squeeze %dma_wait3A_858 : memref<1x128xf32, #tpu.memory_space<hbm>> -> memref<128xf32, #tpu.memory_space<hbm>>
              tpu.wait_dma2 semaphore(%run_scoped3A : memref<!tpu.dma_semaphore, #tpu.memory_space<semaphore_mem>>) src(%arg12 : memref<128xf32, #tpu.memory_space<vmem>>) dst(%dma_wait3A_859 : memref<128xf32, #tpu.memory_space<hbm>>)
              tpu.yield
            }) : () -> ()
          }
          %while3A_846 = arith.constant 1 : i32
          scf.for %while3A_847 = %while3A_844 to %while3A_840 step %while3A_846  : i32 {
            "tpu.region"() ({
              %run_scoped3A = tpu.sem_alloc : memref<!tpu.dma_semaphore, #tpu.memory_space<semaphore_mem>>
              %dma_start3A_848 = arith.constant 0 : i32
              %dma_start3A_849 = tpu.memref_slice %arg4[%while3A_847, %dma_start3A_848] : memref<10000x128xf32, #tpu.memory_space<hbm>> -> memref<1x128xf32, #tpu.memory_space<hbm>>
              %dma_start3A_850 = tpu.memref_squeeze %dma_start3A_849 : memref<1x128xf32, #tpu.memory_space<hbm>> -> memref<128xf32, #tpu.memory_space<hbm>>
              %dma_start3A_851 = arith.constant 0 : i32
              %dma_start3A_852 = tpu.memref_slice %arg4[%while3A_847, %dma_start3A_851] : memref<10000x128xf32, #tpu.memory_space<hbm>> -> memref<1x128xf32, #tpu.memory_space<hbm>>
              %dma_start3A_853 = tpu.memref_squeeze %dma_start3A_852 : memref<1x128xf32, #tpu.memory_space<hbm>> -> memref<128xf32, #tpu.memory_space<hbm>>
              tpu.enqueue_dma source(%arg12 : memref<128xf32, #tpu.memory_space<vmem>>) target(%dma_start3A_853 : memref<128xf32, #tpu.memory_space<hbm>>) target_semaphore(%run_scoped3A : memref<!tpu.dma_semaphore, #tpu.memory_space<semaphore_mem>>)
              %dma_wait3A_854 = arith.constant 0 : i32
              %dma_wait3A_855 = tpu.memref_slice %arg4[%while3A_847, %dma_wait3A_854] : memref<10000x128xf32, #tpu.memory_space<hbm>> -> memref<1x128xf32, #tpu.memory_space<hbm>>
              %dma_wait3A_856 = tpu.memref_squeeze %dma_wait3A_855 : memref<1x128xf32, #tpu.memory_space<hbm>> -> memref<128xf32, #tpu.memory_space<hbm>>
              %dma_wait3A_857 = arith.constant 0 : i32
              %dma_wait3A_858 = tpu.memref_slice %arg4[%while3A_847, %dma_wait3A_857] : memref<10000x128xf32, #tpu.memory_space<hbm>> -> memref<1x128xf32, #tpu.memory_space<hbm>>
              %dma_wait3A_859 = tpu.memref_squeeze %dma_wait3A_858 : memref<1x128xf32, #tpu.memory_space<hbm>> -> memref<128xf32, #tpu.memory_space<hbm>>
              tpu.wait_dma2 semaphore(%run_scoped3A : memref<!tpu.dma_semaphore, #tpu.memory_space<semaphore_mem>>) src(%arg12 : memref<128xf32, #tpu.memory_space<vmem>>) dst(%dma_wait3A_859 : memref<128xf32, #tpu.memory_space<hbm>>)
              tpu.yield
            }) : () -> ()
          }
        } else {
        }
        %and3A_819 = arith.andi %ne3A_811, %lt3A_807 : i1
        %jit3A_820 = arith.constant 1 : i32
        %jit3A_821 = arith.constant 2 : i32
        %select_n3A_822 = arith.select %lt3A_807, %jit3A_820, %jit3A_821 : i32
        %select_n3A_823 = arith.select %ne3A_811, %select_n3A_822, %while3A_784 : i32
        %select_n3A_824 = arith.select %and3A_819, %squeeze3A_805, %while3A_783 : i32
        %convert_element_type3A_825 = arith.extui %eq3A_809 : i1 to i32
        %add3A_826 = arith.addi %while3A_785, %convert_element_type3A_825 : i32
        %select_n3A_827 = arith.select %and3A_819, %broadcast_in_dim3A_5, %parallel_loop3A_799#0 : vector<16xf32>
        %select_n3A_828 = arith.select %and3A_819, %broadcast_in_dim3A_5, %parallel_loop3A_799#1 : vector<16xf32>
        %select_n3A_829 = arith.select %and3A_819, %broadcast_in_dim3A_5, %parallel_loop3A_799#2 : vector<16xf32>
        %select_n3A_830 = arith.select %and3A_819, %broadcast_in_dim3A_5, %parallel_loop3A_799#3 : vector<16xf32>
        %select_n3A_831 = arith.select %and3A_819, %broadcast_in_dim3A_5, %parallel_loop3A_799#4 : vector<16xf32>
        %select_n3A_832 = arith.select %and3A_819, %broadcast_in_dim3A_5, %parallel_loop3A_799#5 : vector<16xf32>
        %select_n3A_833 = arith.select %and3A_819, %broadcast_in_dim3A_5, %parallel_loop3A_799#6 : vector<16xf32>
        %select_n3A_834 = arith.select %and3A_819, %broadcast_in_dim3A_5, %parallel_loop3A_799#7 : vector<16xf32>
        scf.yield %squeeze3A_797, %select_n3A_824, %select_n3A_823, %add3A_826, %select_n3A_827, %select_n3A_828, %select_n3A_829, %select_n3A_830, %select_n3A_831, %select_n3A_832, %select_n3A_833, %select_n3A_834 : i32, i32, i32, i32, vector<16xf32>, vector<16xf32>, vector<16xf32>, vector<16xf32>, vector<16xf32>, vector<16xf32>, vector<16xf32>, vector<16xf32>
      }
      %parallel_loop3A_763 = arith.constant 256 : i32
      %parallel_loop3A_764 = arith.constant 1 : i32
      %parallel_loop3A_765:8 = scf.for %parallel_loop3A_781 = %while3A_762#0 to %parallel_loop3A_763 step %parallel_loop3A_764 iter_args(%parallel_loop3A_782 = %while3A_762#4, %parallel_loop3A_783 = %while3A_762#5, %parallel_loop3A_784 = %while3A_762#6, %parallel_loop3A_785 = %while3A_762#7, %parallel_loop3A_786 = %while3A_762#8, %parallel_loop3A_787 = %while3A_762#9, %parallel_loop3A_788 = %while3A_762#10, %parallel_loop3A_789 = %while3A_762#11) -> (vector<16xf32>, vector<16xf32>, vector<16xf32>, vector<16xf32>, vector<16xf32>, vector<16xf32>, vector<16xf32>, vector<16xf32>)  : i32 {
        %parallel_loop3A_790 = arith.index_cast %parallel_loop3A_781 : i32 to index
        %parallel_loop3A_791 = arith.constant 0 : index
        %parallel_loop3A_792 = tpu.vector_load %arg6[%parallel_loop3A_790, %parallel_loop3A_791] {strides = array<i32>} : memref<256x128xf32, #tpu.memory_space<vmem>>, vector<16xf32>,
        %parallel_loop3A_793 = arith.maximumf %parallel_loop3A_782, %parallel_loop3A_792 : vector<16xf32>
        %parallel_loop3A_794 = arith.index_cast %parallel_loop3A_781 : i32 to index
        %parallel_loop3A_795 = arith.constant 16 : index
        %parallel_loop3A_796 = tpu.vector_load %arg6[%parallel_loop3A_794, %parallel_loop3A_795] {strides = array<i32>} : memref<256x128xf32, #tpu.memory_space<vmem>>, vector<16xf32>,
        %parallel_loop3A_797 = arith.maximumf %parallel_loop3A_783, %parallel_loop3A_796 : vector<16xf32>
        %parallel_loop3A_798 = arith.index_cast %parallel_loop3A_781 : i32 to index
        %parallel_loop3A_799 = arith.constant 32 : index
        %parallel_loop3A_800 = tpu.vector_load %arg6[%parallel_loop3A_798, %parallel_loop3A_799] {strides = array<i32>} : memref<256x128xf32, #tpu.memory_space<vmem>>, vector<16xf32>,
        %parallel_loop3A_801 = arith.maximumf %parallel_loop3A_784, %parallel_loop3A_800 : vector<16xf32>
        %parallel_loop3A_802 = arith.index_cast %parallel_loop3A_781 : i32 to index
        %parallel_loop3A_803 = arith.constant 48 : index
        %parallel_loop3A_804 = tpu.vector_load %arg6[%parallel_loop3A_802, %parallel_loop3A_803] {strides = array<i32>} : memref<256x128xf32, #tpu.memory_space<vmem>>, vector<16xf32>,
        %parallel_loop3A_805 = arith.maximumf %parallel_loop3A_785, %parallel_loop3A_804 : vector<16xf32>
        %parallel_loop3A_806 = arith.index_cast %parallel_loop3A_781 : i32 to index
        %parallel_loop3A_807 = arith.constant 64 : index
        %parallel_loop3A_808 = tpu.vector_load %arg6[%parallel_loop3A_806, %parallel_loop3A_807] {strides = array<i32>} : memref<256x128xf32, #tpu.memory_space<vmem>>, vector<16xf32>,
        %parallel_loop3A_809 = arith.maximumf %parallel_loop3A_786, %parallel_loop3A_808 : vector<16xf32>
        %parallel_loop3A_810 = arith.index_cast %parallel_loop3A_781 : i32 to index
        %parallel_loop3A_811 = arith.constant 80 : index
        %parallel_loop3A_812 = tpu.vector_load %arg6[%parallel_loop3A_810, %parallel_loop3A_811] {strides = array<i32>} : memref<256x128xf32, #tpu.memory_space<vmem>>, vector<16xf32>,
        %parallel_loop3A_813 = arith.maximumf %parallel_loop3A_787, %parallel_loop3A_812 : vector<16xf32>
        %parallel_loop3A_814 = arith.index_cast %parallel_loop3A_781 : i32 to index
        %parallel_loop3A_815 = arith.constant 96 : index
        %parallel_loop3A_816 = tpu.vector_load %arg6[%parallel_loop3A_814, %parallel_loop3A_815] {strides = array<i32>} : memref<256x128xf32, #tpu.memory_space<vmem>>, vector<16xf32>,
        %parallel_loop3A_817 = arith.maximumf %parallel_loop3A_788, %parallel_loop3A_816 : vector<16xf32>
        %parallel_loop3A_818 = arith.index_cast %parallel_loop3A_781 : i32 to index
        %parallel_loop3A_819 = arith.constant 112 : index
        %parallel_loop3A_820 = tpu.vector_load %arg6[%parallel_loop3A_818, %parallel_loop3A_819] {strides = array<i32>} : memref<256x128xf32, #tpu.memory_space<vmem>>, vector<16xf32>,
        %parallel_loop3A_821 = arith.maximumf %parallel_loop3A_789, %parallel_loop3A_820 : vector<16xf32>
        scf.yield %parallel_loop3A_793, %parallel_loop3A_797, %parallel_loop3A_801, %parallel_loop3A_805, %parallel_loop3A_809, %parallel_loop3A_813, %parallel_loop3A_817, %parallel_loop3A_821 : vector<16xf32>, vector<16xf32>, vector<16xf32>, vector<16xf32>, vector<16xf32>, vector<16xf32>, vector<16xf32>, vector<16xf32>
      } {sc.loop_unroll_factor = 4 : i64, sc.parallel_access}
      %get3A_766 = arith.constant 256 : index
      %get3A_767 = tpu.vector_load %arg8[%get3A_766] {strides = array<i32>} : memref<288xi32, #tpu.memory_space<vmem>>, vector<16xi32>,
      %slice3A_768 = vector.extract_strided_slice %get3A_767 {offsets = [15], sizes = [1], strides = [1]} : vector<16xi32> to vector<1xi32>
      %squeeze3A_769 = vector.extract %slice3A_768[0] : i32 from vector<1xi32>
      %ne3A_770 = arith.constant 2 : i32
      %ne3A_771 = arith.cmpi ne, %while3A_762#2, %ne3A_770 : i32
      %add3A_772 = arith.constant 2 : i32
      %add3A_773 = arith.addi %while3A_95, %add3A_772 : i32
      %lt3A = arith.constant 1250 : i32
      %lt3A_774 = arith.cmpi slt, %add3A_773, %lt3A : i32
      %and3A_775 = arith.andi %ne3A_771, %lt3A_774 : i1
      %convert_element_type3A_776 = arith.extui %and3A_775 : i1 to i32
      %cond3A_777 = arith.constant 0 : i32
      %cond3A_778 = arith.cmpi ne, %convert_element_type3A_776, %cond3A_777 : i32
      scf.if %cond3A_778 {
        %add3A_781 = arith.constant 2 : i32
        %add3A_782 = arith.addi %while3A_95, %add3A_781 : i32
        %mul3A_783 = arith.constant 256 : i32
        %mul3A_784 = arith.muli %add3A_782, %mul3A_783 : i32
        %dma_start3A_785 = arith.constant 0 : i32
        %dma_start3A_786 = tpu.memref_slice %arg2[%mul3A_784, %dma_start3A_785] : memref<320000x128xf32, #tpu.memory_space<hbm>> -> memref<256x128xf32, #tpu.memory_space<hbm>>
        %dma_start3A_787 = arith.constant 0 : i32
        %dma_start3A_788 = tpu.memref_slice %arg2[%mul3A_784, %dma_start3A_787] : memref<320000x128xf32, #tpu.memory_space<hbm>> -> memref<256x128xf32, #tpu.memory_space<hbm>>
        tpu.enqueue_dma source(%dma_start3A_788 : memref<256x128xf32, #tpu.memory_space<hbm>>) target(%arg5 : memref<256x128xf32, #tpu.memory_space<vmem>>) target_semaphore(%arg14 : memref<!tpu.dma_semaphore, #tpu.memory_space<semaphore_mem>>)
        %mul3A_789 = arith.constant 256 : i32
        %mul3A_790 = arith.muli %add3A_782, %mul3A_789 : i32
        %dma_start3A_791 = arith.constant 16 : i32
        %dma_start3A_792 = tpu.memref_slice %arg7[%dma_start3A_791] : memref<288xi32, #tpu.memory_space<vmem>> -> memref<256xi32, #tpu.memory_space<vmem>>
        %dma_start3A_793 = tpu.memref_slice %arg3[%mul3A_790] : memref<320000xi32, #tpu.memory_space<hbm>> -> memref<256xi32, #tpu.memory_space<hbm>>
        %dma_start3A_794 = arith.constant 16 : i32
        %dma_start3A_795 = tpu.memref_slice %arg7[%dma_start3A_794] : memref<288xi32, #tpu.memory_space<vmem>> -> memref<256xi32, #tpu.memory_space<vmem>>
        %dma_start3A_796 = tpu.memref_slice %arg3[%mul3A_790] : memref<320000xi32, #tpu.memory_space<hbm>> -> memref<256xi32, #tpu.memory_space<hbm>>
        tpu.enqueue_dma source(%dma_start3A_796 : memref<256xi32, #tpu.memory_space<hbm>>) target(%dma_start3A_795 : memref<256xi32, #tpu.memory_space<vmem>>) target_semaphore(%arg14 : memref<!tpu.dma_semaphore, #tpu.memory_space<semaphore_mem>>)
        %add3A_797 = arith.constant 3 : i32
        %add3A_798 = arith.addi %while3A_95, %add3A_797 : i32
        %mul3A_799 = arith.constant 256 : i32
        %mul3A_800 = arith.muli %add3A_798, %mul3A_799 : i32
        %dma_start3A_801 = arith.constant 0 : i32
        %dma_start3A_802 = tpu.memref_slice %arg2[%mul3A_800, %dma_start3A_801] : memref<320000x128xf32, #tpu.memory_space<hbm>> -> memref<256x128xf32, #tpu.memory_space<hbm>>
        %dma_start3A_803 = arith.constant 0 : i32
        %dma_start3A_804 = tpu.memref_slice %arg2[%mul3A_800, %dma_start3A_803] : memref<320000x128xf32, #tpu.memory_space<hbm>> -> memref<256x128xf32, #tpu.memory_space<hbm>>
        tpu.enqueue_dma source(%dma_start3A_804 : memref<256x128xf32, #tpu.memory_space<hbm>>) target(%arg6 : memref<256x128xf32, #tpu.memory_space<vmem>>) target_semaphore(%arg15 : memref<!tpu.dma_semaphore, #tpu.memory_space<semaphore_mem>>)
        %mul3A_805 = arith.constant 256 : i32
        %mul3A_806 = arith.muli %add3A_798, %mul3A_805 : i32
        %dma_start3A_807 = arith.constant 16 : i32
        %dma_start3A_808 = tpu.memref_slice %arg8[%dma_start3A_807] : memref<288xi32, #tpu.memory_space<vmem>> -> memref<256xi32, #tpu.memory_space<vmem>>
        %dma_start3A_809 = tpu.memref_slice %arg3[%mul3A_806] : memref<320000xi32, #tpu.memory_space<hbm>> -> memref<256xi32, #tpu.memory_space<hbm>>
        %dma_start3A_810 = arith.constant 16 : i32
        %dma_start3A_811 = tpu.memref_slice %arg8[%dma_start3A_810] : memref<288xi32, #tpu.memory_space<vmem>> -> memref<256xi32, #tpu.memory_space<vmem>>
        %dma_start3A_812 = tpu.memref_slice %arg3[%mul3A_806] : memref<320000xi32, #tpu.memory_space<hbm>> -> memref<256xi32, #tpu.memory_space<hbm>>
        tpu.enqueue_dma source(%dma_start3A_812 : memref<256xi32, #tpu.memory_space<hbm>>) target(%dma_start3A_811 : memref<256xi32, #tpu.memory_space<vmem>>) target_semaphore(%arg15 : memref<!tpu.dma_semaphore, #tpu.memory_space<semaphore_mem>>)
      } else {
      }
      %add3A_779 = arith.constant 2 : i32
      %add3A_780 = arith.addi %while3A_95, %add3A_779 : i32
      scf.yield %add3A_780, %while3A_762#1, %while3A_762#2, %while3A_762#3, %squeeze3A_769, %parallel_loop3A_765#0, %parallel_loop3A_765#1, %parallel_loop3A_765#2, %parallel_loop3A_765#3, %parallel_loop3A_765#4, %parallel_loop3A_765#5, %parallel_loop3A_765#6, %parallel_loop3A_765#7 : i32, i32, i32, i32, i32, vector<16xf32>, vector<16xf32>, vector<16xf32>, vector<16xf32>, vector<16xf32>, vector<16xf32>, vector<16xf32>, vector<16xf32>
    }
    %eq3A_78 = arith.constant 1 : i32
    %eq3A_79 = arith.cmpi eq, %while3A_77#2, %eq3A_78 : i32
    %convert_element_type3A_80 = arith.extui %eq3A_79 : i1 to i32
    %cond3A_81 = arith.constant 0 : i32
    %cond3A_82 = arith.cmpi ne, %convert_element_type3A_80, %cond3A_81 : i32
    scf.if %cond3A_82 {
      %swap3A_95 = arith.constant 0 : index
      %swap3A_96 = tpu.vector_load %arg10[%swap3A_95] {strides = array<i32>} : memref<128xf32, #tpu.memory_space<vmem>>, vector<16xf32>,
      tpu.vector_store %arg10[%swap3A_95], %while3A_77#5 {strides = array<i32>} : memref<128xf32, #tpu.memory_space<vmem>>, vector<16xf32>,
      %swap3A_97 = arith.constant 16 : index
      %swap3A_98 = tpu.vector_load %arg10[%swap3A_97] {strides = array<i32>} : memref<128xf32, #tpu.memory_space<vmem>>, vector<16xf32>,
      tpu.vector_store %arg10[%swap3A_97], %while3A_77#6 {strides = array<i32>} : memref<128xf32, #tpu.memory_space<vmem>>, vector<16xf32>,
      %swap3A_99 = arith.constant 32 : index
      %swap3A_100 = tpu.vector_load %arg10[%swap3A_99] {strides = array<i32>} : memref<128xf32, #tpu.memory_space<vmem>>, vector<16xf32>,
      tpu.vector_store %arg10[%swap3A_99], %while3A_77#7 {strides = array<i32>} : memref<128xf32, #tpu.memory_space<vmem>>, vector<16xf32>,
      %swap3A_101 = arith.constant 48 : index
      %swap3A_102 = tpu.vector_load %arg10[%swap3A_101] {strides = array<i32>} : memref<128xf32, #tpu.memory_space<vmem>>, vector<16xf32>,
      tpu.vector_store %arg10[%swap3A_101], %while3A_77#8 {strides = array<i32>} : memref<128xf32, #tpu.memory_space<vmem>>, vector<16xf32>,
      %swap3A_103 = arith.constant 64 : index
      %swap3A_104 = tpu.vector_load %arg10[%swap3A_103] {strides = array<i32>} : memref<128xf32, #tpu.memory_space<vmem>>, vector<16xf32>,
      tpu.vector_store %arg10[%swap3A_103], %while3A_77#9 {strides = array<i32>} : memref<128xf32, #tpu.memory_space<vmem>>, vector<16xf32>,
      %swap3A_105 = arith.constant 80 : index
      %swap3A_106 = tpu.vector_load %arg10[%swap3A_105] {strides = array<i32>} : memref<128xf32, #tpu.memory_space<vmem>>, vector<16xf32>,
      tpu.vector_store %arg10[%swap3A_105], %while3A_77#10 {strides = array<i32>} : memref<128xf32, #tpu.memory_space<vmem>>, vector<16xf32>,
      %swap3A_107 = arith.constant 96 : index
      %swap3A_108 = tpu.vector_load %arg10[%swap3A_107] {strides = array<i32>} : memref<128xf32, #tpu.memory_space<vmem>>, vector<16xf32>,
      tpu.vector_store %arg10[%swap3A_107], %while3A_77#11 {strides = array<i32>} : memref<128xf32, #tpu.memory_space<vmem>>, vector<16xf32>,
      %swap3A_109 = arith.constant 112 : index
      %swap3A_110 = tpu.vector_load %arg10[%swap3A_109] {strides = array<i32>} : memref<128xf32, #tpu.memory_space<vmem>>, vector<16xf32>,
      tpu.vector_store %arg10[%swap3A_109], %while3A_77#12 {strides = array<i32>} : memref<128xf32, #tpu.memory_space<vmem>>, vector<16xf32>,
      "tpu.region"() ({
        %run_scoped3A = tpu.sem_alloc : memref<!tpu.dma_semaphore, #tpu.memory_space<semaphore_mem>>
        %dma_start3A_123 = arith.constant 0 : i32
        %dma_start3A_124 = tpu.memref_slice %arg4[%while3A_77#1, %dma_start3A_123] : memref<10000x128xf32, #tpu.memory_space<hbm>> -> memref<1x128xf32, #tpu.memory_space<hbm>>
        %dma_start3A_125 = tpu.memref_squeeze %dma_start3A_124 : memref<1x128xf32, #tpu.memory_space<hbm>> -> memref<128xf32, #tpu.memory_space<hbm>>
        %dma_start3A_126 = arith.constant 0 : i32
        %dma_start3A_127 = tpu.memref_slice %arg4[%while3A_77#1, %dma_start3A_126] : memref<10000x128xf32, #tpu.memory_space<hbm>> -> memref<1x128xf32, #tpu.memory_space<hbm>>
        %dma_start3A_128 = tpu.memref_squeeze %dma_start3A_127 : memref<1x128xf32, #tpu.memory_space<hbm>> -> memref<128xf32, #tpu.memory_space<hbm>>
        tpu.enqueue_dma source(%arg10 : memref<128xf32, #tpu.memory_space<vmem>>) target(%dma_start3A_128 : memref<128xf32, #tpu.memory_space<hbm>>) target_semaphore(%run_scoped3A : memref<!tpu.dma_semaphore, #tpu.memory_space<semaphore_mem>>)
        %dma_wait3A = arith.constant 0 : i32
        %dma_wait3A_129 = tpu.memref_slice %arg4[%while3A_77#1, %dma_wait3A] : memref<10000x128xf32, #tpu.memory_space<hbm>> -> memref<1x128xf32, #tpu.memory_space<hbm>>
        %dma_wait3A_130 = tpu.memref_squeeze %dma_wait3A_129 : memref<1x128xf32, #tpu.memory_space<hbm>> -> memref<128xf32, #tpu.memory_space<hbm>>
        %dma_wait3A_131 = arith.constant 0 : i32
        %dma_wait3A_132 = tpu.memref_slice %arg4[%while3A_77#1, %dma_wait3A_131] : memref<10000x128xf32, #tpu.memory_space<hbm>> -> memref<1x128xf32, #tpu.memory_space<hbm>>
        %dma_wait3A_133 = tpu.memref_squeeze %dma_wait3A_132 : memref<1x128xf32, #tpu.memory_space<hbm>> -> memref<128xf32, #tpu.memory_space<hbm>>
        tpu.wait_dma2 semaphore(%run_scoped3A : memref<!tpu.dma_semaphore, #tpu.memory_space<semaphore_mem>>) src(%arg10 : memref<128xf32, #tpu.memory_space<vmem>>) dst(%dma_wait3A_133 : memref<128xf32, #tpu.memory_space<hbm>>)
        tpu.yield
      }) : () -> ()
      %add3A_111 = arith.constant 1 : i32
      %add3A_112 = arith.addi %while3A_77#1, %add3A_111 : i32
      %while3A_113 = arith.constant 0 : i32
      %while3A_114 = arith.constant 10000 : i32
      %while3A_115 = arith.subi %while3A_114, %add3A_112 : i32
      %while3A_116 = arith.addi %add3A_112, %while3A_115 : i32
      %while3A_117 = arith.constant 1 : i32
      %while3A_118 = arith.divsi %while3A_115, %while3A_117 : i32
      %while3A_119 = arith.muli %while3A_118, %while3A_117 : i32
      %while3A_120 = arith.addi %add3A_112, %while3A_119 : i32
      %while3A_121 = arith.constant 1 : i32
      scf.for %while3A_123 = %add3A_112 to %while3A_120 step %while3A_121  : i32 {
        "tpu.region"() ({
          %run_scoped3A = tpu.sem_alloc : memref<!tpu.dma_semaphore, #tpu.memory_space<semaphore_mem>>
          %dma_start3A_124 = arith.constant 0 : i32
          %dma_start3A_125 = tpu.memref_slice %arg4[%while3A_123, %dma_start3A_124] : memref<10000x128xf32, #tpu.memory_space<hbm>> -> memref<1x128xf32, #tpu.memory_space<hbm>>
          %dma_start3A_126 = tpu.memref_squeeze %dma_start3A_125 : memref<1x128xf32, #tpu.memory_space<hbm>> -> memref<128xf32, #tpu.memory_space<hbm>>
          %dma_start3A_127 = arith.constant 0 : i32
          %dma_start3A_128 = tpu.memref_slice %arg4[%while3A_123, %dma_start3A_127] : memref<10000x128xf32, #tpu.memory_space<hbm>> -> memref<1x128xf32, #tpu.memory_space<hbm>>
          %dma_start3A_129 = tpu.memref_squeeze %dma_start3A_128 : memref<1x128xf32, #tpu.memory_space<hbm>> -> memref<128xf32, #tpu.memory_space<hbm>>
          tpu.enqueue_dma source(%arg12 : memref<128xf32, #tpu.memory_space<vmem>>) target(%dma_start3A_129 : memref<128xf32, #tpu.memory_space<hbm>>) target_semaphore(%run_scoped3A : memref<!tpu.dma_semaphore, #tpu.memory_space<semaphore_mem>>)
          %dma_wait3A = arith.constant 0 : i32
          %dma_wait3A_130 = tpu.memref_slice %arg4[%while3A_123, %dma_wait3A] : memref<10000x128xf32, #tpu.memory_space<hbm>> -> memref<1x128xf32, #tpu.memory_space<hbm>>
          %dma_wait3A_131 = tpu.memref_squeeze %dma_wait3A_130 : memref<1x128xf32, #tpu.memory_space<hbm>> -> memref<128xf32, #tpu.memory_space<hbm>>
          %dma_wait3A_132 = arith.constant 0 : i32
          %dma_wait3A_133 = tpu.memref_slice %arg4[%while3A_123, %dma_wait3A_132] : memref<10000x128xf32, #tpu.memory_space<hbm>> -> memref<1x128xf32, #tpu.memory_space<hbm>>
          %dma_wait3A_134 = tpu.memref_squeeze %dma_wait3A_133 : memref<1x128xf32, #tpu.memory_space<hbm>> -> memref<128xf32, #tpu.memory_space<hbm>>
          tpu.wait_dma2 semaphore(%run_scoped3A : memref<!tpu.dma_semaphore, #tpu.memory_space<semaphore_mem>>) src(%arg12 : memref<128xf32, #tpu.memory_space<vmem>>) dst(%dma_wait3A_134 : memref<128xf32, #tpu.memory_space<hbm>>)
          tpu.yield
        }) : () -> ()
      }
      %while3A_122 = arith.constant 1 : i32
      scf.for %while3A_123 = %while3A_120 to %while3A_116 step %while3A_122  : i32 {
        "tpu.region"() ({
          %run_scoped3A = tpu.sem_alloc : memref<!tpu.dma_semaphore, #tpu.memory_space<semaphore_mem>>
          %dma_start3A_124 = arith.constant 0 : i32
          %dma_start3A_125 = tpu.memref_slice %arg4[%while3A_123, %dma_start3A_124] : memref<10000x128xf32, #tpu.memory_space<hbm>> -> memref<1x128xf32, #tpu.memory_space<hbm>>
          %dma_start3A_126 = tpu.memref_squeeze %dma_start3A_125 : memref<1x128xf32, #tpu.memory_space<hbm>> -> memref<128xf32, #tpu.memory_space<hbm>>
          %dma_start3A_127 = arith.constant 0 : i32
          %dma_start3A_128 = tpu.memref_slice %arg4[%while3A_123, %dma_start3A_127] : memref<10000x128xf32, #tpu.memory_space<hbm>> -> memref<1x128xf32, #tpu.memory_space<hbm>>
          %dma_start3A_129 = tpu.memref_squeeze %dma_start3A_128 : memref<1x128xf32, #tpu.memory_space<hbm>> -> memref<128xf32, #tpu.memory_space<hbm>>
          tpu.enqueue_dma source(%arg12 : memref<128xf32, #tpu.memory_space<vmem>>) target(%dma_start3A_129 : memref<128xf32, #tpu.memory_space<hbm>>) target_semaphore(%run_scoped3A : memref<!tpu.dma_semaphore, #tpu.memory_space<semaphore_mem>>)
          %dma_wait3A = arith.constant 0 : i32
          %dma_wait3A_130 = tpu.memref_slice %arg4[%while3A_123, %dma_wait3A] : memref<10000x128xf32, #tpu.memory_space<hbm>> -> memref<1x128xf32, #tpu.memory_space<hbm>>
          %dma_wait3A_131 = tpu.memref_squeeze %dma_wait3A_130 : memref<1x128xf32, #tpu.memory_space<hbm>> -> memref<128xf32, #tpu.memory_space<hbm>>
          %dma_wait3A_132 = arith.constant 0 : i32
          %dma_wait3A_133 = tpu.memref_slice %arg4[%while3A_123, %dma_wait3A_132] : memref<10000x128xf32, #tpu.memory_space<hbm>> -> memref<1x128xf32, #tpu.memory_space<hbm>>
          %dma_wait3A_134 = tpu.memref_squeeze %dma_wait3A_133 : memref<1x128xf32, #tpu.memory_space<hbm>> -> memref<128xf32, #tpu.memory_space<hbm>>
          tpu.wait_dma2 semaphore(%run_scoped3A : memref<!tpu.dma_semaphore, #tpu.memory_space<semaphore_mem>>) src(%arg12 : memref<128xf32, #tpu.memory_space<vmem>>) dst(%dma_wait3A_134 : memref<128xf32, #tpu.memory_space<hbm>>)
          tpu.yield
        }) : () -> ()
      }
    } else {
    }
    %and3A_83 = arith.constant 7 : i32
    %and3A_84 = arith.andi %while3A_77#3, %and3A_83 : i32
    %while3A_85 = arith.constant 0 : i32
    %while3A_86 = arith.constant 0 : i32
    %while3A_87 = arith.subi %and3A_84, %while3A_86 : i32
    %while3A_88 = arith.addi %while3A_86, %while3A_87 : i32
    %while3A_89 = arith.constant 1 : i32
    %while3A_90 = arith.divsi %while3A_87, %while3A_89 : i32
    %while3A_91 = arith.muli %while3A_90, %while3A_89 : i32
    %while3A_92 = arith.addi %while3A_86, %while3A_91 : i32
    %while3A_93 = arith.constant 1 : i32
    scf.for %while3A_95 = %while3A_86 to %while3A_92 step %while3A_93  : i32 {
      %dma_wait3A = arith.constant 0 : i32
      %dma_wait3A_96 = arith.constant 0 : i32
      %dma_wait3A_97 = tpu.memref_slice %arg4[%dma_wait3A, %dma_wait3A_96] : memref<10000x128xf32, #tpu.memory_space<hbm>> -> memref<1x128xf32, #tpu.memory_space<hbm>>
      %dma_wait3A_98 = tpu.memref_squeeze %dma_wait3A_97 : memref<1x128xf32, #tpu.memory_space<hbm>> -> memref<128xf32, #tpu.memory_space<hbm>>
      %dma_wait3A_99 = arith.constant 0 : i32
      %dma_wait3A_100 = tpu.memref_slice %arg4[%dma_wait3A, %dma_wait3A_99] : memref<10000x128xf32, #tpu.memory_space<hbm>> -> memref<1x128xf32, #tpu.memory_space<hbm>>
      %dma_wait3A_101 = tpu.memref_squeeze %dma_wait3A_100 : memref<1x128xf32, #tpu.memory_space<hbm>> -> memref<128xf32, #tpu.memory_space<hbm>>
      tpu.wait_dma2 semaphore(%arg16 : memref<!tpu.dma_semaphore, #tpu.memory_space<semaphore_mem>>) src(%arg12 : memref<128xf32, #tpu.memory_space<vmem>>) dst(%dma_wait3A_101 : memref<128xf32, #tpu.memory_space<hbm>>)
    }
    %while3A_94 = arith.constant 1 : i32
    scf.for %while3A_95 = %while3A_92 to %while3A_88 step %while3A_94  : i32 {
      %dma_wait3A = arith.constant 0 : i32
      %dma_wait3A_96 = arith.constant 0 : i32
      %dma_wait3A_97 = tpu.memref_slice %arg4[%dma_wait3A, %dma_wait3A_96] : memref<10000x128xf32, #tpu.memory_space<hbm>> -> memref<1x128xf32, #tpu.memory_space<hbm>>
      %dma_wait3A_98 = tpu.memref_squeeze %dma_wait3A_97 : memref<1x128xf32, #tpu.memory_space<hbm>> -> memref<128xf32, #tpu.memory_space<hbm>>
      %dma_wait3A_99 = arith.constant 0 : i32
      %dma_wait3A_100 = tpu.memref_slice %arg4[%dma_wait3A, %dma_wait3A_99] : memref<10000x128xf32, #tpu.memory_space<hbm>> -> memref<1x128xf32, #tpu.memory_space<hbm>>
      %dma_wait3A_101 = tpu.memref_squeeze %dma_wait3A_100 : memref<1x128xf32, #tpu.memory_space<hbm>> -> memref<128xf32, #tpu.memory_space<hbm>>
      tpu.wait_dma2 semaphore(%arg16 : memref<!tpu.dma_semaphore, #tpu.memory_space<semaphore_mem>>) src(%arg12 : memref<128xf32, #tpu.memory_space<vmem>>) dst(%dma_wait3A_101 : memref<128xf32, #tpu.memory_space<hbm>>)
    }
    return
  }
}

</mosaic_0001>

<sc_bundles>
// kernel: kernel.3.cloned.1.call-start
scs
__scs_entry_jumppad:
0x0: {  	(pc) =	sbr.rel $0x88, $3  }
0x1: {  	(tag) =	ssettag $0x0;
	lr =	simm.s32 $0x1  }
0x2: {  	[smem:$0x3F9F] =	sst lr;
	_ =	strace $0xD0000000  }
0x3: {  	_ = 	snop  }
0x4: {  	_ = 	snop  }
0x5: {  	_ = 	snop  }
0x6: {  	_ = 	snop  }
0x7: {  	_ = 	snop  }
__scs_overlays_trampoline_lowered:
0x8: {  	[smem:$0x3FAE] =	sst s0  }
0x9: {  	[smem:$0x3FAF] =	sst s1  }
0xa: {  	[smem:$0x3FB0] =	sst s2  }
0xb: {  	[smem:$0x3FB1] =	sst s3  }
0xc: {  	[smem:$0x3FB2] =	sst s4  }
0xd: {  	[smem:$0x3FB3] =	sst s5  }
0xe: {  	[smem:$0x3FB4] =	sst s6  }
0xf: {  	[smem:$0x3FB5] =	sst s7  }
0x10: {  	[smem:$0x3FB6] =	sst s8  }
0x11: {  	[smem:$0x3FB7] =	sst s9;
	s0 =	simm.s32 @!p0 $0x0  }
0x12: {  	s1 =	sld [smem:$0x3F9D];
	s0 =	simm.s32 @p0 $0x1  }
0x13: {  	[smem:$0x3FB8] =	sst s0;
	s0 =	simm.s32 @!p1 $0x0  }
0x14: {  	s2 =	sld [smem:$0x3F9C];
	s0 =	simm.s32 @p1 $0x1  }
0x15: {  	[smem:$0x3FB9] =	sst s0;
	s0 =	simm.s32 @!p2 $0x0  }
0x16: {  	s3 =	sld [smem:$0x3FDB];
	s0 =	simm.s32 @p2 $0x1  }
0x17: {  	s4 =	simm.s32 $0x1BF5;
	[smem:$0x3FBB] =	sst s0  }
0x18: {  	s0 =	sld [smem:$0x3F9E];
	_ =	swait.ge [sflag:s4], $0x0  }
0x19: {  	s7 =	sld [smem:$0x3F9F]  }
0x1a: {  	s8 =	sadd.s32 $0xFFFFE003, lr  }
0x1b: {  	s9 =	sadd.s32 $0xFFFFFEF7, lr;
	s5 =	simm.s32 $0xFFFFFFFF;
	p2 =	slt.u32 s8, $0xFFFFF086  }
0x1c: {  	p1 =	slt.u32 s9, $0xF7A;
	s5 =	simm.s32 @!p2 $0x0  }
0x1d: {  	s5 =	simm.s32 @p1 $0x1;
	p0 =	seq.s32 s7, s2  }
0x1e: {  	s7 =	smul.u32 @!p0 $0xF7A, s2;
	p2 =	seq.s32 @!p0 s5, $0x0  }
0x1f: {  	s9 =	smul.u32 $0xF7A, s1;
	s8 =	simm.s32 @!p0 $0x1BF5;
	p2 =	por !p2, p0  }
0x20: {  	[sflag:s8] =	ssyncset.s32 @!p0 $0xFFFFF086;
	s6 =	sadd.s32 @!p0 s3, s7;
	s7 =	simm.s32 @!p0 $0x108  }
0x21: {  	s3 =	sadd.s32 s3, s9;
	s6 =	sadd.s32 @!p0 $0x88, s6;
	s7 =	simm.s32 @p2 $0x1082  }
0x22: {  	[simem:s7], [sflag:s8] =	dma.local @!p0 [hbm:s6], $0xF7A  }
0x23: {  	s9 =	sor.u32 $0xD0000000, s2;
	s6 =	simm.s32 $0x108;
	_ =	swait.ge @!p0 [sflag:s8], $0x0  }
0x24: {  	s3 =	sadd.s32 $0x88, s3;
	s6 =	simm.s32 @!p1 $0x1082;
	[sflag:s4] =	ssyncset.s32 $0xFFFFF086  }
0x25: {  	[simem:s6], [sflag:s4] =	dma.local [hbm:s3], $0xF7A  }
0x26: {  	[smem:$0x3F9F] =	sst s1;
	(tag) =	ssettag s2;
	_ =	strace s9  }
0x27: {  	s1 =	sld [smem:$0x3FAF]  }
0x28: {  	s2 =	sld [smem:$0x3FB0]  }
0x29: {  	s4 =	sld [smem:$0x3FB2]  }
0x2a: {  	p0 =	seq.s32 s5, $0x0;
	s5 =	sld [smem:$0x3FB3]  }
0x2b: {  	s6 =	sld [smem:$0x3FB4]  }
0x2c: {  	s7 =	sld [smem:$0x3FB5]  }
0x2d: {  	s3 =	simm.s32 $0x108;
	s8 =	sld [smem:$0x3FB6]  }
0x2e: {  	s3 =	simm.s32 @!p0 $0x1082;
	s9 =	sld [smem:$0x3FB7]  }
0x2f: {  	lr =	sadd.s32 s0, s3;
	s0 =	sld [smem:$0x3FAE]  }
0x30: {  	s3 =	sld [smem:$0x3FB1]  }
0x31: {  	[smem:$0x3FBA] =	sst s10  }
0x32: {  	s10 =	sld [smem:$0x3FB8];
	_ =	sdelay $0x3  }
0x33: {  	p0 =	seq.s32 s10, $0x1;
	s10 =	sld [smem:$0x3FBA];
	_ =	sdelay $0x3  }
0x34: {  	[smem:$0x3FBA] =	sst s10  }
0x35: {  	s10 =	sld [smem:$0x3FB9];
	_ =	sdelay $0x3  }
0x36: {  	p1 =	seq.s32 s10, $0x1;
	s10 =	sld [smem:$0x3FBA];
	_ =	sdelay $0x3  }
0x37: {  	[smem:$0x3FBA] =	sst s10  }
0x38: {  	s10 =	sld [smem:$0x3FBB]  }
0x39: {  	_ = 	snop;
	(pc) =	sbr.ind lr, $3  }
0x3a: {  	_ = 	snop  }
0x3b: {  	_ = 	snop  }
0x3c: {  	p2 =	seq.s32 s10, $0x1;
	s10 =	sld [smem:$0x3FBA]  }
0x3d: {  	_ =	shalt  }
0x3e: {  	_ =	shalt  }
0x3f: {  	_ =	shalt  }
0x40: {  	_ =	shalt  }
0x41: {  	_ =	shalt  }
0x42: {  	_ =	shalt  }
0x43: {  	_ =	shalt  }
0x44: {  	_ =	shalt  }
0x45: {  	_ =	shalt  }
0x46: {  	_ =	shalt  }
0x47: {  	_ =	shalt  }
0x48: {  	_ =	shalt  }
0x49: {  	_ =	shalt  }
0x4a: {  	_ =	shalt  }
0x4b: {  	_ =	shalt  }
0x4c: {  	_ =	shalt  }
0x4d: {  	_ =	shalt  }
0x4e: {  	_ =	shalt  }
0x4f: {  	_ =	shalt  }
0x50: {  	_ =	shalt  }
0x51: {  	_ =	shalt  }
0x52: {  	_ =	shalt  }
0x53: {  	_ =	shalt  }
0x54: {  	_ =	shalt  }
0x55: {  	_ =	shalt  }
0x56: {  	_ =	shalt  }
0x57: {  	_ =	shalt  }
0x58: {  	_ =	shalt  }
0x59: {  	_ =	shalt  }
0x5a: {  	_ =	shalt  }
0x5b: {  	_ =	shalt  }
0x5c: {  	_ =	shalt  }
0x5d: {  	_ =	shalt  }
0x5e: {  	_ =	shalt  }
0x5f: {  	_ =	shalt  }
0x60: {  	_ =	shalt  }
0x61: {  	_ =	shalt  }
0x62: {  	_ =	shalt  }
0x63: {  	_ =	shalt  }
0x64: {  	_ =	shalt  }
0x65: {  	_ =	shalt  }
0x66: {  	_ =	shalt  }
0x67: {  	_ =	shalt  }
0x68: {  	_ =	shalt  }
0x69: {  	_ =	shalt  }
0x6a: {  	_ =	shalt  }
0x6b: {  	_ =	shalt  }
0x6c: {  	_ =	shalt  }
0x6d: {  	_ =	shalt  }
0x6e: {  	_ =	shalt  }
0x6f: {  	_ =	shalt  }
0x70: {  	_ =	shalt  }
0x71: {  	_ =	shalt  }
0x72: {  	_ =	shalt  }
0x73: {  	_ =	shalt  }
0x74: {  	_ =	shalt  }
0x75: {  	_ =	shalt  }
0x76: {  	_ =	shalt  }
0x77: {  	_ =	shalt  }
0x78: {  	_ =	shalt  }
0x79: {  	_ =	shalt  }
0x7a: {  	_ =	shalt  }
0x7b: {  	_ =	shalt  }
0x7c: {  	_ =	shalt  }
0x7d: {  	_ =	shalt  }
0x7e: {  	_ =	shalt  }
0x7f: {  	_ =	shalt  }
0x80: {  	_ =	shalt  }
0x81: {  	_ =	shalt  }
0x82: {  	_ =	shalt  }
0x83: {  	_ =	shalt  }
0x84: {  	_ =	shalt  }
0x85: {  	_ =	shalt  }
0x86: {  	_ =	shalt  }
0x87: {  	_ =	shalt  }
.Lfunc_end0:
.L_simem_size_0:
called_computation_lowered:
.L_overlay_start_0:
0x88: {  	s2 =	sld [smem:$0x3FD9]  }
0x89: {  	s3 =	sld [smem:$0x3FFE];
	_ =	sdelay $0x1  }
0x8a: {  	s1 =	srdreg.scid  }
0x8b: {  	s0 =	sand.u32 $0x1, s1  }
0x8c: {  	s18 =	sshll.u32 s0, $0xA;
	s2 =	sadd.s32 s3, s2  }
0x8d: {  	s2 =	sadd.s32 s2, s18  }
0x8e: {  	[smem:$0x3FC6] =	sst s2  }
0x8f: {  	_ = 	snop  }
0x90: {  	s2 =	sld [smem:$0x3FC9]  }
0x91: {  	s19 =	sld [smem:$0x3FC8]  }
0x92: {  	s4 =	sld [smem:$0x3FD0];
	(tm) =	ssettm $0x1  }
0x93: {  	s5 =	sld [smem:$0x3FFB];
	_ =	sdelay $0x3  }
0x94: {  	_ =	strace s5  }
0x95: {  	s5 =	sld [smem:$0x3FFC];
	_ =	sdelay $0x3  }
0x96: {  	_ =	strace s5  }
0x97: {  	s5 =	sld [smem:$0x3FFD];
	_ =	sdelay $0x3  }
0x98: {  	_ =	strace s5  }
0x99: {  	_ =	strace $0x8FFFFFFF  }
0x9a: {  	s20 =	sld [smem:$0x3FDB];
	_ =	sdelay $0x1  }
0x9b: {  	s6 =	simm.s32 $_scs_section_size  }
0x9c: {  	s7 =	simm.s32 $_size__tile_overlayer_lowered;
	s8 =	simm.s32 $_tile_overlayer_lowered  }
0x9d: {  	s23 =	simm.s32 $0x1BFF;
	s22 =	sshll.u32 s8, $0x1;
	s5 =	sadd.s32 s6, s20  }
0x9e: {  	s9 =	simm.s32 $0x0;
	s21 =	sshll.u32 s7, $0x1;
	s7 =	sadd.s32 s22, s5  }
0x9f: {  	[timem:s9], [sflag:s23] =	dma.local [hbm:s7], s21  }
0xa0: {  	_ =	swait.ge [sflag:s23], s21  }
0xa1: {  	s6 =	ssub.s32 $0x0, s21;
	[sflag:s23] =	ssyncset.done $0x0  }
0xa2: {  	[sflag:s23] =	ssyncadd.s32 s6;
	_ =	sdelay $0x1  }
0xa3: {  	s24 =	simm.s32 $0x1B8B  }
0xa4: {  	_ =	swait.ge [sflag:s24], $0x1  }
0xa5: {  	[sflag:s24] =	ssyncset.done $0x0  }
0xa6: {  	s25 =	simm.s32 $0x1B8E;
	[sflag:s24] =	ssyncadd.s32 $0xFFFFFFFF  }
0xa7: {  	s26 =	simm.s32 $execute0_lowered;
	[smem:$0x3FD2] =	sst s25  }
0xa8: {  	s6 =	sshll.u32 s26, $0x1;
	_ =	strace $0x80000046;
	[dreg:$0x1] =	wrdreg $0xFFFFFFFF  }
0xa9: {  	s28 =	simm.s32 $_size_execute0_lowered;
	s5 =	sadd.s32 s5, s6;
	[dreg:$0x0] =	wrdreg $0x0  }
0xaa: {  	s6 =	sshll.u32 s28, $0x1;
	[dreg:$0x2] =	wrdreg s5  }
0xab: {  	[dreg:$0x3] =	wrdreg s6  }
0xac: {  	[dreg:$0x4] =	wrdreg $0xC0  }
0xad: {  	_ =	task [dreg:s9], $0x5FFFF  }
0xae: {  	[dreg:$0x1] =	wrdreg $0xFFFFFFFF  }
0xaf: {  	[dreg:$0x0] =	wrdreg $0x60  }
0xb0: {  	[dreg:$0x2] =	wrdreg s2  }
0xb1: {  	[dreg:$0x3] =	wrdreg s19  }
0xb2: {  	[dreg:$0x4] =	wrdreg s4  }
0xb3: {  	[dreg:$0x5] =	wrdreg $0x9  }
0xb4: {  	_ =	task.clear_ibuf [dreg:s9], $0x6FFFF;
	_ =	strace $0x90000046  }
0xb5: {  	s29 =	simm.s32 $0x9;
	_ =	strace $0x80000048  }
0xb6: {  	_ =	swait.ge [sflag:s29], $0x1  }
0xb7: {  	[sflag:s29] =	ssyncadd.s32 $0xFFFFFFFF  }
0xb8: {  	_ =	strace $0x90000048  }
0xb9: {  	_ =	sfence  }
0xba: {  	s30 =	sld [smem:$0x0];
	_ =	sdelay $0x2  }
0xbb: {  	s31 =	sshll.u32 s1, $0xD;
	s1 =	sshrl.u32 s1, $0x2  }
0xbc: {  	s3 =	sand.u32 $0x4000, s31;
	s1 =	sadd.s32 s1, s30  }
0xbd: {  	s0 =	sor.u32 s3, s0;
	s1 =	sshll.u32 s1, $0x11  }
0xbe: {  	s0 =	sor.u32 s1, s0  }
0xbf: {  	s0 =	sadd.s32 $0x8F2B, s0  }
0xc0: {  	[sflag:s0] =	ssyncadd.remote.s32 $0x1  }
0xc1: {  	_ =	sfence.sel $0xFFFF  }
0xc2: {  	[dreg:$0x0] =	wrdreg $0xFFFFFFFF;
	(pc) =	sbr.abs _section_cstart, $3  }
0xc3: {  	[dreg:$0x1] =	wrdreg $0xFFFFFFFF  }
0xc4: {  	_ =	task.clear_ibuf [dreg:s9], $0x2FFFF;
	_ =	strace $0x9FFFFFFF  }
0xc5: {  	(tm) =	ssettm $0x7FFFFFFF  }
tec
execute0_lowered:
.L_overlay_start_1:
0x0: {  	(tag) =	ssettag $0x1  }
0x1: {  	s1 =	rddreg [dreg:$0x0]  }
0x2: {  	s0 =	srdreg.scid;
	s3 =	rddreg [dreg:$0x1]  }
0x3: {  	s2 =	stileid.u32;
	s4 =	rddreg [dreg:$0x2];
	s6 =	simm.s32 $0x0  }
0x4: {  	s14 =	simm.s32 $0x10010;
	s15 =	simm.s32 $0x8000;
	s16 =	simm.s32 $0x10190  }
0x5: {  	s17 =	simm.s32 $0x1;
	s18 =	simm.s32 $0x10300;
	s19 =	simm.s32 $0x2  }
0x6: {  	v0 =	vlaneseq.u32;
	s20 =	simm.s32 $0x10900;
	s0 =	sand.u32 $0x1, s0;
	s2 =	sshll.u32 s2, $0x1  }
0x7: {  	s21 =	simm.s32 $0x4;
	v2 =	vadd.s32 $0x1, v0;
	s2 =	sor.u32 s0, s2;
	s0 =	ssub.s32 $0x2, s0  }
0x8: {  	[smem:$0x7FF] =	sst s6;
	v3 =	vadd.s32 $0x11, v0;
	v4 =	vor.u32 $0x10, v0;
	v5 =	vadd.s32 $0x21, v0;
	s5 =	smul.u32 $0x2710, s2;
	s7 =	sshrl.u32 s0, $0x1  }
0x9: {  	s22 =	simm.s32 $0x3;
	v6 =	vor.u32 $0x20, v0;
	v7 =	vadd.s32 $0x31, v0;
	v8 =	vor.u32 $0x30, v0;
	_ =	strace $0x80000047;
	s0 =	ssub.s32 s0, s7  }
0xa: {  	v9 =	vadd.s32 $0x41, v0;
	v10 =	vor.u32 $0x40, v0;
	v11 =	vadd.s32 $0x51, v0;
	s8 =	sadd.s32 $0xFFFFFFF0, s5;
	s28 =	sshrl.u32 s5, $0x8;
	s29 =	sshll.u32 s5, $0x4  }
0xb: {  	v12 =	vor.u32 $0x50, v0;
	v13 =	vadd.s32 $0x61, v0;
	v14 =	vor.u32 $0x60, v0;
	s9 =	sshrl.u32 s5, $0x3;
	s10 =	sand.u32 $0x7FE00, s5;
	s0 =	smax.u32 s0, $0x1  }
0xc: {  	v15 =	vadd.s32 $0x71, v0;
	v16 =	vor.u32 $0x70, v0;
	v17 =	vadd.s32 $0x81, v0;
	s8 =	sshrl.u32 s8, $0x3;
	s31 =	sor.u32 $0x100, s10;
	[dreg:$0x9] =	wrdreg s0  }
.Ltmp0:
0xd: {  	v18 =	vor.u32 $0x80, v0;
	v19 =	vadd.s32 $0x91, v0;
	v20 =	vor.u32 $0x90, v0;
	s8 =	sadd.s32 s3, s8;
	[dreg:$0x8] =	wrdreg s31;
	(pc) =	sbr.rel .LBB2_1-.Ltmp0, $4  }
0xe: {  	v21 =	vadd.s32 $0xA1, v0;
	v22 =	vor.u32 $0xA0, v0;
	v23 =	vadd.s32 $0xB1, v0;
	s9 =	sand.u32 $0xFFC0, s9;
	[dreg:$0x4] =	wrdreg s8;
	s8 =	sand.u32 $0x7FE, s28  }
0xf: {  	v24 =	vor.u32 $0xB0, v0;
	v25 =	vadd.s32 $0xC1, v0;
	v26 =	vor.u32 $0xC0, v0;
	s30 =	sadd.s32 s3, s9;
	[dreg:$0x5] =	wrdreg s8;
	s8 =	sand.u32 $0x7FE000, s29  }
0x10: {  	s23 =	simm.s32 $0x0;
	v27 =	vadd.s32 $0xD1, v0;
	v28 =	vor.u32 $0xD0, v0;
	v29 =	vadd.s32 $0xE1, v0;
	[dreg:$0x7] =	wrdreg s30;
	s8 =	sadd.s32 s1, s8  }
0x11: {  	v30 =	vor.u32 $0xE0, v0;
	v31 =	vadd.s32 $0xF1, v0;
	v32 =	vor.u32 $0xF0, v0;
	p0 =	seq.s32 s2, $0x0;
	s7 =	sadd.s32 $0x2710, s5;
	[dreg:$0x6] =	wrdreg s8  }
.LBB2_53:
0x12: {  	[sflag:s22] =	ssyncadd.s32 $0xFFFFFF80  }
.LBB2_54:
0x13: {  	s23 =	sadd.s32 $0x1, s23;
	s0 =	rddreg [dreg:$0x9]  }
0x14: {  	p1 =	sne.s32 s23, s0  }
.Ltmp1:
0x15: {  	_ = 	snop;
	(pc) =	sbr.rel @!p1 .LBB2_55-.Ltmp1, $1  }
0x16: {  	_ =	sdelay $0x3  }
.LBB2_1:
0x17: {  	v0 =	vimm.f32 $-Inf  }
0x18: {  	[tilespmem:$0x10900] =	vst v0  }
0x19: {  	[tilespmem:$0x10910] =	vst v0  }
0x1a: {  	[tilespmem:$0x10920] =	vst v0  }
0x1b: {  	[tilespmem:$0x10930] =	vst v0  }
0x1c: {  	[tilespmem:$0x10940] =	vst v0  }
0x1d: {  	[tilespmem:$0x10950] =	vst v0  }
0x1e: {  	[tilespmem:$0x10960] =	vst v0  }
0x1f: {  	v33 =	vimm.s32 @p0 $0xFFFFFFFF;
	[tilespmem:$0x10970] =	vst v0  }
0x20: {  	s0 =	simm.s32 @!p0 $0x0;
	s2 =	simm.s32 @!p0 $0x10980;
	s8 =	rddreg [dreg:$0x4];
	[tilespmem:$0x10980] =	vst @p0 v33  }
0x21: {  	[tilespmem:s2], [sflag:$0x4] =	stream.linear.gather @!p0 [hbm4b:s8+s0], $0x10, $0x38;
	[tilespmem:$0x10A00] =	vst v63  }
0x22: {  	s0 =	simm.s32 @!p0 $0x4  }
0x23: {  	_ =	swait.ge @!p0 [sflag:s0], $0x10  }
0x24: {  	[sflag:s0] =	ssyncset.done @!p0 $0x0  }
0x25: {  	[sflag:s0] =	ssyncadd.s32 @!p0 $0xFFFFFFF0  }
0x26: {  	v63 =	vld [tilespmem:$0x10980];
	_ =	sdelay $0x4  }
0x27: {  	(v2sf) =	vpush v63, $0xF;
	_ =	sdelay $0xa  }
0x28: {  	s29 =	rddreg [dreg:$0x6]  }
0x29: {  	[tilespmem:s6], [sflag:$0x1] =	stream.linear.gather [hbm4b:s29+s6], $0x8000, $0x38;
	[tilespmem:$0x10A00] =	vst v63  }
0x2a: {  	s24 =	simm.s32 $0x0;
	s31 =	rddreg [dreg:$0x7]  }
0x2b: {  	v34 =	vimm.f32 $-Inf;
	v35 =	vimm.f32 $-Inf;
	[tilespmem:s14], [sflag:$0x1] =	stream.linear.gather [hbm4b:s31+s6], $0x100, $0x38;
	[tilespmem:$0x10A00] =	vst v63  }
0x2c: {  	v38 =	vimm.f32 $-Inf;
	v39 =	vimm.f32 $-Inf;
	v40 =	vimm.f32 $-Inf;
	s28 =	simm.s32 $0x0;
	s2 =	rddreg [dreg:$0x8];
	s25 =	spop (v2sf)  }
0x2d: {  	v36 =	vimm.f32 $-Inf;
	v37 =	vimm.f32 $-Inf;
	s30 =	simm.s32 $0x0;
	v33 =	vimm.f32 $-Inf;
	s26 =	rddreg [dreg:$0x5];
	s0 =	smov.u32 s25  }
.LBB2_2:
0x2e: {  	s8 =	sshll.u32 s2, $0x4  }
0x2f: {  	s31 =	simm.s32 $0x0;
	s13 =	sshrl.u32 s2, $0x3;
	s8 =	sadd.s32 s1, s8  }
0x30: {  	[tilespmem:s15], [sflag:$0x2] =	stream.linear.gather [hbm4b:s8+s31], $0x8000, $0x38;
	[tilespmem:$0x10A00] =	vst v63  }
0x31: {  	s2 =	sadd.s32 s3, s13  }
0x32: {  	[tilespmem:s16], [sflag:$0x2] =	stream.linear.gather [hbm4b:s2+s31], $0x100, $0x38;
	[tilespmem:$0x10A00] =	vst v63  }
0x33: {  	_ =	swait.ge [sflag:s17], $0x8000  }
0x34: {  	[sflag:s17] =	ssyncset.done $0x0  }
0x35: {  	[sflag:s17] =	ssyncadd.s32 $0xFFFF8000  }
0x36: {  	_ =	swait.ge [sflag:s17], $0x100  }
0x37: {  	[sflag:s17] =	ssyncset.done $0x0  }
0x38: {  	v41 =	vmov s0;
	[sflag:s17] =	ssyncadd.s32 $0xFFFFFF00  }
0x39: {  	[tilespmem:$0x10000] =	vst v41;
	v42 =	vld [tilespmem:$0x10010]  }
0x3a: {  	s29 =	sshll.u32 s26, $0x8;
	v43 =	vld [tilespmem:$0x1000F]  }
0x3b: {  	s8 =	ssub.s32 s5, s29  }
0x3c: {  	p1 =	sgt.s32 s8, $0x0  }
0x3d: {  	s8 =	simm.s32 @!p1 $0x0  }
0x3e: {  	v41 =	vmov s8  }
0x3f: {  	vm1 =	vlt.u32 v41, v2;
	vm0 =	vne.s32 v42, v43  }
0x40: {  	v0 =	vlaneseq.u32;
	vm0 =	vmand vm1, vm0  }
0x41: {  	[tilespmem:s18+$0x0] =	vst.msk vm0, v0  }
0x42: {  	v57 =	vmpcnt.ones.xlane vm0;
	v58 =	vld [tilespmem:$0x10020]  }
0x43: {  	v44 =	vld [tilespmem:$0x1001F]  }
0x44: {  	(v2sf) =	vpush v57, $0x0;
	_ =	sdelay $0x3  }
0x45: {  	vm11 =	vlt.u32 v41, v3;
	vm10 =	vne.s32 v58, v44  }
0x46: {  	vm0 =	vmand vm11, vm10  }
0x47: {  	v59 =	vmpcnt.ones.xlane vm0;
	_ =	sdelay $0x1  }
0x48: {  	(v2sf) =	vpush v59, $0x0;
	_ =	sdelay $0x6  }
0x49: {  	s2 =	spop (v2sf)  }
0x4a: {  	[tilespmem:s2+$0x10300] =	vst.msk vm0, v4  }
0x4b: {  	v60 =	vld [tilespmem:$0x10030]  }
0x4c: {  	v61 =	vld [tilespmem:$0x1002F];
	_ =	sdelay $0x4  }
0x4d: {  	vm13 =	vlt.u32 v41, v5;
	vm12 =	vne.s32 v60, v61;
	s9 =	spop (v2sf)  }
0x4e: {  	vm0 =	vmand vm13, vm12;
	s0 =	sadd.s32 s2, s9  }
0x4f: {  	v62 =	vmpcnt.ones.xlane vm0;
	[tilespmem:s0+$0x10300] =	vst.msk vm0, v6  }
0x50: {  	v63 =	vld [tilespmem:$0x10040]  }
0x51: {  	(v2sf) =	vpush v62, $0x0;
	v45 =	vld [tilespmem:$0x1003F];
	_ =	sdelay $0x4  }
0x52: {  	vm15 =	vlt.u32 v41, v7;
	vm14 =	vne.s32 v63, v45  }
0x53: {  	vm0 =	vmand vm15, vm14  }
0x54: {  	v46 =	vmpcnt.ones.xlane vm0;
	_ =	sdelay $0x1  }
0x55: {  	(v2sf) =	vpush v46, $0x0;
	_ =	sdelay $0x5  }
0x56: {  	s10 =	spop (v2sf)  }
0x57: {  	s0 =	sadd.s32 s0, s10  }
0x58: {  	[tilespmem:s0+$0x10300] =	vst.msk vm0, v8  }
0x59: {  	v47 =	vld [tilespmem:$0x10050]  }
0x5a: {  	v48 =	vld [tilespmem:$0x1004F];
	_ =	sdelay $0x4  }
0x5b: {  	vm5 =	vlt.u32 v41, v9;
	vm4 =	vne.s32 v47, v48;
	s11 =	spop (v2sf)  }
0x5c: {  	vm0 =	vmand vm5, vm4;
	s0 =	sadd.s32 s0, s11  }
0x5d: {  	v49 =	vmpcnt.ones.xlane vm0;
	[tilespmem:s0+$0x10300] =	vst.msk vm0, v10  }
0x5e: {  	v50 =	vld [tilespmem:$0x10060]  }
0x5f: {  	(v2sf) =	vpush v49, $0x0;
	v51 =	vld [tilespmem:$0x1005F];
	_ =	sdelay $0x4  }
0x60: {  	vm7 =	vlt.u32 v41, v11;
	vm6 =	vne.s32 v50, v51  }
0x61: {  	vm0 =	vmand vm7, vm6  }
0x62: {  	v52 =	vmpcnt.ones.xlane vm0;
	_ =	sdelay $0x1  }
0x63: {  	(v2sf) =	vpush v52, $0x0;
	_ =	sdelay $0x5  }
0x64: {  	s12 =	spop (v2sf)  }
0x65: {  	s0 =	sadd.s32 s0, s12  }
0x66: {  	[tilespmem:s0+$0x10300] =	vst.msk vm0, v12  }
0x67: {  	v53 =	vld [tilespmem:$0x10070]  }
0x68: {  	v54 =	vld [tilespmem:$0x1006F];
	_ =	sdelay $0x4  }
0x69: {  	vm9 =	vlt.u32 v41, v13;
	vm8 =	vne.s32 v53, v54;
	s13 =	spop (v2sf)  }
0x6a: {  	vm0 =	vmand vm9, vm8;
	s0 =	sadd.s32 s0, s13  }
0x6b: {  	v55 =	vmpcnt.ones.xlane vm0;
	[tilespmem:s0+$0x10300] =	vst.msk vm0, v14  }
0x6c: {  	v56 =	vld [tilespmem:$0x10080]  }
0x6d: {  	(v2sf) =	vpush v55, $0x0;
	v57 =	vld [tilespmem:$0x1007F];
	_ =	sdelay $0x4  }
0x6e: {  	vm11 =	vlt.u32 v41, v15;
	vm10 =	vne.s32 v56, v57  }
0x6f: {  	vm0 =	vmand vm11, vm10  }
0x70: {  	v58 =	vmpcnt.ones.xlane vm0;
	_ =	sdelay $0x1  }
0x71: {  	(v2sf) =	vpush v58, $0x0;
	_ =	sdelay $0x5  }
0x72: {  	s9 =	spop (v2sf)  }
0x73: {  	s0 =	sadd.s32 s0, s9  }
0x74: {  	[tilespmem:s0+$0x10300] =	vst.msk vm0, v16  }
0x75: {  	v59 =	vld [tilespmem:$0x10090]  }
0x76: {  	v60 =	vld [tilespmem:$0x1008F];
	_ =	sdelay $0x4  }
0x77: {  	vm13 =	vlt.u32 v41, v17;
	vm12 =	vne.s32 v59, v60;
	s10 =	spop (v2sf)  }
0x78: {  	vm0 =	vmand vm13, vm12;
	s0 =	sadd.s32 s0, s10  }
0x79: {  	v61 =	vmpcnt.ones.xlane vm0;
	[tilespmem:s0+$0x10300] =	vst.msk vm0, v18  }
0x7a: {  	v62 =	vld [tilespmem:$0x100A0]  }
0x7b: {  	(v2sf) =	vpush v61, $0x0;
	v63 =	vld [tilespmem:$0x1009F];
	_ =	sdelay $0x4  }
0x7c: {  	vm15 =	vlt.u32 v41, v19;
	vm14 =	vne.s32 v62, v63  }
0x7d: {  	vm0 =	vmand vm15, vm14  }
0x7e: {  	v45 =	vmpcnt.ones.xlane vm0;
	_ =	sdelay $0x1  }
0x7f: {  	(v2sf) =	vpush v45, $0x0;
	_ =	sdelay $0x5  }
0x80: {  	s11 =	spop (v2sf)  }
0x81: {  	s0 =	sadd.s32 s0, s11  }
0x82: {  	[tilespmem:s0+$0x10300] =	vst.msk vm0, v20  }
0x83: {  	v46 =	vld [tilespmem:$0x100B0]  }
0x84: {  	v47 =	vld [tilespmem:$0x100AF];
	_ =	sdelay $0x4  }
0x85: {  	vm5 =	vlt.u32 v41, v21;
	vm4 =	vne.s32 v46, v47;
	s12 =	spop (v2sf)  }
0x86: {  	vm0 =	vmand vm5, vm4;
	s0 =	sadd.s32 s0, s12  }
0x87: {  	v48 =	vmpcnt.ones.xlane vm0;
	[tilespmem:s0+$0x10300] =	vst.msk vm0, v22  }
0x88: {  	v49 =	vld [tilespmem:$0x100C0]  }
0x89: {  	(v2sf) =	vpush v48, $0x0;
	v50 =	vld [tilespmem:$0x100BF];
	_ =	sdelay $0x4  }
0x8a: {  	vm7 =	vlt.u32 v41, v23;
	vm6 =	vne.s32 v49, v50  }
0x8b: {  	vm0 =	vmand vm7, vm6  }
0x8c: {  	v51 =	vmpcnt.ones.xlane vm0;
	_ =	sdelay $0x1  }
0x8d: {  	(v2sf) =	vpush v51, $0x0;
	_ =	sdelay $0x5  }
0x8e: {  	s13 =	spop (v2sf)  }
0x8f: {  	s0 =	sadd.s32 s0, s13  }
0x90: {  	[tilespmem:s0+$0x10300] =	vst.msk vm0, v24  }
0x91: {  	v52 =	vld [tilespmem:$0x100D0]  }
0x92: {  	v53 =	vld [tilespmem:$0x100CF];
	_ =	sdelay $0x4  }
0x93: {  	vm9 =	vlt.u32 v41, v25;
	vm8 =	vne.s32 v52, v53;
	s9 =	spop (v2sf)  }
0x94: {  	vm0 =	vmand vm9, vm8;
	s0 =	sadd.s32 s0, s9  }
0x95: {  	v54 =	vmpcnt.ones.xlane vm0;
	[tilespmem:s0+$0x10300] =	vst.msk vm0, v26  }
0x96: {  	v55 =	vld [tilespmem:$0x100E0]  }
0x97: {  	(v2sf) =	vpush v54, $0x0;
	v56 =	vld [tilespmem:$0x100DF];
	_ =	sdelay $0x4  }
0x98: {  	vm11 =	vlt.u32 v41, v27;
	vm10 =	vne.s32 v55, v56  }
0x99: {  	vm0 =	vmand vm11, vm10  }
0x9a: {  	v57 =	vmpcnt.ones.xlane vm0;
	_ =	sdelay $0x1  }
0x9b: {  	(v2sf) =	vpush v57, $0x0;
	_ =	sdelay $0x5  }
0x9c: {  	s10 =	spop (v2sf)  }
0x9d: {  	s0 =	sadd.s32 s0, s10  }
0x9e: {  	[tilespmem:s0+$0x10300] =	vst.msk vm0, v28  }
0x9f: {  	v58 =	vld [tilespmem:$0x100F0]  }
0xa0: {  	v59 =	vld [tilespmem:$0x100EF];
	_ =	sdelay $0x4  }
0xa1: {  	vm13 =	vlt.u32 v41, v29;
	vm12 =	vne.s32 v58, v59;
	s11 =	spop (v2sf)  }
0xa2: {  	vm0 =	vmand vm13, vm12;
	s0 =	sadd.s32 s0, s11  }
0xa3: {  	[tilespmem:s0+$0x10300] =	vst.msk vm0, v30  }
0xa4: {  	v60 =	vld [tilespmem:$0x10100]  }
0xa5: {  	v61 =	vld [tilespmem:$0x100FF];
	_ =	sdelay $0x4  }
0xa6: {  	vm2 =	vlt.u32 v41, v31;
	vm14 =	vne.s32 v60, v61  }
0xa7: {  	v62 =	vmpcnt.ones.xlane vm0;
	vm15 =	vmand vm2, vm14  }
0xa8: {  	v63 =	vmpcnt.ones.xlane vm15  }
0xa9: {  	(v2sf) =	vpush v62, $0x0  }
0xaa: {  	(v2sf) =	vpush v63, $0x0;
	_ =	sdelay $0xd  }
0xab: {  	s12 =	spop (v2sf)  }
0xac: {  	s0 =	sadd.s32 s0, s12;
	s13 =	spop (v2sf)  }
0xad: {  	s2 =	sadd.s32 s0, s13  }
0xae: {  	p1 =	slt.s32 s2, $0x1  }
.Ltmp2:
0xaf: {  	_ = 	snop;
	(pc) =	sbr.rel @!p1 .LBB2_3-.Ltmp2, $2  }
0xb0: {  	_ =	sdelay $0x2  }
0xb1: {  	[tilespmem:s0+$0x10300] =	vst.msk vm15, v32  }
.LBB2_16:
0xb2: {  	s0 =	ssub.s32 $0x100, s8  }
0xb3: {  	s2 =	sshra.s32 s0, $0x1F  }
0xb4: {  	s2 =	sshrl.u32 s2, $0x1E  }
0xb5: {  	s2 =	sadd.s32 s2, s0  }
0xb6: {  	s2 =	sand.u32 $0xFFFFFFFC, s2  }
0xb7: {  	s9 =	sadd.s32 s8, s2  }
0xb8: {  	p1 =	sge.s32 s8, s9  }
.Ltmp3:
0xb9: {  	_ = 	snop;
	(pc) =	sbr.rel @p1 .LBB2_20-.Ltmp3, $1  }
0xba: {  	_ =	sdelay $0x3  }
0xbb: {  	s10 =	sshll.u32 s8, $0x9  }
0xbc: {  	s10 =	sshra.s32 s10, $0x2  }
0xbd: {  	s10 =	sadd.s32 $0x100, s10  }
0xbe: {  	v0 =	vld [tilespmem:s10+$0x80]  }
0xbf: {  	v1 =	vld [tilespmem:s10+$0x90]  }
0xc0: {  	v43 =	vld [tilespmem:s10+$0xA0]  }
0xc1: {  	v44 =	vld [tilespmem:s10+$0xB0]  }
0xc2: {  	v45 =	vld [tilespmem:s10+$0xC0]  }
0xc3: {  	v41 =	vld [tilespmem:s10+$0xD0]  }
0xc4: {  	v42 =	vld [tilespmem:s10+$0xE0]  }
0xc5: {  	v52 =	vld [tilespmem:s10+$0x0]  }
0xc6: {  	v53 =	vld [tilespmem:s10+$0x10]  }
0xc7: {  	v55 =	vld [tilespmem:s10+$0x20]  }
0xc8: {  	v56 =	vld [tilespmem:s10+$0x30]  }
0xc9: {  	v57 =	vld [tilespmem:s10+$0x40]  }
0xca: {  	v46 =	vld [tilespmem:s10+$0x50]  }
0xcb: {  	v47 =	vld [tilespmem:s10+$0x60]  }
0xcc: {  	v51 =	vld [tilespmem:s10+$0xFFFFFF80]  }
0xcd: {  	v54 =	vld [tilespmem:s10+$0xFFFFFF90]  }
0xce: {  	v58 =	vld [tilespmem:s10+$0xFFFFFFA0]  }
0xcf: {  	v59 =	vld [tilespmem:s10+$0xFFFFFFB0]  }
0xd0: {  	v60 =	vld [tilespmem:s10+$0xFFFFFFC0]  }
0xd1: {  	v49 =	vld [tilespmem:s10+$0xFFFFFF00]  }
0xd2: {  	v50 =	vld [tilespmem:s10+$0xFFFFFF10]  }
0xd3: {  	v48 =	vld [tilespmem:s10+$0xFFFFFFD0]  }
0xd4: {  	v61 =	vld [tilespmem:s10+$0xFFFFFF20]  }
0xd5: {  	v63 =	vld [tilespmem:s10+$0xFFFFFF40]  }
0xd6: {  	v62 =	vld [tilespmem:s10+$0xFFFFFF30]  }
0xd7: {  	s8 =	sadd.s32 $0x4, s8;
	v37 =	vmax.f32 v37, v49;
	v49 =	vld [tilespmem:s10+$0xFFFFFFE0]  }
0xd8: {  	p1 =	slt.s32 s8, s9;
	v36 =	vmax.f32 v36, v50;
	v50 =	vld [tilespmem:s10+$0xFFFFFF50];
	v37 =	vmax.f32 v37, v51  }
.Ltmp4:
0xd9: {  	v36 =	vmax.f32 v36, v54;
	v51 =	vld [tilespmem:s10+$0xFFFFFF60];
	v37 =	vmax.f32 v37, v52;
	(pc) =	sbr.rel @!p1 .LBB2_19-.Ltmp4, $4  }
0xda: {  	v38 =	vmax.f32 v38, v63;
	v36 =	vmax.f32 v36, v53;
	v52 =	vld [tilespmem:s10+$0xFFFFFF70];
	v37 =	vmax.f32 v37, v0  }
0xdb: {  	v53 =	vld [tilespmem:s10+$0xFFFFFFF0];
	v36 =	vmax.f32 v36, v1;
	v0 =	vmax.f32 v40, v61;
	v1 =	vmax.f32 v39, v62  }
0xdc: {  	v63 =	vmax.f32 v38, v60;
	v54 =	vld [tilespmem:s10+$0x70];
	v0 =	vmax.f32 v0, v58;
	v1 =	vmax.f32 v1, v59  }
0xdd: {  	v38 =	vmax.f32 v0, v55;
	v39 =	vmax.f32 v1, v56;
	v56 =	vmax.f32 v63, v57;
	v55 =	vld [tilespmem:s10+$0xF0];
	s10 =	sadd.s32 $0x200, s10  }
.LBB2_18:
0xde: {  	v0 =	vld [tilespmem:s10+$0x80];
	v1 =	vmax.f32 v38, v43;
	v38 =	vmax.f32 v39, v44;
	v39 =	vmax.f32 v56, v45  }
0xdf: {  	v35 =	vmax.f32 v35, v50;
	v34 =	vmax.f32 v34, v51;
	v40 =	vld [tilespmem:s10+$0x90];
	v33 =	vmax.f32 v33, v52  }
0xe0: {  	v35 =	vmax.f32 v35, v48;
	v34 =	vmax.f32 v34, v49;
	v43 =	vld [tilespmem:s10+$0xA0];
	v33 =	vmax.f32 v33, v53  }
0xe1: {  	v35 =	vmax.f32 v35, v46;
	v34 =	vmax.f32 v34, v47;
	v44 =	vld [tilespmem:s10+$0xB0];
	v33 =	vmax.f32 v33, v54  }
0xe2: {  	v35 =	vmax.f32 v35, v41;
	v34 =	vmax.f32 v34, v42;
	v45 =	vld [tilespmem:s10+$0xC0];
	v33 =	vmax.f32 v33, v55  }
0xe3: {  	v41 =	vld [tilespmem:s10+$0xD0]  }
0xe4: {  	v42 =	vld [tilespmem:s10+$0xE0]  }
0xe5: {  	v52 =	vld [tilespmem:s10+$0x0]  }
0xe6: {  	v53 =	vld [tilespmem:s10+$0x10]  }
0xe7: {  	v55 =	vld [tilespmem:s10+$0x20]  }
0xe8: {  	v56 =	vld [tilespmem:s10+$0x30]  }
0xe9: {  	v57 =	vld [tilespmem:s10+$0x40]  }
0xea: {  	v46 =	vld [tilespmem:s10+$0x50]  }
0xeb: {  	v47 =	vld [tilespmem:s10+$0x60]  }
0xec: {  	v51 =	vld [tilespmem:s10+$0xFFFFFF80]  }
0xed: {  	v54 =	vld [tilespmem:s10+$0xFFFFFF90]  }
0xee: {  	v58 =	vld [tilespmem:s10+$0xFFFFFFA0]  }
0xef: {  	v59 =	vld [tilespmem:s10+$0xFFFFFFB0]  }
0xf0: {  	v60 =	vld [tilespmem:s10+$0xFFFFFFC0]  }
0xf1: {  	v49 =	vld [tilespmem:s10+$0xFFFFFF00]  }
0xf2: {  	v50 =	vld [tilespmem:s10+$0xFFFFFF10]  }
0xf3: {  	v48 =	vld [tilespmem:s10+$0xFFFFFFD0]  }
0xf4: {  	v61 =	vld [tilespmem:s10+$0xFFFFFF20]  }
0xf5: {  	v62 =	vld [tilespmem:s10+$0xFFFFFF30]  }
0xf6: {  	v63 =	vld [tilespmem:s10+$0xFFFFFF40]  }
0xf7: {  	s8 =	sadd.s32 $0x4, s8;
	v37 =	vmax.f32 v37, v49;
	v36 =	vmax.f32 v36, v50;
	v49 =	vld [tilespmem:s10+$0xFFFFFFE0]  }
0xf8: {  	p1 =	slt.s32 s8, s9;
	v37 =	vmax.f32 v37, v51;
	v50 =	vld [tilespmem:s10+$0xFFFFFF50];
	v36 =	vmax.f32 v36, v54  }
.Ltmp5:
0xf9: {  	v37 =	vmax.f32 v37, v52;
	v51 =	vld [tilespmem:s10+$0xFFFFFF60];
	v36 =	vmax.f32 v36, v53;
	(pc) =	sbr.rel @p1 .LBB2_18-.Ltmp5, $4  }
0xfa: {  	v37 =	vmax.f32 v37, v0;
	v52 =	vld [tilespmem:s10+$0xFFFFFF70];
	v36 =	vmax.f32 v36, v40  }
0xfb: {  	v0 =	vmax.f32 v1, v61;
	v1 =	vmax.f32 v38, v62;
	v38 =	vmax.f32 v39, v63;
	v53 =	vld [tilespmem:s10+$0xFFFFFFF0]  }
0xfc: {  	v0 =	vmax.f32 v0, v58;
	v1 =	vmax.f32 v1, v59;
	v40 =	vmax.f32 v38, v60;
	v54 =	vld [tilespmem:s10+$0x70]  }
0xfd: {  	v38 =	vmax.f32 v0, v55;
	v39 =	vmax.f32 v1, v56;
	v56 =	vmax.f32 v40, v57;
	v55 =	vld [tilespmem:s10+$0xF0];
	s10 =	sadd.s32 $0x200, s10  }
.LBB2_19:
0xfe: {  	v40 =	vmax.f32 v38, v43;
	v39 =	vmax.f32 v39, v44;
	v38 =	vmax.f32 v56, v45  }
0xff: {  	v0 =	vmax.f32 v35, v50;
	v1 =	vmax.f32 v34, v51;
	v33 =	vmax.f32 v33, v52  }
0x100: {  	v0 =	vmax.f32 v0, v48;
	v1 =	vmax.f32 v1, v49;
	v33 =	vmax.f32 v33, v53  }
0x101: {  	v0 =	vmax.f32 v0, v46;
	v1 =	vmax.f32 v1, v47;
	v33 =	vmax.f32 v33, v54  }
0x102: {  	v35 =	vmax.f32 v0, v41;
	v34 =	vmax.f32 v1, v42;
	v33 =	vmax.f32 v33, v55  }
.LBB2_20:
0x103: {  	p1 =	sgt.s32 s9, $0xFF  }
.Ltmp6:
0x104: {  	_ = 	snop;
	(pc) =	sbr.rel @p1 .LBB2_23-.Ltmp6, $1  }
0x105: {  	_ =	sdelay $0x3  }
0x106: {  	s0 =	ssub.s32 s0, s2  }
0x107: {  	s2 =	sshll.u32 s0, $0x9  }
0x108: {  	s2 =	ssub.s32 $0x0, s2  }
0x109: {  	s2 =	sshra.s32 s2, $0x2  }
0x10a: {  	s2 =	sadd.s32 $0x8000, s2  }
.LBB2_22:
0x10b: {  	v0 =	vld [tilespmem:s2+$0x0]  }
0x10c: {  	v1 =	vld [tilespmem:s2+$0x10]  }
0x10d: {  	v41 =	vld [tilespmem:s2+$0x20]  }
0x10e: {  	v42 =	vld [tilespmem:s2+$0x30]  }
0x10f: {  	v43 =	vld [tilespmem:s2+$0x40]  }
0x110: {  	v44 =	vld [tilespmem:s2+$0x50]  }
0x111: {  	v45 =	vld [tilespmem:s2+$0x60]  }
0x112: {  	v46 =	vld [tilespmem:s2+$0x70];
	p1 =	sne.s32 s0, $0x1  }
.Ltmp7:
0x113: {  	_ = 	snop;
	(pc) =	sbr.rel @p1 .LBB2_22-.Ltmp7, $4  }
0x114: {  	_ = 	snop  }
0x115: {  	v37 =	vmax.f32 v37, v0;
	v36 =	vmax.f32 v36, v1  }
0x116: {  	v40 =	vmax.f32 v40, v41;
	v39 =	vmax.f32 v39, v42;
	v38 =	vmax.f32 v38, v43  }
0x117: {  	s2 =	sadd.s32 $0x80, s2;
	s0 =	sadd.s32 $0xFFFFFFFF, s0;
	v35 =	vmax.f32 v35, v44;
	v34 =	vmax.f32 v34, v45;
	v33 =	vmax.f32 v33, v46  }
.LBB2_23:
0x118: {  	v0 =	vld [tilespmem:$0x10100]  }
0x119: {  	_ =	swait.ge [sflag:s19], $0x8000  }
0x11a: {  	[sflag:s19] =	ssyncset.done $0x0  }
0x11b: {  	[sflag:s19] =	ssyncadd.s32 $0xFFFF8000  }
0x11c: {  	_ =	swait.ge [sflag:s19], $0x100  }
0x11d: {  	[sflag:s19] =	ssyncset.done $0x0;
	v0 =	vbroadcast v0, $0xF  }
0x11e: {  	[sflag:s19] =	ssyncadd.s32 $0xFFFFFF00  }
0x11f: {  	[tilespmem:$0x10180] =	vst v0;
	v0 =	vld [tilespmem:$0x10190]  }
0x120: {  	s31 =	sor.u32 $0x100, s29;
	v1 =	vld [tilespmem:$0x1018F]  }
0x121: {  	s8 =	ssub.s32 s5, s31  }
0x122: {  	p1 =	sgt.s32 s8, $0x0  }
0x123: {  	s8 =	simm.s32 @!p1 $0x0  }
0x124: {  	v41 =	vmov s8  }
0x125: {  	vm1 =	vlt.u32 v41, v2;
	vm0 =	vne.s32 v0, v1  }
0x126: {  	v0 =	vlaneseq.u32;
	vm0 =	vmand vm1, vm0  }
0x127: {  	[tilespmem:s18+$0x0] =	vst.msk vm0, v0  }
0x128: {  	v0 =	vmpcnt.ones.xlane vm0;
	v1 =	vld [tilespmem:$0x101A0]  }
0x129: {  	v42 =	vld [tilespmem:$0x1019F]  }
0x12a: {  	(v2sf) =	vpush v0, $0x0;
	_ =	sdelay $0x3  }
0x12b: {  	vm11 =	vlt.u32 v41, v3;
	vm10 =	vne.s32 v1, v42  }
0x12c: {  	vm0 =	vmand vm11, vm10  }
0x12d: {  	v0 =	vmpcnt.ones.xlane vm0;
	_ =	sdelay $0x1  }
0x12e: {  	(v2sf) =	vpush v0, $0x0;
	_ =	sdelay $0x6  }
0x12f: {  	s0 =	spop (v2sf)  }
0x130: {  	[tilespmem:s0+$0x10300] =	vst.msk vm0, v4  }
0x131: {  	v0 =	vld [tilespmem:$0x101B0]  }
0x132: {  	v1 =	vld [tilespmem:$0x101AF];
	_ =	sdelay $0x4  }
0x133: {  	vm13 =	vlt.u32 v41, v5;
	vm12 =	vne.s32 v0, v1;
	s2 =	spop (v2sf)  }
0x134: {  	vm0 =	vmand vm13, vm12;
	s0 =	sadd.s32 s0, s2  }
0x135: {  	v0 =	vmpcnt.ones.xlane vm0;
	[tilespmem:s0+$0x10300] =	vst.msk vm0, v6  }
0x136: {  	v1 =	vld [tilespmem:$0x101C0]  }
0x137: {  	(v2sf) =	vpush v0, $0x0;
	v0 =	vld [tilespmem:$0x101BF];
	_ =	sdelay $0x4  }
0x138: {  	vm15 =	vlt.u32 v41, v7;
	vm14 =	vne.s32 v1, v0  }
0x139: {  	vm0 =	vmand vm15, vm14  }
0x13a: {  	v0 =	vmpcnt.ones.xlane vm0;
	_ =	sdelay $0x1  }
0x13b: {  	(v2sf) =	vpush v0, $0x0;
	_ =	sdelay $0x5  }
0x13c: {  	s10 =	spop (v2sf)  }
0x13d: {  	s0 =	sadd.s32 s0, s10  }
0x13e: {  	[tilespmem:s0+$0x10300] =	vst.msk vm0, v8  }
0x13f: {  	v0 =	vld [tilespmem:$0x101D0]  }
0x140: {  	v1 =	vld [tilespmem:$0x101CF];
	_ =	sdelay $0x4  }
0x141: {  	vm5 =	vlt.u32 v41, v9;
	vm4 =	vne.s32 v0, v1;
	s11 =	spop (v2sf)  }
0x142: {  	vm0 =	vmand vm5, vm4;
	s0 =	sadd.s32 s0, s11  }
0x143: {  	v0 =	vmpcnt.ones.xlane vm0;
	[tilespmem:s0+$0x10300] =	vst.msk vm0, v10  }
0x144: {  	v1 =	vld [tilespmem:$0x101E0]  }
0x145: {  	(v2sf) =	vpush v0, $0x0;
	v0 =	vld [tilespmem:$0x101DF];
	_ =	sdelay $0x4  }
0x146: {  	vm7 =	vlt.u32 v41, v11;
	vm6 =	vne.s32 v1, v0  }
0x147: {  	vm0 =	vmand vm7, vm6  }
0x148: {  	v0 =	vmpcnt.ones.xlane vm0;
	_ =	sdelay $0x1  }
0x149: {  	(v2sf) =	vpush v0, $0x0;
	_ =	sdelay $0x5  }
0x14a: {  	s12 =	spop (v2sf)  }
0x14b: {  	s0 =	sadd.s32 s0, s12  }
0x14c: {  	[tilespmem:s0+$0x10300] =	vst.msk vm0, v12  }
0x14d: {  	v0 =	vld [tilespmem:$0x101F0]  }
0x14e: {  	v1 =	vld [tilespmem:$0x101EF];
	_ =	sdelay $0x4  }
0x14f: {  	vm9 =	vlt.u32 v41, v13;
	vm8 =	vne.s32 v0, v1;
	s13 =	spop (v2sf)  }
0x150: {  	vm0 =	vmand vm9, vm8;
	s0 =	sadd.s32 s0, s13  }
0x151: {  	v0 =	vmpcnt.ones.xlane vm0;
	[tilespmem:s0+$0x10300] =	vst.msk vm0, v14  }
0x152: {  	v1 =	vld [tilespmem:$0x10200]  }
0x153: {  	(v2sf) =	vpush v0, $0x0;
	v0 =	vld [tilespmem:$0x101FF];
	_ =	sdelay $0x4  }
0x154: {  	vm11 =	vlt.u32 v41, v15;
	vm10 =	vne.s32 v1, v0  }
0x155: {  	vm0 =	vmand vm11, vm10  }
0x156: {  	v0 =	vmpcnt.ones.xlane vm0;
	_ =	sdelay $0x1  }
0x157: {  	(v2sf) =	vpush v0, $0x0;
	_ =	sdelay $0x5  }
0x158: {  	s9 =	spop (v2sf)  }
0x159: {  	s0 =	sadd.s32 s0, s9  }
0x15a: {  	[tilespmem:s0+$0x10300] =	vst.msk vm0, v16  }
0x15b: {  	v0 =	vld [tilespmem:$0x10210]  }
0x15c: {  	v1 =	vld [tilespmem:$0x1020F];
	_ =	sdelay $0x4  }
0x15d: {  	vm13 =	vlt.u32 v41, v17;
	vm12 =	vne.s32 v0, v1;
	s10 =	spop (v2sf)  }
0x15e: {  	vm0 =	vmand vm13, vm12;
	s0 =	sadd.s32 s0, s10  }
0x15f: {  	v0 =	vmpcnt.ones.xlane vm0;
	[tilespmem:s0+$0x10300] =	vst.msk vm0, v18  }
0x160: {  	v1 =	vld [tilespmem:$0x10220]  }
0x161: {  	(v2sf) =	vpush v0, $0x0;
	v0 =	vld [tilespmem:$0x1021F];
	_ =	sdelay $0x4  }
0x162: {  	vm15 =	vlt.u32 v41, v19;
	vm14 =	vne.s32 v1, v0  }
0x163: {  	vm0 =	vmand vm15, vm14  }
0x164: {  	v0 =	vmpcnt.ones.xlane vm0;
	_ =	sdelay $0x1  }
0x165: {  	(v2sf) =	vpush v0, $0x0;
	_ =	sdelay $0x5  }
0x166: {  	s11 =	spop (v2sf)  }
0x167: {  	s0 =	sadd.s32 s0, s11  }
0x168: {  	[tilespmem:s0+$0x10300] =	vst.msk vm0, v20  }
0x169: {  	v0 =	vld [tilespmem:$0x10230]  }
0x16a: {  	v1 =	vld [tilespmem:$0x1022F];
	_ =	sdelay $0x4  }
0x16b: {  	vm5 =	vlt.u32 v41, v21;
	vm4 =	vne.s32 v0, v1;
	s12 =	spop (v2sf)  }
0x16c: {  	vm0 =	vmand vm5, vm4;
	s0 =	sadd.s32 s0, s12  }
0x16d: {  	v0 =	vmpcnt.ones.xlane vm0;
	[tilespmem:s0+$0x10300] =	vst.msk vm0, v22  }
0x16e: {  	v1 =	vld [tilespmem:$0x10240]  }
0x16f: {  	(v2sf) =	vpush v0, $0x0;
	v0 =	vld [tilespmem:$0x1023F];
	_ =	sdelay $0x4  }
0x170: {  	vm7 =	vlt.u32 v41, v23;
	vm6 =	vne.s32 v1, v0  }
0x171: {  	vm0 =	vmand vm7, vm6  }
0x172: {  	v0 =	vmpcnt.ones.xlane vm0;
	_ =	sdelay $0x1  }
0x173: {  	(v2sf) =	vpush v0, $0x0;
	_ =	sdelay $0x5  }
0x174: {  	s13 =	spop (v2sf)  }
0x175: {  	s0 =	sadd.s32 s0, s13  }
0x176: {  	[tilespmem:s0+$0x10300] =	vst.msk vm0, v24  }
0x177: {  	v0 =	vld [tilespmem:$0x10250]  }
0x178: {  	v1 =	vld [tilespmem:$0x1024F];
	_ =	sdelay $0x4  }
0x179: {  	vm9 =	vlt.u32 v41, v25;
	vm8 =	vne.s32 v0, v1;
	s9 =	spop (v2sf)  }
0x17a: {  	vm0 =	vmand vm9, vm8;
	s0 =	sadd.s32 s0, s9  }
0x17b: {  	v0 =	vmpcnt.ones.xlane vm0;
	[tilespmem:s0+$0x10300] =	vst.msk vm0, v26  }
0x17c: {  	v1 =	vld [tilespmem:$0x10260]  }
0x17d: {  	(v2sf) =	vpush v0, $0x0;
	v0 =	vld [tilespmem:$0x1025F];
	_ =	sdelay $0x4  }
0x17e: {  	vm11 =	vlt.u32 v41, v27;
	vm10 =	vne.s32 v1, v0  }
0x17f: {  	vm0 =	vmand vm11, vm10  }
0x180: {  	v0 =	vmpcnt.ones.xlane vm0;
	_ =	sdelay $0x1  }
0x181: {  	(v2sf) =	vpush v0, $0x0;
	_ =	sdelay $0x5  }
0x182: {  	s10 =	spop (v2sf)  }
0x183: {  	s0 =	sadd.s32 s0, s10  }
0x184: {  	[tilespmem:s0+$0x10300] =	vst.msk vm0, v28  }
0x185: {  	v0 =	vld [tilespmem:$0x10270]  }
0x186: {  	v1 =	vld [tilespmem:$0x1026F];
	_ =	sdelay $0x4  }
0x187: {  	vm13 =	vlt.u32 v41, v29;
	vm12 =	vne.s32 v0, v1;
	s11 =	spop (v2sf)  }
0x188: {  	vm0 =	vmand vm13, vm12;
	s0 =	sadd.s32 s0, s11  }
0x189: {  	[tilespmem:s0+$0x10300] =	vst.msk vm0, v30  }
0x18a: {  	v0 =	vld [tilespmem:$0x10280]  }
0x18b: {  	v1 =	vld [tilespmem:$0x1027F];
	_ =	sdelay $0x4  }
0x18c: {  	vm2 =	vlt.u32 v41, v31;
	vm14 =	vne.s32 v0, v1  }
0x18d: {  	v0 =	vmpcnt.ones.xlane vm0;
	vm15 =	vmand vm2, vm14  }
0x18e: {  	v1 =	vmpcnt.ones.xlane vm15  }
0x18f: {  	(v2sf) =	vpush v0, $0x0  }
0x190: {  	(v2sf) =	vpush v1, $0x0;
	_ =	sdelay $0xd  }
0x191: {  	s12 =	spop (v2sf)  }
0x192: {  	s0 =	sadd.s32 s0, s12;
	s13 =	spop (v2sf)  }
0x193: {  	s2 =	sadd.s32 s0, s13  }
0x194: {  	p1 =	slt.s32 s2, $0x1  }
.Ltmp8:
0x195: {  	_ = 	snop;
	(pc) =	sbr.rel @!p1 .LBB2_24-.Ltmp8, $2  }
0x196: {  	_ =	sdelay $0x2  }
0x197: {  	[tilespmem:s0+$0x10300] =	vst.msk vm15, v32;
	s0 =	simm.s32 $0x0  }
.LBB2_37:
0x198: {  	s0 =	ssub.s32 $0x100, s8  }
0x199: {  	s2 =	sshra.s32 s0, $0x1F  }
0x19a: {  	s2 =	sshrl.u32 s2, $0x1E  }
0x19b: {  	s2 =	sadd.s32 s2, s0  }
0x19c: {  	s2 =	sand.u32 $0xFFFFFFFC, s2  }
0x19d: {  	s9 =	sadd.s32 s8, s2  }
0x19e: {  	p1 =	sge.s32 s8, s9  }
.Ltmp9:
0x19f: {  	_ = 	snop;
	(pc) =	sbr.rel @p1 .LBB2_41-.Ltmp9, $1  }
0x1a0: {  	_ =	sdelay $0x3  }
0x1a1: {  	s10 =	sshll.u32 s8, $0x9  }
0x1a2: {  	s10 =	sshra.s32 s10, $0x2  }
0x1a3: {  	s10 =	sadd.s32 $0x8100, s10  }
0x1a4: {  	v0 =	vld [tilespmem:s10+$0x80]  }
0x1a5: {  	v1 =	vld [tilespmem:s10+$0x90]  }
0x1a6: {  	v43 =	vld [tilespmem:s10+$0xA0]  }
0x1a7: {  	v44 =	vld [tilespmem:s10+$0xB0]  }
0x1a8: {  	v45 =	vld [tilespmem:s10+$0xC0]  }
0x1a9: {  	v41 =	vld [tilespmem:s10+$0xD0]  }
0x1aa: {  	v42 =	vld [tilespmem:s10+$0xE0]  }
0x1ab: {  	v52 =	vld [tilespmem:s10+$0x0]  }
0x1ac: {  	v53 =	vld [tilespmem:s10+$0x10]  }
0x1ad: {  	v55 =	vld [tilespmem:s10+$0x20]  }
0x1ae: {  	v56 =	vld [tilespmem:s10+$0x30]  }
0x1af: {  	v57 =	vld [tilespmem:s10+$0x40]  }
0x1b0: {  	v46 =	vld [tilespmem:s10+$0x50]  }
0x1b1: {  	v47 =	vld [tilespmem:s10+$0x60]  }
0x1b2: {  	v51 =	vld [tilespmem:s10+$0xFFFFFF80]  }
0x1b3: {  	v54 =	vld [tilespmem:s10+$0xFFFFFF90]  }
0x1b4: {  	v58 =	vld [tilespmem:s10+$0xFFFFFFA0]  }
0x1b5: {  	v59 =	vld [tilespmem:s10+$0xFFFFFFB0]  }
0x1b6: {  	v60 =	vld [tilespmem:s10+$0xFFFFFFC0]  }
0x1b7: {  	v49 =	vld [tilespmem:s10+$0xFFFFFF00]  }
0x1b8: {  	v50 =	vld [tilespmem:s10+$0xFFFFFF10]  }
0x1b9: {  	v48 =	vld [tilespmem:s10+$0xFFFFFFD0]  }
0x1ba: {  	v61 =	vld [tilespmem:s10+$0xFFFFFF20]  }
0x1bb: {  	v63 =	vld [tilespmem:s10+$0xFFFFFF40]  }
0x1bc: {  	v62 =	vld [tilespmem:s10+$0xFFFFFF30]  }
0x1bd: {  	s8 =	sadd.s32 $0x4, s8;
	v37 =	vmax.f32 v37, v49;
	v49 =	vld [tilespmem:s10+$0xFFFFFFE0]  }
0x1be: {  	p1 =	slt.s32 s8, s9;
	v36 =	vmax.f32 v36, v50;
	v50 =	vld [tilespmem:s10+$0xFFFFFF50];
	v37 =	vmax.f32 v37, v51  }
.Ltmp10:
0x1bf: {  	v36 =	vmax.f32 v36, v54;
	v51 =	vld [tilespmem:s10+$0xFFFFFF60];
	v37 =	vmax.f32 v37, v52;
	(pc) =	sbr.rel @!p1 .LBB2_40-.Ltmp10, $4  }
0x1c0: {  	v38 =	vmax.f32 v38, v63;
	v36 =	vmax.f32 v36, v53;
	v52 =	vld [tilespmem:s10+$0xFFFFFF70];
	v37 =	vmax.f32 v37, v0  }
0x1c1: {  	v53 =	vld [tilespmem:s10+$0xFFFFFFF0];
	v36 =	vmax.f32 v36, v1;
	v0 =	vmax.f32 v40, v61;
	v1 =	vmax.f32 v39, v62  }
0x1c2: {  	v63 =	vmax.f32 v38, v60;
	v54 =	vld [tilespmem:s10+$0x70];
	v0 =	vmax.f32 v0, v58;
	v1 =	vmax.f32 v1, v59  }
0x1c3: {  	v38 =	vmax.f32 v0, v55;
	v39 =	vmax.f32 v1, v56;
	v56 =	vmax.f32 v63, v57;
	v55 =	vld [tilespmem:s10+$0xF0];
	s10 =	sadd.s32 $0x200, s10  }
.LBB2_39:
0x1c4: {  	v0 =	vld [tilespmem:s10+$0x80];
	v1 =	vmax.f32 v38, v43;
	v38 =	vmax.f32 v39, v44;
	v39 =	vmax.f32 v56, v45  }
0x1c5: {  	v35 =	vmax.f32 v35, v50;
	v34 =	vmax.f32 v34, v51;
	v40 =	vld [tilespmem:s10+$0x90];
	v33 =	vmax.f32 v33, v52  }
0x1c6: {  	v35 =	vmax.f32 v35, v48;
	v34 =	vmax.f32 v34, v49;
	v43 =	vld [tilespmem:s10+$0xA0];
	v33 =	vmax.f32 v33, v53  }
0x1c7: {  	v35 =	vmax.f32 v35, v46;
	v34 =	vmax.f32 v34, v47;
	v44 =	vld [tilespmem:s10+$0xB0];
	v33 =	vmax.f32 v33, v54  }
0x1c8: {  	v35 =	vmax.f32 v35, v41;
	v34 =	vmax.f32 v34, v42;
	v45 =	vld [tilespmem:s10+$0xC0];
	v33 =	vmax.f32 v33, v55  }
0x1c9: {  	v41 =	vld [tilespmem:s10+$0xD0]  }
0x1ca: {  	v42 =	vld [tilespmem:s10+$0xE0]  }
0x1cb: {  	v52 =	vld [tilespmem:s10+$0x0]  }
0x1cc: {  	v53 =	vld [tilespmem:s10+$0x10]  }
0x1cd: {  	v55 =	vld [tilespmem:s10+$0x20]  }
0x1ce: {  	v56 =	vld [tilespmem:s10+$0x30]  }
0x1cf: {  	v57 =	vld [tilespmem:s10+$0x40]  }
0x1d0: {  	v46 =	vld [tilespmem:s10+$0x50]  }
0x1d1: {  	v47 =	vld [tilespmem:s10+$0x60]  }
0x1d2: {  	v51 =	vld [tilespmem:s10+$0xFFFFFF80]  }
0x1d3: {  	v54 =	vld [tilespmem:s10+$0xFFFFFF90]  }
0x1d4: {  	v58 =	vld [tilespmem:s10+$0xFFFFFFA0]  }
0x1d5: {  	v59 =	vld [tilespmem:s10+$0xFFFFFFB0]  }
0x1d6: {  	v60 =	vld [tilespmem:s10+$0xFFFFFFC0]  }
0x1d7: {  	v49 =	vld [tilespmem:s10+$0xFFFFFF00]  }
0x1d8: {  	v50 =	vld [tilespmem:s10+$0xFFFFFF10]  }
0x1d9: {  	v48 =	vld [tilespmem:s10+$0xFFFFFFD0]  }
0x1da: {  	v61 =	vld [tilespmem:s10+$0xFFFFFF20]  }
0x1db: {  	v62 =	vld [tilespmem:s10+$0xFFFFFF30]  }
0x1dc: {  	v63 =	vld [tilespmem:s10+$0xFFFFFF40]  }
0x1dd: {  	s8 =	sadd.s32 $0x4, s8;
	v37 =	vmax.f32 v37, v49;
	v36 =	vmax.f32 v36, v50;
	v49 =	vld [tilespmem:s10+$0xFFFFFFE0]  }
0x1de: {  	p1 =	slt.s32 s8, s9;
	v37 =	vmax.f32 v37, v51;
	v50 =	vld [tilespmem:s10+$0xFFFFFF50];
	v36 =	vmax.f32 v36, v54  }
.Ltmp11:
0x1df: {  	v37 =	vmax.f32 v37, v52;
	v51 =	vld [tilespmem:s10+$0xFFFFFF60];
	v36 =	vmax.f32 v36, v53;
	(pc) =	sbr.rel @p1 .LBB2_39-.Ltmp11, $4  }
0x1e0: {  	v37 =	vmax.f32 v37, v0;
	v52 =	vld [tilespmem:s10+$0xFFFFFF70];
	v36 =	vmax.f32 v36, v40  }
0x1e1: {  	v0 =	vmax.f32 v1, v61;
	v1 =	vmax.f32 v38, v62;
	v38 =	vmax.f32 v39, v63;
	v53 =	vld [tilespmem:s10+$0xFFFFFFF0]  }
0x1e2: {  	v0 =	vmax.f32 v0, v58;
	v1 =	vmax.f32 v1, v59;
	v40 =	vmax.f32 v38, v60;
	v54 =	vld [tilespmem:s10+$0x70]  }
0x1e3: {  	v38 =	vmax.f32 v0, v55;
	v39 =	vmax.f32 v1, v56;
	v56 =	vmax.f32 v40, v57;
	v55 =	vld [tilespmem:s10+$0xF0];
	s10 =	sadd.s32 $0x200, s10  }
.LBB2_40:
0x1e4: {  	v40 =	vmax.f32 v38, v43;
	v39 =	vmax.f32 v39, v44;
	v38 =	vmax.f32 v56, v45  }
0x1e5: {  	v0 =	vmax.f32 v35, v50;
	v1 =	vmax.f32 v34, v51;
	v33 =	vmax.f32 v33, v52  }
0x1e6: {  	v0 =	vmax.f32 v0, v48;
	v1 =	vmax.f32 v1, v49;
	v33 =	vmax.f32 v33, v53  }
0x1e7: {  	v0 =	vmax.f32 v0, v46;
	v1 =	vmax.f32 v1, v47;
	v33 =	vmax.f32 v33, v54  }
0x1e8: {  	v35 =	vmax.f32 v0, v41;
	v34 =	vmax.f32 v1, v42;
	v33 =	vmax.f32 v33, v55  }
.LBB2_41:
0x1e9: {  	p1 =	sgt.s32 s9, $0xFF  }
.Ltmp12:
0x1ea: {  	_ = 	snop;
	(pc) =	sbr.rel @p1 .LBB2_44-.Ltmp12, $1  }
0x1eb: {  	_ =	sdelay $0x3  }
0x1ec: {  	s0 =	ssub.s32 s0, s2  }
0x1ed: {  	s2 =	sshll.u32 s0, $0x9  }
0x1ee: {  	s2 =	ssub.s32 $0x0, s2  }
0x1ef: {  	s2 =	sshra.s32 s2, $0x2  }
0x1f0: {  	s2 =	sadd.s32 $0x10000, s2  }
.LBB2_43:
0x1f1: {  	v0 =	vld [tilespmem:s2+$0x0]  }
0x1f2: {  	v1 =	vld [tilespmem:s2+$0x10]  }
0x1f3: {  	v41 =	vld [tilespmem:s2+$0x20]  }
0x1f4: {  	v42 =	vld [tilespmem:s2+$0x30]  }
0x1f5: {  	v43 =	vld [tilespmem:s2+$0x40]  }
0x1f6: {  	v44 =	vld [tilespmem:s2+$0x50]  }
0x1f7: {  	v45 =	vld [tilespmem:s2+$0x60]  }
0x1f8: {  	v46 =	vld [tilespmem:s2+$0x70];
	p1 =	sne.s32 s0, $0x1  }
.Ltmp13:
0x1f9: {  	_ = 	snop;
	(pc) =	sbr.rel @p1 .LBB2_43-.Ltmp13, $4  }
0x1fa: {  	_ = 	snop  }
0x1fb: {  	v37 =	vmax.f32 v37, v0;
	v36 =	vmax.f32 v36, v1  }
0x1fc: {  	v40 =	vmax.f32 v40, v41;
	v39 =	vmax.f32 v39, v42;
	v38 =	vmax.f32 v38, v43  }
0x1fd: {  	s2 =	sadd.s32 $0x80, s2;
	s0 =	sadd.s32 $0xFFFFFFFF, s0;
	v35 =	vmax.f32 v35, v44;
	v34 =	vmax.f32 v34, v45;
	v33 =	vmax.f32 v33, v46  }
.LBB2_44:
0x1fe: {  	p1 =	sgt.u32 s26, $0x4DF  }
0x1ff: {  	p2 =	seq.s32 @!p1 s28, $0x2  }
0x200: {  	p1 =	por p1, p2  }
.Ltmp14:
0x201: {  	_ = 	snop;
	(pc) =	sbr.rel @p1 .LBB2_46-.Ltmp14, $1  }
0x202: {  	_ =	sdelay $0x3  }
0x203: {  	v0 =	vld [tilespmem:$0x10280];
	_ =	sdelay $0x4  }
0x204: {  	(v2sf) =	vpush v0, $0xF;
	_ =	sdelay $0x8  }
0x205: {  	s26 =	sadd.s32 $0x2, s26  }
0x206: {  	s0 =	sshll.u32 s26, $0xC  }
.Ltmp15:
0x207: {  	s31 =	sshll.u32 s26, $0x5;
	s0 =	sadd.s32 s1, s0;
	(pc) =	sbr.rel .LBB2_2-.Ltmp15, $4  }
0x208: {  	[tilespmem:s6], [sflag:$0x1] =	stream.linear.gather [hbm4b:s0+s6], $0x8000, $0x38;
	[tilespmem:$0x10A00] =	vst v63  }
0x209: {  	s0 =	sadd.s32 s3, s31  }
0x20a: {  	[tilespmem:s14], [sflag:$0x1] =	stream.linear.gather [hbm4b:s0+s6], $0x100, $0x38;
	[tilespmem:$0x10A00] =	vst v63  }
0x20b: {  	s2 =	sadd.s32 $0x300, s29;
	s0 =	spop (v2sf)  }
.LBB2_11:
0x20c: {  	v0 =	vpsel p3, v33, v33  }
0x20d: {  	v1 =	vpsel p3, v34, v34;
	v35 =	vpsel p3, v35, v35;
	v38 =	vpsel p3, v38, v38  }
0x20e: {  	v39 =	vpsel p3, v39, v39;
	v40 =	vpsel p3, v40, v40;
	v36 =	vpsel p3, v36, v36  }
0x20f: {  	s9 =	simm.s32 $0x2;
	v37 =	vpsel p3, v37, v37;
	v33 =	vpsel !p2, $0xFF800000, v0;
	v34 =	vpsel !p2, $0xFF800000, v1  }
0x210: {  	s30 =	smov.u32 @p3 s30;
	s9 =	simm.s32 @p3 $0x2;
	v35 =	vpsel !p2, $0xFF800000, v35;
	v38 =	vpsel !p2, $0xFF800000, v38;
	v39 =	vpsel !p2, $0xFF800000, v39  }
0x211: {  	v40 =	vpsel !p2, $0xFF800000, v40;
	v36 =	vpsel !p2, $0xFF800000, v36;
	v37 =	vpsel !p2, $0xFF800000, v37;
	s8 =	smov.u32 @p2 s30;
	s9 =	simm.s32 @!p2 $0x1  }
.LBB2_15:
0x212: {  	p1 =	seq.s32 s28, $0x1;
	s10 =	simm.s32 $0x1;
	s31 =	sadd.s32 $0x1, s31  }
0x213: {  	s10 =	simm.s32 @!p1 $0x0;
	p1 =	slt.s32 s31, s2  }
.Ltmp16:
0x214: {  	_ = 	snop;
	(pc) =	sbr.rel @!p1 .LBB2_16-.Ltmp16, $3  }
0x215: {  	_ =	sdelay $0x1  }
0x216: {  	s28 =	smov.u32 s9  }
0x217: {  	s30 =	smov.u32 s8;
	s8 =	smov.u32 s0;
	s24 =	sadd.s32 s10, s24  }
.LBB2_3:
0x218: {  	v41 =	vld [tilespmem:s31+$0x10300];
	_ =	sdelay $0x4  }
0x219: {  	(v2sf) =	vpush v41, $0x0;
	_ =	sdelay $0xe  }
0x21a: {  	s0 =	spop (v2sf)  }
0x21b: {  	s10 =	ssub.s32 s0, s8  }
0x21c: {  	s9 =	sshra.s32 s10, $0x1F  }
0x21d: {  	s9 =	sshrl.u32 s9, $0x1E  }
0x21e: {  	s9 =	sadd.s32 s9, s10  }
0x21f: {  	s11 =	sand.u32 $0xFFFFFFFC, s9  }
0x220: {  	s9 =	sadd.s32 s8, s11  }
0x221: {  	p1 =	sge.s32 s8, s9  }
.Ltmp17:
0x222: {  	_ = 	snop;
	(pc) =	sbr.rel @p1 .LBB2_7-.Ltmp17, $1  }
0x223: {  	_ =	sdelay $0x3  }
0x224: {  	s12 =	sshll.u32 s8, $0x9  }
0x225: {  	s12 =	sshra.s32 s12, $0x2  }
0x226: {  	s12 =	sadd.s32 $0x100, s12  }
0x227: {  	v53 =	vld [tilespmem:s12+$0x80]  }
0x228: {  	v54 =	vld [tilespmem:s12+$0x90]  }
0x229: {  	v43 =	vld [tilespmem:s12+$0xA0]  }
0x22a: {  	v44 =	vld [tilespmem:s12+$0xB0]  }
0x22b: {  	v45 =	vld [tilespmem:s12+$0xC0]  }
0x22c: {  	v41 =	vld [tilespmem:s12+$0xD0]  }
0x22d: {  	v42 =	vld [tilespmem:s12+$0xE0]  }
0x22e: {  	v52 =	vld [tilespmem:s12+$0x0]  }
0x22f: {  	v55 =	vld [tilespmem:s12+$0x10]  }
0x230: {  	v56 =	vld [tilespmem:s12+$0x20]  }
0x231: {  	v57 =	vld [tilespmem:s12+$0x30]  }
0x232: {  	v58 =	vld [tilespmem:s12+$0x40]  }
0x233: {  	v46 =	vld [tilespmem:s12+$0x50]  }
0x234: {  	v47 =	vld [tilespmem:s12+$0x60]  }
0x235: {  	v51 =	vld [tilespmem:s12+$0xFFFFFF80]  }
0x236: {  	v59 =	vld [tilespmem:s12+$0xFFFFFF90]  }
0x237: {  	v60 =	vld [tilespmem:s12+$0xFFFFFFA0]  }
0x238: {  	v61 =	vld [tilespmem:s12+$0xFFFFFFB0]  }
0x239: {  	v62 =	vld [tilespmem:s12+$0xFFFFFFC0]  }
0x23a: {  	v49 =	vld [tilespmem:s12+$0xFFFFFF00]  }
0x23b: {  	v50 =	vld [tilespmem:s12+$0xFFFFFF10]  }
0x23c: {  	v63 =	vld [tilespmem:s12+$0xFFFFFF20]  }
0x23d: {  	v1 =	vld [tilespmem:s12+$0xFFFFFF30]  }
0x23e: {  	v0 =	vld [tilespmem:s12+$0xFFFFFF40]  }
0x23f: {  	v48 =	vld [tilespmem:s12+$0xFFFFFFD0]  }
0x240: {  	s8 =	sadd.s32 $0x4, s8;
	v37 =	vmax.f32 v37, v49;
	v49 =	vld [tilespmem:s12+$0xFFFFFFE0]  }
0x241: {  	p1 =	slt.s32 s8, s9;
	v36 =	vmax.f32 v36, v50;
	v50 =	vld [tilespmem:s12+$0xFFFFFF50]  }
.Ltmp18:
0x242: {  	v40 =	vmax.f32 v40, v63;
	v1 =	vmax.f32 v39, v1;
	v37 =	vmax.f32 v37, v51;
	v51 =	vld [tilespmem:s12+$0xFFFFFF60];
	(pc) =	sbr.rel @!p1 .LBB2_6-.Ltmp18, $4  }
0x243: {  	v0 =	vmax.f32 v38, v0;
	v36 =	vmax.f32 v36, v59;
	v37 =	vmax.f32 v37, v52;
	v52 =	vld [tilespmem:s12+$0xFFFFFF70]  }
0x244: {  	v63 =	vmax.f32 v40, v60;
	v36 =	vmax.f32 v36, v55;
	v37 =	vmax.f32 v37, v53;
	v53 =	vld [tilespmem:s12+$0xFFFFFFF0]  }
0x245: {  	v1 =	vmax.f32 v1, v61;
	v0 =	vmax.f32 v0, v62;
	v36 =	vmax.f32 v36, v54;
	v54 =	vld [tilespmem:s12+$0x70]  }
0x246: {  	s13 =	sadd.s32 $0x200, s12;
	v38 =	vmax.f32 v63, v56;
	v39 =	vmax.f32 v1, v57;
	v56 =	vmax.f32 v0, v58;
	v55 =	vld [tilespmem:s12+$0xF0]  }
.LBB2_5:
0x247: {  	v0 =	vld [tilespmem:s13+$0x80];
	v1 =	vmax.f32 v38, v43;
	v38 =	vmax.f32 v39, v44;
	v39 =	vmax.f32 v56, v45  }
0x248: {  	v35 =	vmax.f32 v35, v50;
	v34 =	vmax.f32 v34, v51;
	v40 =	vld [tilespmem:s13+$0x90];
	v33 =	vmax.f32 v33, v52  }
0x249: {  	v35 =	vmax.f32 v35, v48;
	v34 =	vmax.f32 v34, v49;
	v43 =	vld [tilespmem:s13+$0xA0];
	v33 =	vmax.f32 v33, v53  }
0x24a: {  	v35 =	vmax.f32 v35, v46;
	v34 =	vmax.f32 v34, v47;
	v44 =	vld [tilespmem:s13+$0xB0];
	v33 =	vmax.f32 v33, v54  }
0x24b: {  	v35 =	vmax.f32 v35, v41;
	v34 =	vmax.f32 v34, v42;
	v45 =	vld [tilespmem:s13+$0xC0];
	v33 =	vmax.f32 v33, v55  }
0x24c: {  	v41 =	vld [tilespmem:s13+$0xD0]  }
0x24d: {  	v42 =	vld [tilespmem:s13+$0xE0]  }
0x24e: {  	v52 =	vld [tilespmem:s13+$0x0]  }
0x24f: {  	v53 =	vld [tilespmem:s13+$0x10]  }
0x250: {  	v55 =	vld [tilespmem:s13+$0x20]  }
0x251: {  	v56 =	vld [tilespmem:s13+$0x30]  }
0x252: {  	v57 =	vld [tilespmem:s13+$0x40]  }
0x253: {  	v46 =	vld [tilespmem:s13+$0x50]  }
0x254: {  	v47 =	vld [tilespmem:s13+$0x60]  }
0x255: {  	v51 =	vld [tilespmem:s13+$0xFFFFFF80]  }
0x256: {  	v54 =	vld [tilespmem:s13+$0xFFFFFF90]  }
0x257: {  	v58 =	vld [tilespmem:s13+$0xFFFFFFA0]  }
0x258: {  	v59 =	vld [tilespmem:s13+$0xFFFFFFB0]  }
0x259: {  	v60 =	vld [tilespmem:s13+$0xFFFFFFC0]  }
0x25a: {  	v49 =	vld [tilespmem:s13+$0xFFFFFF00]  }
0x25b: {  	v50 =	vld [tilespmem:s13+$0xFFFFFF10]  }
0x25c: {  	v48 =	vld [tilespmem:s13+$0xFFFFFFD0]  }
0x25d: {  	v61 =	vld [tilespmem:s13+$0xFFFFFF20]  }
0x25e: {  	v62 =	vld [tilespmem:s13+$0xFFFFFF30]  }
0x25f: {  	v63 =	vld [tilespmem:s13+$0xFFFFFF40]  }
0x260: {  	s8 =	sadd.s32 $0x4, s8;
	v37 =	vmax.f32 v37, v49;
	v36 =	vmax.f32 v36, v50;
	v49 =	vld [tilespmem:s13+$0xFFFFFFE0]  }
0x261: {  	p1 =	slt.s32 s8, s9;
	v37 =	vmax.f32 v37, v51;
	v50 =	vld [tilespmem:s13+$0xFFFFFF50];
	v36 =	vmax.f32 v36, v54  }
.Ltmp19:
0x262: {  	v37 =	vmax.f32 v37, v52;
	v51 =	vld [tilespmem:s13+$0xFFFFFF60];
	v36 =	vmax.f32 v36, v53;
	(pc) =	sbr.rel @p1 .LBB2_5-.Ltmp19, $4  }
0x263: {  	v37 =	vmax.f32 v37, v0;
	v52 =	vld [tilespmem:s13+$0xFFFFFF70];
	v36 =	vmax.f32 v36, v40  }
0x264: {  	v0 =	vmax.f32 v1, v61;
	v1 =	vmax.f32 v38, v62;
	v38 =	vmax.f32 v39, v63;
	v53 =	vld [tilespmem:s13+$0xFFFFFFF0]  }
0x265: {  	v0 =	vmax.f32 v0, v58;
	v1 =	vmax.f32 v1, v59;
	v40 =	vmax.f32 v38, v60;
	v54 =	vld [tilespmem:s13+$0x70]  }
0x266: {  	v38 =	vmax.f32 v0, v55;
	v39 =	vmax.f32 v1, v56;
	v56 =	vmax.f32 v40, v57;
	v55 =	vld [tilespmem:s13+$0xF0];
	s13 =	sadd.s32 $0x200, s13  }
.LBB2_6:
0x267: {  	v40 =	vmax.f32 v38, v43;
	v39 =	vmax.f32 v39, v44;
	v38 =	vmax.f32 v56, v45  }
0x268: {  	v0 =	vmax.f32 v35, v50;
	v1 =	vmax.f32 v34, v51;
	v33 =	vmax.f32 v33, v52  }
0x269: {  	v0 =	vmax.f32 v0, v48;
	v1 =	vmax.f32 v1, v49;
	v33 =	vmax.f32 v33, v53  }
0x26a: {  	v0 =	vmax.f32 v0, v46;
	v1 =	vmax.f32 v1, v47;
	v33 =	vmax.f32 v33, v54  }
0x26b: {  	v35 =	vmax.f32 v0, v41;
	v34 =	vmax.f32 v1, v42;
	v33 =	vmax.f32 v33, v55  }
.LBB2_7:
0x26c: {  	p1 =	sge.s32 s9, s0  }
.Ltmp20:
0x26d: {  	_ = 	snop;
	(pc) =	sbr.rel @p1 .LBB2_10-.Ltmp20, $1  }
0x26e: {  	_ =	sdelay $0x3  }
0x26f: {  	s8 =	ssub.s32 s10, s11  }
0x270: {  	s9 =	sshll.u32 s0, $0x9;
	s10 =	sshll.u32 s8, $0x9  }
0x271: {  	s9 =	ssub.s32 s9, s10  }
0x272: {  	s9 =	sshra.s32 s9, $0x2  }
0x273: {  	s9 =	sor.u32 $0x40, s9  }
.LBB2_9:
0x274: {  	v0 =	vld [tilespmem:s9+$0xFFFFFFC0]  }
0x275: {  	v1 =	vld [tilespmem:s9+$0xFFFFFFD0]  }
0x276: {  	v41 =	vld [tilespmem:s9+$0xFFFFFFE0]  }
0x277: {  	v42 =	vld [tilespmem:s9+$0xFFFFFFF0]  }
0x278: {  	v43 =	vld [tilespmem:s9+$0x0]  }
0x279: {  	v44 =	vld [tilespmem:s9+$0x10]  }
0x27a: {  	v45 =	vld [tilespmem:s9+$0x20]  }
0x27b: {  	v46 =	vld [tilespmem:s9+$0x30];
	p1 =	sne.s32 s8, $0x1  }
.Ltmp21:
0x27c: {  	_ = 	snop;
	(pc) =	sbr.rel @p1 .LBB2_9-.Ltmp21, $4  }
0x27d: {  	_ = 	snop  }
0x27e: {  	v37 =	vmax.f32 v37, v0;
	v36 =	vmax.f32 v36, v1  }
0x27f: {  	v40 =	vmax.f32 v40, v41;
	v39 =	vmax.f32 v39, v42;
	v38 =	vmax.f32 v38, v43  }
0x280: {  	s9 =	sadd.s32 $0x80, s9;
	s8 =	sadd.s32 $0xFFFFFFFF, s8;
	v35 =	vmax.f32 v35, v44;
	v34 =	vmax.f32 v34, v45;
	v33 =	vmax.f32 v33, v46  }
.LBB2_10:
0x281: {  	v0 =	vld [tilespmem:s0+$0x10010];
	_ =	sdelay $0x4  }
0x282: {  	(v2sf) =	vpush v0, $0x0;
	_ =	sdelay $0x1  }
0x283: {  	p1 =	sne.s32 s28, $0x1  }
0x284: {  	s8 =	sand.u32 @!p1 $0x7, s24  }
0x285: {  	s9 =	sshll.u32 @!p1 s8, $0x7  }
0x286: {  	[tilespmem:s9+$0x10500] =	vst @!p1 v37  }
0x287: {  	[tilespmem:s9+$0x10510] =	vst @!p1 v36  }
0x288: {  	[tilespmem:s9+$0x10520] =	vst @!p1 v40  }
0x289: {  	[tilespmem:s9+$0x10530] =	vst @!p1 v39  }
0x28a: {  	[tilespmem:s9+$0x10540] =	vst @!p1 v38  }
0x28b: {  	s10 =	sshll.u32 @!p1 s30, $0x4;
	[tilespmem:s9+$0x10550] =	vst @!p1 v35  }
0x28c: {  	s10 =	sand.u32 @!p1 $0x1FFFFFF0, s10;
	p2 =	sne.s32 @!p1 s8, $0x7;
	[tilespmem:s9+$0x10560] =	vst @!p1 v34  }
0x28d: {  	s11 =	sadd.s32 @!p1 $0x10500, s9;
	[tilespmem:s9+$0x10570] =	vst @!p1 v33;
	s9 =	sadd.s32 @!p1 s4, s10;
	s10 =	simm.s32 @!p1 $0x0  }
0x28e: {  	[hbm4b:s9+s10] =	stream.linear.scatter @!p1 [tilespmem:s11], [sflag:$0x3], $0x80, $0x38;
	[tilespmem:$0x10A00] =	vst v63  }
0x28f: {  	p1 =	por p2, p1  }
0x290: {  	s10 =	simm.s32 @!p1 $0x3;
	s8 =	spop (v2sf)  }
0x291: {  	_ =	swait.ge @!p1 [sflag:s10], $0x80  }
0x292: {  	[sflag:s10] =	ssyncset.done @!p1 $0x0  }
0x293: {  	[sflag:s10] =	ssyncadd.s32 @!p1 $0xFFFFFF80  }
0x294: {  	_ =	swait.ge @!p1 [sflag:s10], $0x80  }
0x295: {  	[sflag:s10] =	ssyncset.done @!p1 $0x0  }
0x296: {  	[sflag:s10] =	ssyncadd.s32 @!p1 $0xFFFFFF80  }
0x297: {  	_ =	swait.ge @!p1 [sflag:s10], $0x80  }
0x298: {  	[sflag:s10] =	ssyncset.done @!p1 $0x0  }
0x299: {  	[sflag:s10] =	ssyncadd.s32 @!p1 $0xFFFFFF80  }
0x29a: {  	_ =	swait.ge @!p1 [sflag:s10], $0x80  }
0x29b: {  	p3 =	seq.s32 s28, $0x2;
	s9 =	sadd.s32 s29, s0;
	[sflag:s10] =	ssyncset.done @!p1 $0x0  }
0x29c: {  	p2 =	sge.s32 @!p3 s9, s7;
	[sflag:s10] =	ssyncadd.s32 @!p1 $0xFFFFFF80  }
0x29d: {  	p2 =	por p3, p2;
	_ =	swait.ge @!p1 [sflag:s10], $0x80  }
0x29e: {  	p4 =	seq.s32 @!p2 s28, $0x1;
	[sflag:s10] =	ssyncset.done @!p1 $0x0  }
0x29f: {  	s9 =	smov.u32 s30;
	p4 =	por !p4, p2;
	[sflag:s10] =	ssyncadd.s32 @!p1 $0xFFFFFF80  }
0x2a0: {  	s9 =	smov.u32 @p4 s25;
	_ =	swait.ge @!p1 [sflag:s10], $0x80  }
0x2a1: {  	s11 =	sadd.s32 @!p2 $0x1, s9;
	[sflag:s10] =	ssyncset.done @!p1 $0x0  }
0x2a2: {  	p4 =	sge.s32 @!p2 s11, s8;
	[sflag:s10] =	ssyncadd.s32 @!p1 $0xFFFFFF80  }
0x2a3: {  	p4 =	por p2, p4;
	_ =	swait.ge @!p1 [sflag:s10], $0x80  }
.Ltmp22:
0x2a4: {  	[sflag:s10] =	ssyncset.done @!p1 $0x0;
	(pc) =	sbr.rel @p4 .LBB2_11-.Ltmp22, $4  }
0x2a5: {  	[sflag:s10] =	ssyncadd.s32 @!p1 $0xFFFFFF80  }
0x2a6: {  	_ =	swait.ge @!p1 [sflag:s10], $0x80  }
0x2a7: {  	[sflag:s10] =	ssyncset.done @!p1 $0x0  }
0x2a8: {  	[sflag:s10] =	ssyncadd.s32 @!p1 $0xFFFFFF80  }
0x2a9: {  	s30 =	sxor.u32 $0xFFFFFFFF, s9  }
0x2aa: {  	s10 =	sshll.u32 s9, $0x4;
	s9 =	sadd.s32 s8, s30  }
0x2ab: {  	p1 =	sne.s32 s9, $0x1  }
.Ltmp23:
0x2ac: {  	s10 =	sadd.s32 $0x10, s10;
	(pc) =	sbr.rel @!p1 .LBB2_14-.Ltmp23, $4  }
0x2ad: {  	s11 =	sand.u32 $0x1FFFFFF0, s10  }
0x2ae: {  	s11 =	sadd.s32 s4, s11  }
0x2af: {  	[hbm4b:s11+s6] =	stream.linear.scatter [tilespmem:s20], [sflag:$0x4], $0x80, $0x38;
	[tilespmem:$0x10A00] =	vst v63  }
0x2b0: {  	s9 =	sadd.s32 $0xFFFFFFFF, s9;
	s10 =	sadd.s32 $0x10, s10;
	_ =	swait.ge [sflag:s21], $0x80  }
.LBB2_13:
0x2b1: {  	s11 =	sand.u32 $0x1FFFFFF0, s10;
	[sflag:s21] =	ssyncset.done $0x0;
	p1 =	sne.s32 s9, $0x1  }
.Ltmp24:
0x2b2: {  	s11 =	sadd.s32 s4, s11;
	[sflag:s21] =	ssyncadd.s32 $0xFFFFFF80;
	(pc) =	sbr.rel @p1 .LBB2_13-.Ltmp24, $3  }
0x2b3: {  	[hbm4b:s11+s6] =	stream.linear.scatter [tilespmem:s20], [sflag:$0x4], $0x80, $0x38;
	[tilespmem:$0x10A00] =	vst v63  }
0x2b4: {  	s9 =	sadd.s32 $0xFFFFFFFF, s9;
	_ =	sdelay $0x1  }
0x2b5: {  	s10 =	sadd.s32 $0x10, s10;
	_ =	swait.ge [sflag:s21], $0x80  }
.LBB2_14:
.Ltmp25:
0x2b6: {  	(pc) =	sbr.rel .LBB2_15-.Ltmp25, $4  }
0x2b7: {  	_ = 	snop  }
0x2b8: {  	v33 =	vimm.f32 $-Inf;
	v34 =	vimm.f32 $-Inf  }
0x2b9: {  	[sflag:s21] =	ssyncset.done $0x0;
	v35 =	vimm.f32 $-Inf;
	v38 =	vimm.f32 $-Inf;
	v39 =	vimm.f32 $-Inf  }
0x2ba: {  	s9 =	simm.s32 $0x1;
	v40 =	vimm.f32 $-Inf;
	v36 =	vimm.f32 $-Inf;
	v37 =	vimm.f32 $-Inf;
	[sflag:s21] =	ssyncadd.s32 $0xFFFFFF80  }
.LBB2_32:
0x2bb: {  	v0 =	vpsel p3, v33, v33  }
0x2bc: {  	v1 =	vpsel p3, v34, v34;
	v35 =	vpsel p3, v35, v35;
	v38 =	vpsel p3, v38, v38  }
0x2bd: {  	v39 =	vpsel p3, v39, v39;
	v40 =	vpsel p3, v40, v40;
	v36 =	vpsel p3, v36, v36  }
0x2be: {  	v37 =	vpsel p3, v37, v37;
	v33 =	vpsel !p2, $0xFF800000, v0;
	v34 =	vpsel !p2, $0xFF800000, v1  }
0x2bf: {  	s30 =	smov.u32 @p3 s30;
	v35 =	vpsel !p2, $0xFF800000, v35;
	v38 =	vpsel !p2, $0xFF800000, v38;
	v39 =	vpsel !p2, $0xFF800000, v39  }
0x2c0: {  	v40 =	vpsel !p2, $0xFF800000, v40;
	v36 =	vpsel !p2, $0xFF800000, v36;
	v37 =	vpsel !p2, $0xFF800000, v37;
	s8 =	smov.u32 @p2 s30  }
.LBB2_36:
0x2c1: {  	p2 =	seq.s32 s28, $0x1  }
0x2c2: {  	p3 =	slt.s32 s9, s7;
	s9 =	simm.s32 $0x1;
	s0 =	sadd.s32 $0x1, s0  }
0x2c3: {  	s9 =	simm.s32 @!p2 $0x0;
	p2 =	slt.s32 s0, s2  }
.Ltmp26:
0x2c4: {  	_ = 	snop;
	(pc) =	sbr.rel @!p2 .LBB2_37-.Ltmp26, $4  }
0x2c5: {  	_ = 	snop  }
0x2c6: {  	p1 =	sne.s32 s28, $0x2;
	s28 =	simm.s32 $0x1  }
0x2c7: {  	s30 =	smov.u32 s8;
	s28 =	simm.s32 @!p3 $0x2  }
0x2c8: {  	s8 =	smov.u32 s10;
	s28 =	simm.s32 @!p1 $0x2;
	s24 =	sadd.s32 s9, s24  }
.LBB2_24:
0x2c9: {  	v0 =	vld [tilespmem:s0+$0x10300];
	_ =	sdelay $0x4  }
0x2ca: {  	(v2sf) =	vpush v0, $0x0;
	_ =	sdelay $0xe  }
0x2cb: {  	s10 =	spop (v2sf)  }
0x2cc: {  	s11 =	ssub.s32 s10, s8  }
0x2cd: {  	s9 =	sshra.s32 s11, $0x1F  }
0x2ce: {  	s9 =	sshrl.u32 s9, $0x1E  }
0x2cf: {  	s9 =	sadd.s32 s9, s11  }
0x2d0: {  	s9 =	sand.u32 $0xFFFFFFFC, s9  }
0x2d1: {  	s13 =	sadd.s32 s8, s9  }
0x2d2: {  	p1 =	sge.s32 s8, s13  }
.Ltmp27:
0x2d3: {  	_ = 	snop;
	(pc) =	sbr.rel @p1 .LBB2_28-.Ltmp27, $1  }
0x2d4: {  	_ =	sdelay $0x3  }
0x2d5: {  	s12 =	sshll.u32 s8, $0x9  }
0x2d6: {  	s12 =	sshra.s32 s12, $0x2  }
0x2d7: {  	s12 =	sadd.s32 $0x8100, s12  }
0x2d8: {  	v0 =	vld [tilespmem:s12+$0x80]  }
0x2d9: {  	v1 =	vld [tilespmem:s12+$0x90]  }
0x2da: {  	v43 =	vld [tilespmem:s12+$0xA0]  }
0x2db: {  	v44 =	vld [tilespmem:s12+$0xB0]  }
0x2dc: {  	v45 =	vld [tilespmem:s12+$0xC0]  }
0x2dd: {  	v41 =	vld [tilespmem:s12+$0xD0]  }
0x2de: {  	v42 =	vld [tilespmem:s12+$0xE0]  }
0x2df: {  	v52 =	vld [tilespmem:s12+$0x0]  }
0x2e0: {  	v53 =	vld [tilespmem:s12+$0x10]  }
0x2e1: {  	v55 =	vld [tilespmem:s12+$0x20]  }
0x2e2: {  	v56 =	vld [tilespmem:s12+$0x30]  }
0x2e3: {  	v57 =	vld [tilespmem:s12+$0x40]  }
0x2e4: {  	v46 =	vld [tilespmem:s12+$0x50]  }
0x2e5: {  	v47 =	vld [tilespmem:s12+$0x60]  }
0x2e6: {  	v51 =	vld [tilespmem:s12+$0xFFFFFF80]  }
0x2e7: {  	v54 =	vld [tilespmem:s12+$0xFFFFFF90]  }
0x2e8: {  	v58 =	vld [tilespmem:s12+$0xFFFFFFA0]  }
0x2e9: {  	v59 =	vld [tilespmem:s12+$0xFFFFFFB0]  }
0x2ea: {  	v60 =	vld [tilespmem:s12+$0xFFFFFFC0]  }
0x2eb: {  	v49 =	vld [tilespmem:s12+$0xFFFFFF00]  }
0x2ec: {  	v50 =	vld [tilespmem:s12+$0xFFFFFF10]  }
0x2ed: {  	v48 =	vld [tilespmem:s12+$0xFFFFFFD0]  }
0x2ee: {  	v61 =	vld [tilespmem:s12+$0xFFFFFF20]  }
0x2ef: {  	v63 =	vld [tilespmem:s12+$0xFFFFFF40]  }
0x2f0: {  	v62 =	vld [tilespmem:s12+$0xFFFFFF30]  }
0x2f1: {  	s8 =	sadd.s32 $0x4, s8;
	v37 =	vmax.f32 v37, v49;
	v49 =	vld [tilespmem:s12+$0xFFFFFFE0]  }
0x2f2: {  	p1 =	slt.s32 s8, s13;
	v36 =	vmax.f32 v36, v50;
	v50 =	vld [tilespmem:s12+$0xFFFFFF50];
	v37 =	vmax.f32 v37, v51  }
.Ltmp28:
0x2f3: {  	v36 =	vmax.f32 v36, v54;
	v51 =	vld [tilespmem:s12+$0xFFFFFF60];
	v37 =	vmax.f32 v37, v52;
	(pc) =	sbr.rel @!p1 .LBB2_27-.Ltmp28, $4  }
0x2f4: {  	v38 =	vmax.f32 v38, v63;
	v36 =	vmax.f32 v36, v53;
	v52 =	vld [tilespmem:s12+$0xFFFFFF70];
	v37 =	vmax.f32 v37, v0  }
0x2f5: {  	v53 =	vld [tilespmem:s12+$0xFFFFFFF0];
	v36 =	vmax.f32 v36, v1;
	v0 =	vmax.f32 v40, v61;
	v1 =	vmax.f32 v39, v62  }
0x2f6: {  	v63 =	vmax.f32 v38, v60;
	v54 =	vld [tilespmem:s12+$0x70];
	v0 =	vmax.f32 v0, v58;
	v1 =	vmax.f32 v1, v59  }
0x2f7: {  	v38 =	vmax.f32 v0, v55;
	v39 =	vmax.f32 v1, v56;
	v56 =	vmax.f32 v63, v57;
	v55 =	vld [tilespmem:s12+$0xF0];
	s12 =	sadd.s32 $0x200, s12  }
.LBB2_26:
0x2f8: {  	v0 =	vld [tilespmem:s12+$0x80];
	v1 =	vmax.f32 v38, v43;
	v38 =	vmax.f32 v39, v44;
	v39 =	vmax.f32 v56, v45  }
0x2f9: {  	v35 =	vmax.f32 v35, v50;
	v34 =	vmax.f32 v34, v51;
	v40 =	vld [tilespmem:s12+$0x90];
	v33 =	vmax.f32 v33, v52  }
0x2fa: {  	v35 =	vmax.f32 v35, v48;
	v34 =	vmax.f32 v34, v49;
	v43 =	vld [tilespmem:s12+$0xA0];
	v33 =	vmax.f32 v33, v53  }
0x2fb: {  	v35 =	vmax.f32 v35, v46;
	v34 =	vmax.f32 v34, v47;
	v44 =	vld [tilespmem:s12+$0xB0];
	v33 =	vmax.f32 v33, v54  }
0x2fc: {  	v35 =	vmax.f32 v35, v41;
	v34 =	vmax.f32 v34, v42;
	v45 =	vld [tilespmem:s12+$0xC0];
	v33 =	vmax.f32 v33, v55  }
0x2fd: {  	v41 =	vld [tilespmem:s12+$0xD0]  }
0x2fe: {  	v42 =	vld [tilespmem:s12+$0xE0]  }
0x2ff: {  	v52 =	vld [tilespmem:s12+$0x0]  }
0x300: {  	v53 =	vld [tilespmem:s12+$0x10]  }
0x301: {  	v55 =	vld [tilespmem:s12+$0x20]  }
0x302: {  	v56 =	vld [tilespmem:s12+$0x30]  }
0x303: {  	v57 =	vld [tilespmem:s12+$0x40]  }
0x304: {  	v46 =	vld [tilespmem:s12+$0x50]  }
0x305: {  	v47 =	vld [tilespmem:s12+$0x60]  }
0x306: {  	v51 =	vld [tilespmem:s12+$0xFFFFFF80]  }
0x307: {  	v54 =	vld [tilespmem:s12+$0xFFFFFF90]  }
0x308: {  	v58 =	vld [tilespmem:s12+$0xFFFFFFA0]  }
0x309: {  	v59 =	vld [tilespmem:s12+$0xFFFFFFB0]  }
0x30a: {  	v60 =	vld [tilespmem:s12+$0xFFFFFFC0]  }
0x30b: {  	v49 =	vld [tilespmem:s12+$0xFFFFFF00]  }
0x30c: {  	v50 =	vld [tilespmem:s12+$0xFFFFFF10]  }
0x30d: {  	v48 =	vld [tilespmem:s12+$0xFFFFFFD0]  }
0x30e: {  	v61 =	vld [tilespmem:s12+$0xFFFFFF20]  }
0x30f: {  	v62 =	vld [tilespmem:s12+$0xFFFFFF30]  }
0x310: {  	v63 =	vld [tilespmem:s12+$0xFFFFFF40]  }
0x311: {  	s8 =	sadd.s32 $0x4, s8;
	v37 =	vmax.f32 v37, v49;
	v36 =	vmax.f32 v36, v50;
	v49 =	vld [tilespmem:s12+$0xFFFFFFE0]  }
0x312: {  	p1 =	slt.s32 s8, s13;
	v37 =	vmax.f32 v37, v51;
	v50 =	vld [tilespmem:s12+$0xFFFFFF50];
	v36 =	vmax.f32 v36, v54  }
.Ltmp29:
0x313: {  	v37 =	vmax.f32 v37, v52;
	v51 =	vld [tilespmem:s12+$0xFFFFFF60];
	v36 =	vmax.f32 v36, v53;
	(pc) =	sbr.rel @p1 .LBB2_26-.Ltmp29, $4  }
0x314: {  	v37 =	vmax.f32 v37, v0;
	v52 =	vld [tilespmem:s12+$0xFFFFFF70];
	v36 =	vmax.f32 v36, v40  }
0x315: {  	v0 =	vmax.f32 v1, v61;
	v1 =	vmax.f32 v38, v62;
	v38 =	vmax.f32 v39, v63;
	v53 =	vld [tilespmem:s12+$0xFFFFFFF0]  }
0x316: {  	v0 =	vmax.f32 v0, v58;
	v1 =	vmax.f32 v1, v59;
	v40 =	vmax.f32 v38, v60;
	v54 =	vld [tilespmem:s12+$0x70]  }
0x317: {  	v38 =	vmax.f32 v0, v55;
	v39 =	vmax.f32 v1, v56;
	v56 =	vmax.f32 v40, v57;
	v55 =	vld [tilespmem:s12+$0xF0];
	s12 =	sadd.s32 $0x200, s12  }
.LBB2_27:
0x318: {  	v40 =	vmax.f32 v38, v43;
	v39 =	vmax.f32 v39, v44;
	v38 =	vmax.f32 v56, v45  }
0x319: {  	v0 =	vmax.f32 v35, v50;
	v1 =	vmax.f32 v34, v51;
	v33 =	vmax.f32 v33, v52  }
0x31a: {  	v0 =	vmax.f32 v0, v48;
	v1 =	vmax.f32 v1, v49;
	v33 =	vmax.f32 v33, v53  }
0x31b: {  	v0 =	vmax.f32 v0, v46;
	v1 =	vmax.f32 v1, v47;
	v33 =	vmax.f32 v33, v54  }
0x31c: {  	v35 =	vmax.f32 v0, v41;
	v34 =	vmax.f32 v1, v42;
	v33 =	vmax.f32 v33, v55  }
.LBB2_28:
0x31d: {  	p1 =	sge.s32 s13, s10  }
.Ltmp30:
0x31e: {  	_ = 	snop;
	(pc) =	sbr.rel @p1 .LBB2_31-.Ltmp30, $1  }
0x31f: {  	_ =	sdelay $0x3  }
0x320: {  	s8 =	ssub.s32 s11, s9  }
0x321: {  	s13 =	sshll.u32 s10, $0x9;
	s11 =	sshll.u32 s8, $0x9  }
0x322: {  	s9 =	ssub.s32 s13, s11  }
0x323: {  	s9 =	sshra.s32 s9, $0x2  }
0x324: {  	s9 =	sadd.s32 $0x8040, s9  }
.LBB2_30:
0x325: {  	v0 =	vld [tilespmem:s9+$0xFFFFFFC0]  }
0x326: {  	v1 =	vld [tilespmem:s9+$0xFFFFFFD0]  }
0x327: {  	v41 =	vld [tilespmem:s9+$0xFFFFFFE0]  }
0x328: {  	v42 =	vld [tilespmem:s9+$0xFFFFFFF0]  }
0x329: {  	v43 =	vld [tilespmem:s9+$0x0]  }
0x32a: {  	v44 =	vld [tilespmem:s9+$0x10]  }
0x32b: {  	v45 =	vld [tilespmem:s9+$0x20]  }
0x32c: {  	v46 =	vld [tilespmem:s9+$0x30];
	p1 =	sne.s32 s8, $0x1  }
.Ltmp31:
0x32d: {  	_ = 	snop;
	(pc) =	sbr.rel @p1 .LBB2_30-.Ltmp31, $4  }
0x32e: {  	_ = 	snop  }
0x32f: {  	v37 =	vmax.f32 v37, v0;
	v36 =	vmax.f32 v36, v1  }
0x330: {  	v40 =	vmax.f32 v40, v41;
	v39 =	vmax.f32 v39, v42;
	v38 =	vmax.f32 v38, v43  }
0x331: {  	s9 =	sadd.s32 $0x80, s9;
	s8 =	sadd.s32 $0xFFFFFFFF, s8;
	v35 =	vmax.f32 v35, v44;
	v34 =	vmax.f32 v34, v45;
	v33 =	vmax.f32 v33, v46  }
.LBB2_31:
0x332: {  	v0 =	vld [tilespmem:s10+$0x10190];
	_ =	sdelay $0x4  }
0x333: {  	(v2sf) =	vpush v0, $0x0;
	_ =	sdelay $0x1  }
0x334: {  	p1 =	sne.s32 s28, $0x1  }
0x335: {  	s8 =	sand.u32 @!p1 $0x7, s24  }
0x336: {  	s9 =	sshll.u32 @!p1 s8, $0x7  }
0x337: {  	[tilespmem:s9+$0x10500] =	vst @!p1 v37  }
0x338: {  	[tilespmem:s9+$0x10510] =	vst @!p1 v36  }
0x339: {  	[tilespmem:s9+$0x10520] =	vst @!p1 v40  }
0x33a: {  	[tilespmem:s9+$0x10530] =	vst @!p1 v39  }
0x33b: {  	[tilespmem:s9+$0x10540] =	vst @!p1 v38  }
0x33c: {  	s11 =	sshll.u32 @!p1 s30, $0x4;
	[tilespmem:s9+$0x10550] =	vst @!p1 v35  }
0x33d: {  	s11 =	sand.u32 @!p1 $0x1FFFFFF0, s11;
	p2 =	sne.s32 @!p1 s8, $0x7;
	[tilespmem:s9+$0x10560] =	vst @!p1 v34  }
0x33e: {  	s12 =	sadd.s32 @!p1 $0x10500, s9;
	[tilespmem:s9+$0x10570] =	vst @!p1 v33;
	s9 =	sadd.s32 @!p1 s4, s11;
	s11 =	simm.s32 @!p1 $0x0  }
0x33f: {  	[hbm4b:s9+s11] =	stream.linear.scatter @!p1 [tilespmem:s12], [sflag:$0x3], $0x80, $0x38;
	[tilespmem:$0x10A00] =	vst v63  }
0x340: {  	p1 =	por p2, p1  }
0x341: {  	s12 =	simm.s32 @!p1 $0x3;
	s8 =	spop (v2sf)  }
0x342: {  	_ =	swait.ge @!p1 [sflag:s12], $0x80  }
0x343: {  	[sflag:s12] =	ssyncset.done @!p1 $0x0  }
0x344: {  	[sflag:s12] =	ssyncadd.s32 @!p1 $0xFFFFFF80  }
0x345: {  	_ =	swait.ge @!p1 [sflag:s12], $0x80  }
0x346: {  	[sflag:s12] =	ssyncset.done @!p1 $0x0  }
0x347: {  	[sflag:s12] =	ssyncadd.s32 @!p1 $0xFFFFFF80  }
0x348: {  	_ =	swait.ge @!p1 [sflag:s12], $0x80  }
0x349: {  	[sflag:s12] =	ssyncset.done @!p1 $0x0  }
0x34a: {  	[sflag:s12] =	ssyncadd.s32 @!p1 $0xFFFFFF80  }
0x34b: {  	_ =	swait.ge @!p1 [sflag:s12], $0x80  }
0x34c: {  	p3 =	seq.s32 s28, $0x2;
	s9 =	sadd.s32 s31, s10;
	[sflag:s12] =	ssyncset.done @!p1 $0x0  }
0x34d: {  	p2 =	sge.s32 @!p3 s9, s7;
	[sflag:s12] =	ssyncadd.s32 @!p1 $0xFFFFFF80  }
0x34e: {  	p2 =	por p3, p2;
	_ =	swait.ge @!p1 [sflag:s12], $0x80  }
0x34f: {  	p4 =	seq.s32 @!p2 s28, $0x1;
	[sflag:s12] =	ssyncset.done @!p1 $0x0  }
0x350: {  	s11 =	smov.u32 s30;
	p4 =	por !p4, p2;
	[sflag:s12] =	ssyncadd.s32 @!p1 $0xFFFFFF80  }
0x351: {  	s11 =	smov.u32 @p4 s25;
	_ =	swait.ge @!p1 [sflag:s12], $0x80  }
0x352: {  	s13 =	sadd.s32 @!p2 $0x1, s11;
	[sflag:s12] =	ssyncset.done @!p1 $0x0  }
0x353: {  	p4 =	sge.s32 @!p2 s13, s8;
	[sflag:s12] =	ssyncadd.s32 @!p1 $0xFFFFFF80  }
0x354: {  	p4 =	por p2, p4;
	_ =	swait.ge @!p1 [sflag:s12], $0x80  }
.Ltmp32:
0x355: {  	[sflag:s12] =	ssyncset.done @!p1 $0x0;
	(pc) =	sbr.rel @p4 .LBB2_32-.Ltmp32, $4  }
0x356: {  	[sflag:s12] =	ssyncadd.s32 @!p1 $0xFFFFFF80  }
0x357: {  	_ =	swait.ge @!p1 [sflag:s12], $0x80  }
0x358: {  	[sflag:s12] =	ssyncset.done @!p1 $0x0  }
0x359: {  	[sflag:s12] =	ssyncadd.s32 @!p1 $0xFFFFFF80  }
0x35a: {  	s30 =	sxor.u32 $0xFFFFFFFF, s11  }
0x35b: {  	s12 =	sshll.u32 s11, $0x4;
	s11 =	sadd.s32 s8, s30  }
0x35c: {  	p1 =	sne.s32 s11, $0x1  }
.Ltmp33:
0x35d: {  	s12 =	sadd.s32 $0x10, s12;
	(pc) =	sbr.rel @!p1 .LBB2_35-.Ltmp33, $4  }
0x35e: {  	s13 =	sand.u32 $0x1FFFFFF0, s12  }
0x35f: {  	s13 =	sadd.s32 s4, s13  }
0x360: {  	[hbm4b:s13+s6] =	stream.linear.scatter [tilespmem:s20], [sflag:$0x4], $0x80, $0x38;
	[tilespmem:$0x10A00] =	vst v63  }
0x361: {  	s11 =	sadd.s32 $0xFFFFFFFF, s11;
	s12 =	sadd.s32 $0x10, s12;
	_ =	swait.ge [sflag:s21], $0x80  }
.LBB2_34:
0x362: {  	s13 =	sand.u32 $0x1FFFFFF0, s12;
	[sflag:s21] =	ssyncset.done $0x0;
	p1 =	sne.s32 s11, $0x1  }
.Ltmp34:
0x363: {  	s13 =	sadd.s32 s4, s13;
	[sflag:s21] =	ssyncadd.s32 $0xFFFFFF80;
	(pc) =	sbr.rel @p1 .LBB2_34-.Ltmp34, $3  }
0x364: {  	[hbm4b:s13+s6] =	stream.linear.scatter [tilespmem:s20], [sflag:$0x4], $0x80, $0x38;
	[tilespmem:$0x10A00] =	vst v63  }
0x365: {  	s11 =	sadd.s32 $0xFFFFFFFF, s11;
	_ =	sdelay $0x1  }
0x366: {  	s12 =	sadd.s32 $0x10, s12;
	_ =	swait.ge [sflag:s21], $0x80  }
.LBB2_35:
.Ltmp35:
0x367: {  	(pc) =	sbr.rel .LBB2_36-.Ltmp35, $4  }
0x368: {  	_ = 	snop  }
0x369: {  	v33 =	vimm.f32 $-Inf;
	v34 =	vimm.f32 $-Inf  }
0x36a: {  	[sflag:s21] =	ssyncset.done $0x0;
	v35 =	vimm.f32 $-Inf;
	v38 =	vimm.f32 $-Inf;
	v39 =	vimm.f32 $-Inf  }
0x36b: {  	v40 =	vimm.f32 $-Inf;
	v36 =	vimm.f32 $-Inf;
	v37 =	vimm.f32 $-Inf;
	[sflag:s21] =	ssyncadd.s32 $0xFFFFFF80  }
.LBB2_46:
0x36c: {  	p1 =	sne.s32 s28, $0x1  }
0x36d: {  	[tilespmem:$0x10480] =	vst @!p1 v37  }
0x36e: {  	[tilespmem:$0x10490] =	vst @!p1 v36  }
0x36f: {  	[tilespmem:$0x104A0] =	vst @!p1 v40  }
0x370: {  	[tilespmem:$0x104B0] =	vst @!p1 v39  }
0x371: {  	[tilespmem:$0x104C0] =	vst @!p1 v38  }
0x372: {  	[tilespmem:$0x104D0] =	vst @!p1 v35;
	s0 =	sshll.u32 @!p1 s30, $0x4  }
0x373: {  	[tilespmem:$0x104E0] =	vst @!p1 v34;
	s0 =	sand.u32 @!p1 $0x1FFFFFF0, s0  }
0x374: {  	[tilespmem:$0x104F0] =	vst @!p1 v33;
	s2 =	simm.s32 @!p1 $0x0;
	s8 =	simm.s32 @!p1 $0x10480;
	s0 =	sadd.s32 @!p1 s4, s0  }
0x375: {  	[hbm4b:s0+s2] =	stream.linear.scatter @!p1 [tilespmem:s8], [sflag:$0x4], $0x80, $0x38;
	[tilespmem:$0x10A00] =	vst v63  }
0x376: {  	s2 =	sadd.s32 @!p1 $0x1, s30  }
0x377: {  	p2 =	sgt.s32 @!p1 s2, $0x270F  }
0x378: {  	p2 =	por p1, p2  }
.Ltmp36:
0x379: {  	_ = 	snop;
	(pc) =	sbr.rel @p2 .LBB2_50-.Ltmp36, $4  }
0x37a: {  	s0 =	simm.s32 @!p1 $0x4  }
0x37b: {  	_ =	swait.ge @!p1 [sflag:s0], $0x80  }
0x37c: {  	[sflag:s0] =	ssyncset.done @!p1 $0x0  }
0x37d: {  	[sflag:s0] =	ssyncadd.s32 @!p1 $0xFFFFFF80  }
0x37e: {  	s8 =	ssub.s32 $0x270F, s30  }
0x37f: {  	s0 =	sshll.u32 s30, $0x4;
	p1 =	sne.s32 s8, $0x1  }
.Ltmp37:
0x380: {  	s2 =	sadd.s32 $0x10, s0;
	(pc) =	sbr.rel @!p1 .LBB2_49-.Ltmp37, $4  }
0x381: {  	s0 =	sand.u32 $0x1FFFFFF0, s2  }
0x382: {  	s0 =	sadd.s32 s4, s0  }
0x383: {  	[hbm4b:s0+s6] =	stream.linear.scatter [tilespmem:s20], [sflag:$0x4], $0x80, $0x38;
	[tilespmem:$0x10A00] =	vst v63  }
0x384: {  	s2 =	sadd.s32 $0x10, s2;
	s0 =	sadd.s32 $0xFFFFFFFF, s8;
	_ =	swait.ge [sflag:s21], $0x80  }
.LBB2_48:
0x385: {  	s8 =	sand.u32 $0x1FFFFFF0, s2;
	[sflag:s21] =	ssyncset.done $0x0;
	p1 =	sne.s32 s0, $0x1  }
.Ltmp38:
0x386: {  	s8 =	sadd.s32 s4, s8;
	[sflag:s21] =	ssyncadd.s32 $0xFFFFFF80;
	(pc) =	sbr.rel @p1 .LBB2_48-.Ltmp38, $3  }
0x387: {  	[hbm4b:s8+s6] =	stream.linear.scatter [tilespmem:s20], [sflag:$0x4], $0x80, $0x38;
	[tilespmem:$0x10A00] =	vst v63  }
0x388: {  	s0 =	sadd.s32 $0xFFFFFFFF, s0;
	_ =	sdelay $0x1  }
0x389: {  	s2 =	sadd.s32 $0x10, s2;
	_ =	swait.ge [sflag:s21], $0x80  }
.LBB2_49:
0x38a: {  	[sflag:s21] =	ssyncset.done $0x0  }
0x38b: {  	[sflag:s21] =	ssyncadd.s32 $0xFFFFFF80  }
.LBB2_50:
0x38c: {  	s0 =	sand.u32 $0x7, s24  }
0x38d: {  	p1 =	seq.s32 s0, $0x0  }
.Ltmp39:
0x38e: {  	_ = 	snop;
	(pc) =	sbr.rel @p1 .LBB2_54-.Ltmp39, $1  }
0x38f: {  	_ =	sdelay $0x3  }
0x390: {  	p1 =	sne.s32 s0, $0x1  }
.Ltmp40:
0x391: {  	_ = 	snop;
	(pc) =	sbr.rel @!p1 .LBB2_53-.Ltmp40, $3  }
0x392: {  	_ =	sdelay $0x1  }
0x393: {  	_ =	swait.ge [sflag:s22], $0x80  }
0x394: {  	s0 =	sadd.s32 $0xFFFFFFFF, s0;
	[sflag:s22] =	ssyncset.done $0x0  }
.LBB2_52:
0x395: {  	p1 =	sne.s32 s0, $0x1;
	s0 =	sadd.s32 $0xFFFFFFFF, s0;
	[sflag:s22] =	ssyncadd.s32 $0xFFFFFF80  }
.Ltmp41:
0x396: {  	(pc) =	sbr.rel @p1 .LBB2_52-.Ltmp41, $3  }
0x397: {  	_ =	sdelay $0x1  }
0x398: {  	_ =	swait.ge [sflag:s22], $0x80  }
0x399: {  	[sflag:s22] =	ssyncset.done $0x0  }
.Ltmp42:
0x39a: {  	_ = 	snop;
	(pc) =	sbr.rel .LBB2_53-.Ltmp42, $1  }
0x39b: {  	_ =	sdelay $0x3  }
.LBB2_55:
0x39c: {  	_ =	sfence.sel $0x180000  }
0x39d: {  	[bflag:$0x0] =	sbarrier.arrive $0xFFFF  }
0x39e: {  	_ =	strace $0x90000047  }
0x39f: {  	s0 =	stileid.u32;
	[bflag:$0x2] =	sbarrier.arrive $0xFFFF  }
0x3a0: {  	p0 =	sne.s32 s0, $0x0;
	s0 =	rddreg [dreg:$0x3]  }
0x3a1: {  	s0 =	sadd.s32 @!p0 $0x100000, s0  }
0x3a2: {  	[sflag:s0] =	ssyncadd.tile.s32 @!p0 $0x1;
	_ =	shalt  }
.Lfunc_end2:
_tile_overlayer_lowered:
.L_overlay_start_2:
0x3a3: {  	(tag) =	ssettag $0x2  }
0x3a4: {  	s0 =	rddreg [dreg:$0x0];
	s2 =	stileid.u32  }
0x3a5: {  	s1 =	rddreg [dreg:$0x1];
	p0 =	sne.s32 s2, $0x0  }
0x3a6: {  	s3 =	rddreg [dreg:$0x2];
	[bflag:$0x3] =	sbarrier.arrive $0xFFFF;
	s2 =	simm.s32 @!p0 $0x1C04  }
0x3a7: {  	[timem:s3], [sflag:s2] =	dma.local @!p0 [hbm:s0], s1  }
0x3a8: {  	s0 =	simm.s32 @!p0 $0x4  }
0x3a9: {  	_ =	swait.ge @!p0 [sflag:s0], s1  }
0x3aa: {  	s1 =	ssub.s32 @!p0 $0x0, s1;
	[sflag:s0] =	ssyncset.done @!p0 $0x0  }
0x3ab: {  	[sflag:s0] =	ssyncadd.s32 @!p0 s1  }
0x3ac: {  	[bflag:$0x3] =	sbarrier.arrive $0xFFFF  }
0x3ad: {  	_ =	shalt  }

</sc_bundles>
